<compile_context>
chip_gen: v7x
topology: tpu7x:2x2x1
jax: 0.10.2.dev20260603
libtpu: 0.0.44.dev20260713+nightly
codegen_flags: <defaults>
</compile_context>

<pallas_src>
import functools

import jax
import jax.numpy as jnp
from jax import lax
from jax.experimental import pallas as pl
from jax.experimental.pallas import tpu as pltpu
from jax.experimental.pallas import tpu_sc as plsc

_K = 100
_CAP = 128
_SCALE_F = 4.0
_THRESH_F = 0.01
_CB = 16
_B, _C, _H, _W = 8, 80, 256, 256
_ROWS = _C * _H
_NGRP = _C
_BIGI_VAL = 2 ** 30



def _tc_common(x):
    ninf_row = jnp.full((_CB, 1, _W), -jnp.inf, jnp.float32)
    up = jnp.concatenate([ninf_row, x[:, :-1, :]], axis=1)
    dn = jnp.concatenate([x[:, 1:, :], ninf_row], axis=1)
    v = jnp.maximum(jnp.maximum(up, x), dn)
    ninf_col = jnp.full((_CB, _H, 1), -jnp.inf, jnp.float32)
    lf = jnp.concatenate([ninf_col, v[:, :, :-1]], axis=2)
    rt = jnp.concatenate([v[:, :, 1:], ninf_col], axis=2)
    pooled = jnp.maximum(jnp.maximum(lf, v), rt)
    return jnp.where(pooled == x, x, 0.0)


def _tc_body(hm_ref, sup_ref, rmax_ref):
    sup = _tc_common(hm_ref[0])
    sup_ref[0] = sup
    rmax_ref[0] = jnp.max(sup, axis=-1)


_stage1 = pl.pallas_call(
    _tc_body,
    grid=(_B, _C // _CB),
    in_specs=[pl.BlockSpec((1, _CB, _H, _W), lambda b, c: (b, c, 0, 0))],
    out_specs=[
        pl.BlockSpec((1, _CB, _H, _W), lambda b, c: (b, c, 0, 0)),
        pl.BlockSpec((1, _CB, _H), lambda b, c: (b, c, 0)),
    ],
    out_shape=[
        jax.ShapeDtypeStruct((_B, _C, _H, _W), jnp.float32),
        jax.ShapeDtypeStruct((_B, _C, _H), jnp.float32),
    ],
)



def _sc_body(rmax_hbm, sup_hbm, off_hbm, wh_hbm,
             ids_hbm, sc_hbm, bb_hbm,
             rmax_v, cmax_v, gmax_v, cval_v, crow_v, rows_v, ccol_v,
             idx_v, idx2_v, wrk_v,
             xf_v, yf_v, idf_v, sp_v, scv_v, ga_v, gb_v, gc_v, gd_v, bb_v,
             sem):
    wid = lax.axis_index("s") * 2 + lax.axis_index("c")

    @pl.when(wid < _B)
    def _():
        b = wid
        iot = lax.iota(jnp.int32, 16)
        lane0 = iot == 0
        ninf16 = jnp.full((16,), -jnp.inf, jnp.float32)
        _BIGI = jnp.int32(_BIGI_VAL)

        def spl_i(s):
            return jnp.full((16,), s, jnp.int32)

        def spl_f(s):
            return jnp.full((16,), s, jnp.float32)

        pltpu.sync_copy(rmax_hbm.at[b], rmax_v)

        @plsc.parallel_loop(0, _ROWS // 16, unroll=8)
        def _cpre(c):
            m = jnp.max(plsc.load_gather(rmax_v, [c * 16 + iot]))
            plsc.store_scatter(cmax_v, [spl_i(c)], spl_f(m), mask=lane0)

        @plsc.parallel_loop(0, _NGRP, unroll=8)
        def _gpre(g):
            m = jnp.max(plsc.load_gather(cmax_v, [g * 16 + iot]))
            plsc.store_scatter(gmax_v, [spl_i(g)], spl_f(m), mask=lane0)

        for t in range(_CAP // 16):
            cval_v[pl.ds(t * 16, 16)] = ninf16
            crow_v[pl.ds(t * 16, 16)] = jnp.zeros((16,), jnp.int32)

        def row_step(k, carry):
            def smfg(t, carry):
                mx, gid = carry
                v = gmax_v[pl.ds(t * 16, 16)]
                gid = jnp.where(v > mx, iot + t * 16, gid)
                return (jnp.maximum(mx, v), gid)
            mx, gid = lax.fori_loop(
                0, _NGRP // 16, smfg,
                (ninf16, jnp.full((16,), _BIGI_VAL, jnp.int32)), unroll=True)
            m = jnp.max(mx)
            g = jnp.min(jnp.where(mx == m, gid, _BIGI))

            cs = plsc.load_gather(cmax_v, [g * 16 + iot])
            c = g * 16 + jnp.min(jnp.where(cs == m, iot, _BIGI))

            rs = plsc.load_gather(rmax_v, [c * 16 + iot])
            r = c * 16 + jnp.min(jnp.where(rs == m, iot, _BIGI))

            plsc.store_scatter(cval_v, [spl_i(k)], spl_f(m), mask=lane0)
            plsc.store_scatter(crow_v, [spl_i(k)], spl_i(r), mask=lane0)
            plsc.store_scatter(rmax_v, [spl_i(r)], spl_f(-1.0), mask=lane0)

            nc = jnp.max(plsc.load_gather(rmax_v, [c * 16 + iot]))
            plsc.store_scatter(cmax_v, [spl_i(c)], spl_f(nc), mask=lane0)
            ng = jnp.max(plsc.load_gather(cmax_v, [g * 16 + iot]))
            plsc.store_scatter(gmax_v, [spl_i(g)], spl_f(ng), mask=lane0)
            return carry
        lax.fori_loop(0, _K, row_step, 0)

        for t in range(_CAP // 16):
            idx_v[pl.ds(t * 16, 16)] = crow_v[pl.ds(t * 16, 16)] + b * _ROWS
        pltpu.async_copy(sup_hbm.at[idx_v], rows_v, sem).wait()

        for t in range(_CAP // 16):
            wrk_v[pl.ds(t * 16, 16)] = cval_v[pl.ds(t * 16, 16)]

        @plsc.parallel_loop(0, _K * 16, unroll=8)
        def _colpre(i):
            j = i >> 4
            c = i & 15
            m = jnp.max(plsc.load_gather(rows_v, [spl_i(j), c * 16 + iot]))
            plsc.store_scatter(ccol_v, [spl_i(i)], spl_f(m), mask=lane0)

        def el_step(k, carry):
            def smkm(t, carry):
                mx, key = carry
                wv = wrk_v[pl.ds(t * 16, 16)]
                rv = crow_v[pl.ds(t * 16, 16)]
                nkey = rv * _CAP + (iot + t * 16)
                key = jnp.where(wv > mx, nkey,
                                jnp.where(wv == mx,
                                          jnp.minimum(key, nkey), key))
                return (jnp.maximum(mx, wv), key)
            mx, key = lax.fori_loop(
                0, _CAP // 16, smkm,
                (ninf16, jnp.full((16,), _BIGI_VAL, jnp.int32)), unroll=True)
            m = jnp.max(mx)
            keymin = jnp.min(jnp.where(mx == m, key, _BIGI))
            rmin = keymin // _CAP
            j = keymin - rmin * _CAP

            cs = plsc.load_gather(ccol_v, [j * 16 + iot])
            c = jnp.min(jnp.where(cs == m, iot, _BIGI))

            vs = plsc.load_gather(rows_v, [spl_i(j), c * 16 + iot])
            x = c * 16 + jnp.min(jnp.where(vs == m, iot, _BIGI))

            plsc.store_scatter(rows_v, [spl_i(j), spl_i(x)],
                               spl_f(-jnp.inf), mask=lane0)
            ncm = jnp.max(plsc.load_gather(rows_v, [spl_i(j), c * 16 + iot]))
            plsc.store_scatter(ccol_v, [spl_i(j * 16 + c)], spl_f(ncm),
                               mask=lane0)
            nm = jnp.max(plsc.load_gather(ccol_v, [j * 16 + iot]))
            plsc.store_scatter(wrk_v, [spl_i(j)], spl_f(nm), mask=lane0)

            ch = rmin // 256
            y = rmin - ch * 256
            sp = y * 256 + x
            plsc.store_scatter(scv_v, [spl_i(k)], spl_f(m), mask=lane0)
            plsc.store_scatter(idf_v, [spl_i(k)],
                               spl_i(ch).astype(jnp.float32), mask=lane0)
            plsc.store_scatter(xf_v, [spl_i(k)],
                               spl_i(x).astype(jnp.float32), mask=lane0)
            plsc.store_scatter(yf_v, [spl_i(k)],
                               spl_i(y).astype(jnp.float32), mask=lane0)
            plsc.store_scatter(sp_v, [spl_i(k)], spl_i(sp), mask=lane0)
            return carry
        lax.fori_loop(0, _K, el_step, 0)

        for t in range(_CAP // 16):
            base = t * 16 + iot
            pad = base >= _K
            plsc.store_scatter(scv_v, [base], spl_f(-1.0), mask=pad)
            plsc.store_scatter(idf_v, [base], spl_f(-1.0), mask=pad)
            plsc.store_scatter(xf_v, [base], spl_f(0.0), mask=pad)
            plsc.store_scatter(yf_v, [base], spl_f(0.0), mask=pad)
            plsc.store_scatter(sp_v, [base], spl_i(0), mask=pad)

        for t in range(_CAP // 16):
            s = pl.ds(t * 16, 16)
            base = sp_v[s] + b * (2 * _H * _W)
            idx_v[s] = base
            idx2_v[s] = base + _H * _W
        pltpu.async_copy(off_hbm.at[idx_v], ga_v, sem).wait()
        pltpu.async_copy(off_hbm.at[idx2_v], gb_v, sem).wait()
        pltpu.async_copy(wh_hbm.at[idx_v], gc_v, sem).wait()
        pltpu.async_copy(wh_hbm.at[idx2_v], gd_v, sem).wait()

        for t in range(_CAP // 16):
            s = pl.ds(t * 16, 16)
            sc = scv_v[s]
            msk = sc > _THRESH_F
            xs = xf_v[s] + ga_v[s]
            ys = yf_v[s] + gb_v[s]
            hw = gc_v[s] * 0.5
            hh = gd_v[s] * 0.5
            xmin = jnp.where(msk, xs - hw, -1.0) * _SCALE_F
            ymin = jnp.where(msk, ys - hh, -1.0) * _SCALE_F
            xmax = jnp.where(msk, xs + hw, -1.0) * _SCALE_F
            ymax = jnp.where(msk, ys + hh, -1.0) * _SCALE_F
            idf_v[s] = jnp.where(msk, idf_v[s], -1.0)
            scv_v[s] = jnp.where(msk, sc, -1.0)
            rows16 = t * 16 + iot
            plsc.store_scatter(bb_v, [rows16, spl_i(0)], xmin)
            plsc.store_scatter(bb_v, [rows16, spl_i(1)], ymin)
            plsc.store_scatter(bb_v, [rows16, spl_i(2)], xmax)
            plsc.store_scatter(bb_v, [rows16, spl_i(3)], ymax)

        pltpu.sync_copy(idf_v, ids_hbm.at[b])
        pltpu.sync_copy(scv_v, sc_hbm.at[b])
        pltpu.sync_copy(bb_v, bb_hbm.at[b])


def _make_sc_call():
    return functools.partial(
        pl.kernel,
        mesh=plsc.VectorSubcoreMesh(core_axis_name="c", subcore_axis_name="s"),
        compiler_params=pltpu.CompilerParams(needs_layout_passes=False),
        out_type=[
            jax.ShapeDtypeStruct((_B, _CAP), jnp.float32),
            jax.ShapeDtypeStruct((_B, _CAP), jnp.float32),
            jax.ShapeDtypeStruct((_B, _CAP, 4), jnp.float32),
        ],
        scratch_types=[
            pltpu.VMEM((_ROWS,), jnp.float32),
            pltpu.VMEM((_ROWS // 16,), jnp.float32),
            pltpu.VMEM((_NGRP,), jnp.float32),
            pltpu.VMEM((_CAP,), jnp.float32),
            pltpu.VMEM((_CAP,), jnp.int32),
            pltpu.VMEM((_CAP, _W), jnp.float32),
            pltpu.VMEM((_CAP * 16,), jnp.float32),
            pltpu.VMEM((_CAP,), jnp.int32),
            pltpu.VMEM((_CAP,), jnp.int32),
            pltpu.VMEM((_CAP,), jnp.float32),
            pltpu.VMEM((_CAP,), jnp.float32),
            pltpu.VMEM((_CAP,), jnp.float32),
            pltpu.VMEM((_CAP,), jnp.float32),
            pltpu.VMEM((_CAP,), jnp.int32),
            pltpu.VMEM((_CAP,), jnp.float32),
            pltpu.VMEM((_CAP,), jnp.float32),
            pltpu.VMEM((_CAP,), jnp.float32),
            pltpu.VMEM((_CAP,), jnp.float32),
            pltpu.VMEM((_CAP,), jnp.float32),
            pltpu.VMEM((_CAP, 4), jnp.float32),
            pltpu.SemaphoreType.DMA,
        ],
    )(_sc_body)


def kernel(heatmap, offset, wh):
    sup, rmax = _stage1(heatmap)
    supf = sup.reshape(_B * _ROWS, _W)
    rmax2 = rmax.reshape(_B, _ROWS)
    offf = offset.reshape(-1)
    whf = wh.reshape(-1)
    ids8, sc8, bb8 = _make_sc_call()(rmax2, supf, offf, whf)
    ids = ids8[:, :_K, None]
    scores = sc8[:, :_K, None]
    bboxes = bb8[:, :_K, :]
    return (ids, scores, bboxes)

# --- scband reference (transcript-rebuilt; emitter-appended) ---
"""Pipeline reference for scband-prediction-35579509080741 (READ-ONLY COPY).

The authoritative reference and input builder live on the scoring server;
editing this copy changes nothing except your own understanding.
"""

import jax, jax.numpy as jnp
import numpy as np

TOPK = 100
SCALE = 4.0
THRESH = 0.01


def setup_inputs(seed: int = 0) -> dict:
    key = jax.random.key(seed)
    k1, k2, k3 = jax.random.split(key, 3)
    heatmap = jax.random.uniform(k1, (8, 80, 256, 256), dtype=jnp.float32)
    offset = jax.random.uniform(k2, (8, 2, 256, 256), dtype=jnp.float32)
    wh = jax.random.uniform(k3, (8, 2, 256, 256), dtype=jnp.float32)
    return {"heatmap": heatmap, "offset": offset, "wh": wh}


def _forward(heatmap, offset, wh):
    # 3x3 max-pool, stride 1, padding 1 (peak NMS)
    pooled = jax.lax.reduce_window(
        heatmap, -jnp.inf, jax.lax.max,
        window_dimensions=(1, 1, 3, 3),
        window_strides=(1, 1, 1, 1),
        padding=((0, 0), (0, 0), (1, 1), (1, 1)))
    keep = (pooled == heatmap).astype(heatmap.dtype)
    hm = keep * heatmap
    batch, channel, height, width = hm.shape
    hm_resize = hm.reshape(batch, -1)
    scores, indices = jax.lax.top_k(hm_resize, TOPK)  # sorted, largest
    scores = scores[:, :, None]
    ids = (indices // (height * width)).astype(jnp.float32)[:, :, None]

    offset_r = jnp.transpose(offset, (0, 2, 3, 1)).reshape(batch, -1, 2)
    wh_r = jnp.transpose(wh, (0, 2, 3, 1)).reshape(batch, -1, 2)

    topk_indices = jnp.mod(indices, height * width)
    topk_ys = topk_indices // width
    topk_xs = jnp.mod(topk_indices, width)

    batch_indices = jnp.arange(batch)[:, None]
    batch_indices = jnp.repeat(batch_indices, TOPK, axis=-1)  # (B, topk)
    b_flat = batch_indices.reshape(-1)
    idx_flat = topk_indices.reshape(-1)

    # equivalent to torch's offset[offset_xs[0], offset_xs[1], offset_xs[2]]
    xs = offset_r[b_flat, idx_flat, 0].reshape(-1, TOPK)
    ys = offset_r[b_flat, idx_flat, 1].reshape(-1, TOPK)
    topk_xs = topk_xs.astype(jnp.float32) + xs
    topk_ys = topk_ys.astype(jnp.float32) + ys

    w = wh_r[b_flat, idx_flat, 0].reshape(-1, TOPK)
    h = wh_r[b_flat, idx_flat, 1].reshape(-1, TOPK)
    half_w = w / 2
    half_h = h / 2
    bboxes = jnp.concatenate([
        (topk_xs - half_w)[:, :, None],
        (topk_ys - half_h)[:, :, None],
        (topk_xs + half_w)[:, :, None],
        (topk_ys + half_h)[:, :, None]], axis=-1)

    except_mask = scores > THRESH
    ids = jnp.where(except_mask, ids, jnp.ones_like(ids) * -1)
    scores = jnp.where(except_mask, scores, jnp.ones_like(scores) * -1)
    xmin = jnp.where(except_mask, bboxes[:, :, 0:1], jnp.ones_like(bboxes[:, :, 0:1]) * -1)
    ymin = jnp.where(except_mask, bboxes[:, :, 1:2], jnp.ones_like(bboxes[:, :, 1:2]) * -1)
    xmax = jnp.where(except_mask, bboxes[:, :, 2:3], jnp.ones_like(bboxes[:, :, 2:3]) * -1)
    ymax = jnp.where(except_mask, bboxes[:, :, 3:4], jnp.ones_like(bboxes[:, :, 3:4]) * -1)
    bboxes = jnp.concatenate([xmin, ymin, xmax, ymax], axis=-1)
    return (ids, scores, bboxes * SCALE)


def reference(heatmap, offset, wh):
    return _forward(heatmap, offset, wh)

if __name__ == "__main__":
    import jax
    _d = setup_inputs()
    print(jax.jit(kernel)(*tuple(_d.values())))

</pallas_src>

<mosaic_0001>
#map = affine_map<(d0, d1) -> (0, 0)>
#map1 = affine_map<(d0, d1) -> (0)>
#map2 = affine_map<(d0, d1) -> (0, 0, 0)>
module attributes {stable_mosaic.version = 14 : i64} {
  func.func @_sc_body(%arg0: i32, %arg1: i32, %arg2: memref<8x20480xf32, #tpu.memory_space<hbm>>, %arg3: memref<163840x256xf32, #tpu.memory_space<hbm>>, %arg4: memref<1048576xf32, #tpu.memory_space<hbm>>, %arg5: memref<1048576xf32, #tpu.memory_space<hbm>>, %arg6: memref<8x128xf32, #tpu.memory_space<hbm>>, %arg7: memref<8x128xf32, #tpu.memory_space<hbm>>, %arg8: memref<8x128x4xf32, #tpu.memory_space<hbm>>, %arg9: memref<20480xf32, #tpu.memory_space<vmem>>, %arg10: memref<1280xf32, #tpu.memory_space<vmem>>, %arg11: memref<80xf32, #tpu.memory_space<vmem>>, %arg12: memref<128xf32, #tpu.memory_space<vmem>>, %arg13: memref<128xi32, #tpu.memory_space<vmem>>, %arg14: memref<128x256xf32, #tpu.memory_space<vmem>>, %arg15: memref<2048xf32, #tpu.memory_space<vmem>>, %arg16: memref<128xi32, #tpu.memory_space<vmem>>, %arg17: memref<128xi32, #tpu.memory_space<vmem>>, %arg18: memref<128xf32, #tpu.memory_space<vmem>>, %arg19: memref<128xf32, #tpu.memory_space<vmem>>, %arg20: memref<128xf32, #tpu.memory_space<vmem>>, %arg21: memref<128xf32, #tpu.memory_space<vmem>>, %arg22: memref<128xi32, #tpu.memory_space<vmem>>, %arg23: memref<128xf32, #tpu.memory_space<vmem>>, %arg24: memref<128xf32, #tpu.memory_space<vmem>>, %arg25: memref<128xf32, #tpu.memory_space<vmem>>, %arg26: memref<128xf32, #tpu.memory_space<vmem>>, %arg27: memref<128xf32, #tpu.memory_space<vmem>>, %arg28: memref<128x4xf32, #tpu.memory_space<vmem>>, %arg29: memref<!tpu.dma_semaphore, #tpu.memory_space<semaphore_mem>>) attributes {dimension_semantics = [#tpu.dimension_semantics<core_parallel>, #tpu.dimension_semantics<subcore_parallel>], iteration_bounds = array<i64: 2, 16>, scalar_prefetch = 0 : i64, scratch_operands = 21 : i64, tpu.core_type = #tpu.core_type<sc_vector_subcore>, window_params = [{transform_indices = #map}, {transform_indices = #map}, {transform_indices = #map1}, {transform_indices = #map1}, {transform_indices = #map}, {transform_indices = #map}, {transform_indices = #map2}]} {
    %mul3A = arith.constant 2 : i32
    %mul3A_0 = arith.muli %arg1, %mul3A : i32
    %add3A = arith.addi %mul3A_0, %arg0 : i32
    %lt3A = arith.constant 8 : i32
    %lt3A_1 = arith.cmpi slt, %add3A, %lt3A : i32
    %convert_element_type3A = arith.extui %lt3A_1 : i1 to i32
    %cond3A = arith.constant 0 : i32
    %cond3A_2 = arith.cmpi ne, %convert_element_type3A, %cond3A : i32
    scf.if %cond3A_2 {
      %iota3A = tpu.iota {dimensions = array<i32: 0>} : vector<16xi32>
      %eq3A = arith.constant 0 : i32
      %eq3A_3 = vector.broadcast %eq3A : i32 to vector<16xi32>
      %eq3A_4 = arith.cmpi eq, %iota3A, %eq3A_3 : vector<16xi32>
      %broadcast_in_dim3A = arith.constant 0xFF800000 : f32
      %broadcast_in_dim3A_5 = vector.broadcast %broadcast_in_dim3A : f32 to vector<16xf32>
      "tpu.region"() ({
        %run_scoped3A = tpu.sem_alloc : memref<!tpu.dma_semaphore, #tpu.memory_space<semaphore_mem>>
        %dma_start3A_1024 = arith.constant 0 : i32
        %dma_start3A_1025 = tpu.memref_slice %arg2[%add3A, %dma_start3A_1024] : memref<8x20480xf32, #tpu.memory_space<hbm>> -> memref<1x20480xf32, #tpu.memory_space<hbm>>
        %dma_start3A_1026 = tpu.memref_squeeze %dma_start3A_1025 : memref<1x20480xf32, #tpu.memory_space<hbm>> -> memref<20480xf32, #tpu.memory_space<hbm>>
        %dma_start3A_1027 = arith.constant 0 : i32
        %dma_start3A_1028 = tpu.memref_slice %arg2[%add3A, %dma_start3A_1027] : memref<8x20480xf32, #tpu.memory_space<hbm>> -> memref<1x20480xf32, #tpu.memory_space<hbm>>
        %dma_start3A_1029 = tpu.memref_squeeze %dma_start3A_1028 : memref<1x20480xf32, #tpu.memory_space<hbm>> -> memref<20480xf32, #tpu.memory_space<hbm>>
        tpu.enqueue_dma source(%dma_start3A_1029 : memref<20480xf32, #tpu.memory_space<hbm>>) target(%arg9 : memref<20480xf32, #tpu.memory_space<vmem>>) target_semaphore(%run_scoped3A : memref<!tpu.dma_semaphore, #tpu.memory_space<semaphore_mem>>)
        %dma_wait3A_1030 = arith.constant 0 : i32
        %dma_wait3A_1031 = tpu.memref_slice %arg2[%add3A, %dma_wait3A_1030] : memref<8x20480xf32, #tpu.memory_space<hbm>> -> memref<1x20480xf32, #tpu.memory_space<hbm>>
        %dma_wait3A_1032 = tpu.memref_squeeze %dma_wait3A_1031 : memref<1x20480xf32, #tpu.memory_space<hbm>> -> memref<20480xf32, #tpu.memory_space<hbm>>
        %dma_wait3A_1033 = arith.constant 0 : i32
        %dma_wait3A_1034 = tpu.memref_slice %arg2[%add3A, %dma_wait3A_1033] : memref<8x20480xf32, #tpu.memory_space<hbm>> -> memref<1x20480xf32, #tpu.memory_space<hbm>>
        %dma_wait3A_1035 = tpu.memref_squeeze %dma_wait3A_1034 : memref<1x20480xf32, #tpu.memory_space<hbm>> -> memref<20480xf32, #tpu.memory_space<hbm>>
        tpu.wait_dma2 semaphore(%run_scoped3A : memref<!tpu.dma_semaphore, #tpu.memory_space<semaphore_mem>>) src(%dma_wait3A_1035 : memref<20480xf32, #tpu.memory_space<hbm>>) dst(%arg9 : memref<20480xf32, #tpu.memory_space<vmem>>)
        tpu.yield
      }) : () -> ()
      %parallel_loop3A = arith.constant 0 : i32
      %parallel_loop3A_6 = arith.constant 1280 : i32
      %parallel_loop3A_7 = arith.constant 1 : i32
      scf.for %parallel_loop3A_1024 = %parallel_loop3A to %parallel_loop3A_6 step %parallel_loop3A_7  : i32 {
        %parallel_loop3A_1025 = arith.constant 16 : i32
        %parallel_loop3A_1026 = arith.muli %parallel_loop3A_1024, %parallel_loop3A_1025 : i32
        %parallel_loop3A_1027 = vector.broadcast %parallel_loop3A_1026 : i32 to vector<16xi32>
        %parallel_loop3A_1028 = arith.addi %parallel_loop3A_1027, %iota3A : vector<16xi32>
        %parallel_loop3A_1029 = tpu.vector_load_idx %arg9[%parallel_loop3A_1028] : memref<20480xf32, #tpu.memory_space<vmem>>[vector<16xi32>], vector<16xf32>,
        %parallel_loop3A_1030 = arith.constant true
        %parallel_loop3A_1031 = vector.broadcast %parallel_loop3A_1030 : i1 to vector<16xi1>
        %parallel_loop3A_1032 = tpu.scan <max>, %parallel_loop3A_1029 masked %parallel_loop3A_1031 : vector<16xf32>, vector<16xi1> -> vector<16xf32>
        %parallel_loop3A_1033 = vector.extract %parallel_loop3A_1032[15] : f32 from vector<16xf32>
        %parallel_loop3A_1034 = vector.broadcast %parallel_loop3A_1024 : i32 to vector<16xi32>
        %parallel_loop3A_1035 = vector.broadcast %parallel_loop3A_1033 : f32 to vector<16xf32>
        tpu.vector_store_idx %arg10[%parallel_loop3A_1034], %parallel_loop3A_1035 masked %eq3A_4 : memref<1280xf32, #tpu.memory_space<vmem>>[vector<16xi32>], vector<16xf32>, vector<16xi1>
      } {sc.loop_unroll_factor = 8 : i64, sc.parallel_access}
      %parallel_loop3A_8 = arith.constant 0 : i32
      %parallel_loop3A_9 = arith.constant 80 : i32
      %parallel_loop3A_10 = arith.constant 1 : i32
      scf.for %parallel_loop3A_1024 = %parallel_loop3A_8 to %parallel_loop3A_9 step %parallel_loop3A_10  : i32 {
        %parallel_loop3A_1025 = arith.constant 16 : i32
        %parallel_loop3A_1026 = arith.muli %parallel_loop3A_1024, %parallel_loop3A_1025 : i32
        %parallel_loop3A_1027 = vector.broadcast %parallel_loop3A_1026 : i32 to vector<16xi32>
        %parallel_loop3A_1028 = arith.addi %parallel_loop3A_1027, %iota3A : vector<16xi32>
        %parallel_loop3A_1029 = tpu.vector_load_idx %arg10[%parallel_loop3A_1028] : memref<1280xf32, #tpu.memory_space<vmem>>[vector<16xi32>], vector<16xf32>,
        %parallel_loop3A_1030 = arith.constant true
        %parallel_loop3A_1031 = vector.broadcast %parallel_loop3A_1030 : i1 to vector<16xi1>
        %parallel_loop3A_1032 = tpu.scan <max>, %parallel_loop3A_1029 masked %parallel_loop3A_1031 : vector<16xf32>, vector<16xi1> -> vector<16xf32>
        %parallel_loop3A_1033 = vector.extract %parallel_loop3A_1032[15] : f32 from vector<16xf32>
        %parallel_loop3A_1034 = vector.broadcast %parallel_loop3A_1024 : i32 to vector<16xi32>
        %parallel_loop3A_1035 = vector.broadcast %parallel_loop3A_1033 : f32 to vector<16xf32>
        tpu.vector_store_idx %arg11[%parallel_loop3A_1034], %parallel_loop3A_1035 masked %eq3A_4 : memref<80xf32, #tpu.memory_space<vmem>>[vector<16xi32>], vector<16xf32>, vector<16xi1>
      } {sc.loop_unroll_factor = 8 : i64, sc.parallel_access}
      %swap3A = arith.constant 0 : index
      %swap3A_11 = tpu.vector_load %arg12[%swap3A] {strides = array<i32>} : memref<128xf32, #tpu.memory_space<vmem>>, vector<16xf32>,
      tpu.vector_store %arg12[%swap3A], %broadcast_in_dim3A_5 {strides = array<i32>} : memref<128xf32, #tpu.memory_space<vmem>>, vector<16xf32>,
      %broadcast_in_dim3A_12 = arith.constant 0 : i32
      %broadcast_in_dim3A_13 = vector.broadcast %broadcast_in_dim3A_12 : i32 to vector<16xi32>
      %swap3A_14 = arith.constant 0 : index
      %swap3A_15 = tpu.vector_load %arg13[%swap3A_14] {strides = array<i32>} : memref<128xi32, #tpu.memory_space<vmem>>, vector<16xi32>,
      tpu.vector_store %arg13[%swap3A_14], %broadcast_in_dim3A_13 {strides = array<i32>} : memref<128xi32, #tpu.memory_space<vmem>>, vector<16xi32>,
      %swap3A_16 = arith.constant 16 : index
      %swap3A_17 = tpu.vector_load %arg12[%swap3A_16] {strides = array<i32>} : memref<128xf32, #tpu.memory_space<vmem>>, vector<16xf32>,
      tpu.vector_store %arg12[%swap3A_16], %broadcast_in_dim3A_5 {strides = array<i32>} : memref<128xf32, #tpu.memory_space<vmem>>, vector<16xf32>,
      %broadcast_in_dim3A_18 = arith.constant 0 : i32
      %broadcast_in_dim3A_19 = vector.broadcast %broadcast_in_dim3A_18 : i32 to vector<16xi32>
      %swap3A_20 = arith.constant 16 : index
      %swap3A_21 = tpu.vector_load %arg13[%swap3A_20] {strides = array<i32>} : memref<128xi32, #tpu.memory_space<vmem>>, vector<16xi32>,
      tpu.vector_store %arg13[%swap3A_20], %broadcast_in_dim3A_19 {strides = array<i32>} : memref<128xi32, #tpu.memory_space<vmem>>, vector<16xi32>,
      %swap3A_22 = arith.constant 32 : index
      %swap3A_23 = tpu.vector_load %arg12[%swap3A_22] {strides = array<i32>} : memref<128xf32, #tpu.memory_space<vmem>>, vector<16xf32>,
      tpu.vector_store %arg12[%swap3A_22], %broadcast_in_dim3A_5 {strides = array<i32>} : memref<128xf32, #tpu.memory_space<vmem>>, vector<16xf32>,
      %broadcast_in_dim3A_24 = arith.constant 0 : i32
      %broadcast_in_dim3A_25 = vector.broadcast %broadcast_in_dim3A_24 : i32 to vector<16xi32>
      %swap3A_26 = arith.constant 32 : index
      %swap3A_27 = tpu.vector_load %arg13[%swap3A_26] {strides = array<i32>} : memref<128xi32, #tpu.memory_space<vmem>>, vector<16xi32>,
      tpu.vector_store %arg13[%swap3A_26], %broadcast_in_dim3A_25 {strides = array<i32>} : memref<128xi32, #tpu.memory_space<vmem>>, vector<16xi32>,
      %swap3A_28 = arith.constant 48 : index
      %swap3A_29 = tpu.vector_load %arg12[%swap3A_28] {strides = array<i32>} : memref<128xf32, #tpu.memory_space<vmem>>, vector<16xf32>,
      tpu.vector_store %arg12[%swap3A_28], %broadcast_in_dim3A_5 {strides = array<i32>} : memref<128xf32, #tpu.memory_space<vmem>>, vector<16xf32>,
      %broadcast_in_dim3A_30 = arith.constant 0 : i32
      %broadcast_in_dim3A_31 = vector.broadcast %broadcast_in_dim3A_30 : i32 to vector<16xi32>
      %swap3A_32 = arith.constant 48 : index
      %swap3A_33 = tpu.vector_load %arg13[%swap3A_32] {strides = array<i32>} : memref<128xi32, #tpu.memory_space<vmem>>, vector<16xi32>,
      tpu.vector_store %arg13[%swap3A_32], %broadcast_in_dim3A_31 {strides = array<i32>} : memref<128xi32, #tpu.memory_space<vmem>>, vector<16xi32>,
      %swap3A_34 = arith.constant 64 : index
      %swap3A_35 = tpu.vector_load %arg12[%swap3A_34] {strides = array<i32>} : memref<128xf32, #tpu.memory_space<vmem>>, vector<16xf32>,
      tpu.vector_store %arg12[%swap3A_34], %broadcast_in_dim3A_5 {strides = array<i32>} : memref<128xf32, #tpu.memory_space<vmem>>, vector<16xf32>,
      %broadcast_in_dim3A_36 = arith.constant 0 : i32
      %broadcast_in_dim3A_37 = vector.broadcast %broadcast_in_dim3A_36 : i32 to vector<16xi32>
      %swap3A_38 = arith.constant 64 : index
      %swap3A_39 = tpu.vector_load %arg13[%swap3A_38] {strides = array<i32>} : memref<128xi32, #tpu.memory_space<vmem>>, vector<16xi32>,
      tpu.vector_store %arg13[%swap3A_38], %broadcast_in_dim3A_37 {strides = array<i32>} : memref<128xi32, #tpu.memory_space<vmem>>, vector<16xi32>,
      %swap3A_40 = arith.constant 80 : index
      %swap3A_41 = tpu.vector_load %arg12[%swap3A_40] {strides = array<i32>} : memref<128xf32, #tpu.memory_space<vmem>>, vector<16xf32>,
      tpu.vector_store %arg12[%swap3A_40], %broadcast_in_dim3A_5 {strides = array<i32>} : memref<128xf32, #tpu.memory_space<vmem>>, vector<16xf32>,
      %broadcast_in_dim3A_42 = arith.constant 0 : i32
      %broadcast_in_dim3A_43 = vector.broadcast %broadcast_in_dim3A_42 : i32 to vector<16xi32>
      %swap3A_44 = arith.constant 80 : index
      %swap3A_45 = tpu.vector_load %arg13[%swap3A_44] {strides = array<i32>} : memref<128xi32, #tpu.memory_space<vmem>>, vector<16xi32>,
      tpu.vector_store %arg13[%swap3A_44], %broadcast_in_dim3A_43 {strides = array<i32>} : memref<128xi32, #tpu.memory_space<vmem>>, vector<16xi32>,
      %swap3A_46 = arith.constant 96 : index
      %swap3A_47 = tpu.vector_load %arg12[%swap3A_46] {strides = array<i32>} : memref<128xf32, #tpu.memory_space<vmem>>, vector<16xf32>,
      tpu.vector_store %arg12[%swap3A_46], %broadcast_in_dim3A_5 {strides = array<i32>} : memref<128xf32, #tpu.memory_space<vmem>>, vector<16xf32>,
      %broadcast_in_dim3A_48 = arith.constant 0 : i32
      %broadcast_in_dim3A_49 = vector.broadcast %broadcast_in_dim3A_48 : i32 to vector<16xi32>
      %swap3A_50 = arith.constant 96 : index
      %swap3A_51 = tpu.vector_load %arg13[%swap3A_50] {strides = array<i32>} : memref<128xi32, #tpu.memory_space<vmem>>, vector<16xi32>,
      tpu.vector_store %arg13[%swap3A_50], %broadcast_in_dim3A_49 {strides = array<i32>} : memref<128xi32, #tpu.memory_space<vmem>>, vector<16xi32>,
      %swap3A_52 = arith.constant 112 : index
      %swap3A_53 = tpu.vector_load %arg12[%swap3A_52] {strides = array<i32>} : memref<128xf32, #tpu.memory_space<vmem>>, vector<16xf32>,
      tpu.vector_store %arg12[%swap3A_52], %broadcast_in_dim3A_5 {strides = array<i32>} : memref<128xf32, #tpu.memory_space<vmem>>, vector<16xf32>,
      %broadcast_in_dim3A_54 = arith.constant 0 : i32
      %broadcast_in_dim3A_55 = vector.broadcast %broadcast_in_dim3A_54 : i32 to vector<16xi32>
      %swap3A_56 = arith.constant 112 : index
      %swap3A_57 = tpu.vector_load %arg13[%swap3A_56] {strides = array<i32>} : memref<128xi32, #tpu.memory_space<vmem>>, vector<16xi32>,
      tpu.vector_store %arg13[%swap3A_56], %broadcast_in_dim3A_55 {strides = array<i32>} : memref<128xi32, #tpu.memory_space<vmem>>, vector<16xi32>,
      %scan3A = arith.constant 0 : i32
      %scan3A_58 = arith.constant 1073741824 : i32
      %scan3A_59 = arith.constant 0 : i32
      %scan3A_60 = arith.constant 100 : i32
      %scan3A_61 = arith.addi %scan3A_59, %scan3A_60 : i32
      %scan3A_62 = arith.constant 1 : i32
      scf.for %scan3A_1024 = %scan3A_59 to %scan3A_61 step %scan3A_62  : i32 {
        %broadcast_in_dim3A_1025 = arith.constant 1073741824 : i32
        %broadcast_in_dim3A_1026 = vector.broadcast %broadcast_in_dim3A_1025 : i32 to vector<16xi32>
        %scan3A_1027 = arith.constant 0 : i32
        %mul3A_1028 = arith.constant 16 : i32
        %mul3A_1029 = arith.muli %scan3A_1027, %mul3A_1028 : i32
        %get3A_1030 = arith.index_cast %mul3A_1029 : i32 to index
        %get3A_1031 = tpu.vector_load %arg11[%get3A_1030] {strides = array<i32>} : memref<80xf32, #tpu.memory_space<vmem>>, vector<16xf32>,
        %gt3A_1032 = arith.cmpf ogt, %get3A_1031, %broadcast_in_dim3A_5 : vector<16xf32>
        %mul3A_1033 = arith.constant 16 : i32
        %mul3A_1034 = arith.muli %scan3A_1027, %mul3A_1033 : i32
        %add3A_1035 = vector.broadcast %mul3A_1034 : i32 to vector<16xi32>
        %add3A_1036 = arith.addi %iota3A, %add3A_1035 : vector<16xi32>
        %select_n3A_1037 = arith.select %gt3A_1032, %add3A_1036, %broadcast_in_dim3A_1026 : vector<16xi1>, vector<16xi32>
        %max3A = arith.maximumf %broadcast_in_dim3A_5, %get3A_1031 : vector<16xf32>
        %scan3A_1038 = arith.constant 1 : i32
        %mul3A_1039 = arith.constant 16 : i32
        %mul3A_1040 = arith.muli %scan3A_1038, %mul3A_1039 : i32
        %get3A_1041 = arith.index_cast %mul3A_1040 : i32 to index
        %get3A_1042 = tpu.vector_load %arg11[%get3A_1041] {strides = array<i32>} : memref<80xf32, #tpu.memory_space<vmem>>, vector<16xf32>,
        %gt3A_1043 = arith.cmpf ogt, %get3A_1042, %max3A : vector<16xf32>
        %mul3A_1044 = arith.constant 16 : i32
        %mul3A_1045 = arith.muli %scan3A_1038, %mul3A_1044 : i32
        %add3A_1046 = vector.broadcast %mul3A_1045 : i32 to vector<16xi32>
        %add3A_1047 = arith.addi %iota3A, %add3A_1046 : vector<16xi32>
        %select_n3A_1048 = arith.select %gt3A_1043, %add3A_1047, %select_n3A_1037 : vector<16xi1>, vector<16xi32>
        %max3A_1049 = arith.maximumf %max3A, %get3A_1042 : vector<16xf32>
        %scan3A_1050 = arith.constant 2 : i32
        %mul3A_1051 = arith.constant 16 : i32
        %mul3A_1052 = arith.muli %scan3A_1050, %mul3A_1051 : i32
        %get3A_1053 = arith.index_cast %mul3A_1052 : i32 to index
        %get3A_1054 = tpu.vector_load %arg11[%get3A_1053] {strides = array<i32>} : memref<80xf32, #tpu.memory_space<vmem>>, vector<16xf32>,
        %gt3A_1055 = arith.cmpf ogt, %get3A_1054, %max3A_1049 : vector<16xf32>
        %mul3A_1056 = arith.constant 16 : i32
        %mul3A_1057 = arith.muli %scan3A_1050, %mul3A_1056 : i32
        %add3A_1058 = vector.broadcast %mul3A_1057 : i32 to vector<16xi32>
        %add3A_1059 = arith.addi %iota3A, %add3A_1058 : vector<16xi32>
        %select_n3A_1060 = arith.select %gt3A_1055, %add3A_1059, %select_n3A_1048 : vector<16xi1>, vector<16xi32>
        %max3A_1061 = arith.maximumf %max3A_1049, %get3A_1054 : vector<16xf32>
        %scan3A_1062 = arith.constant 3 : i32
        %mul3A_1063 = arith.constant 16 : i32
        %mul3A_1064 = arith.muli %scan3A_1062, %mul3A_1063 : i32
        %get3A_1065 = arith.index_cast %mul3A_1064 : i32 to index
        %get3A_1066 = tpu.vector_load %arg11[%get3A_1065] {strides = array<i32>} : memref<80xf32, #tpu.memory_space<vmem>>, vector<16xf32>,
        %gt3A_1067 = arith.cmpf ogt, %get3A_1066, %max3A_1061 : vector<16xf32>
        %mul3A_1068 = arith.constant 16 : i32
        %mul3A_1069 = arith.muli %scan3A_1062, %mul3A_1068 : i32
        %add3A_1070 = vector.broadcast %mul3A_1069 : i32 to vector<16xi32>
        %add3A_1071 = arith.addi %iota3A, %add3A_1070 : vector<16xi32>
        %select_n3A_1072 = arith.select %gt3A_1067, %add3A_1071, %select_n3A_1060 : vector<16xi1>, vector<16xi32>
        %max3A_1073 = arith.maximumf %max3A_1061, %get3A_1066 : vector<16xf32>
        %scan3A_1074 = arith.constant 4 : i32
        %mul3A_1075 = arith.constant 16 : i32
        %mul3A_1076 = arith.muli %scan3A_1074, %mul3A_1075 : i32
        %get3A_1077 = arith.index_cast %mul3A_1076 : i32 to index
        %get3A_1078 = tpu.vector_load %arg11[%get3A_1077] {strides = array<i32>} : memref<80xf32, #tpu.memory_space<vmem>>, vector<16xf32>,
        %gt3A_1079 = arith.cmpf ogt, %get3A_1078, %max3A_1073 : vector<16xf32>
        %mul3A_1080 = arith.constant 16 : i32
        %mul3A_1081 = arith.muli %scan3A_1074, %mul3A_1080 : i32
        %add3A_1082 = vector.broadcast %mul3A_1081 : i32 to vector<16xi32>
        %add3A_1083 = arith.addi %iota3A, %add3A_1082 : vector<16xi32>
        %select_n3A_1084 = arith.select %gt3A_1079, %add3A_1083, %select_n3A_1072 : vector<16xi1>, vector<16xi32>
        %max3A_1085 = arith.maximumf %max3A_1073, %get3A_1078 : vector<16xf32>
        %scan3A_1086 = arith.constant 5 : i32
        %reduce_max3A = arith.constant true
        %reduce_max3A_1087 = vector.broadcast %reduce_max3A : i1 to vector<16xi1>
        %reduce_max3A_1088 = tpu.scan <max>, %max3A_1085 masked %reduce_max3A_1087 : vector<16xf32>, vector<16xi1> -> vector<16xf32>
        %reduce_max3A_1089 = vector.extract %reduce_max3A_1088[15] : f32 from vector<16xf32>
        %eq3A_1090 = vector.broadcast %reduce_max3A_1089 : f32 to vector<16xf32>
        %eq3A_1091 = arith.cmpf oeq, %max3A_1085, %eq3A_1090 : vector<16xf32>
        %broadcast_in_dim3A_1092 = vector.broadcast %scan3A_58 : i32 to vector<16xi32>
        %select_n3A_1093 = arith.select %eq3A_1091, %select_n3A_1084, %broadcast_in_dim3A_1092 : vector<16xi1>, vector<16xi32>
        %reduce_min3A = arith.constant true
        %reduce_min3A_1094 = vector.broadcast %reduce_min3A : i1 to vector<16xi1>
        %reduce_min3A_1095 = arith.constant -2147483648 : i32
        %reduce_min3A_1096 = vector.broadcast %reduce_min3A_1095 : i32 to vector<16xi32>
        %reduce_min3A_1097 = arith.xori %select_n3A_1093, %reduce_min3A_1096 : vector<16xi32>
        %reduce_min3A_1098 = tpu.scan <min>, %reduce_min3A_1097 masked %reduce_min3A_1094 : vector<16xi32>, vector<16xi1> -> vector<16xi32>
        %reduce_min3A_1099 = arith.xori %reduce_min3A_1098, %reduce_min3A_1096 : vector<16xi32>
        %reduce_min3A_1100 = vector.extract %reduce_min3A_1099[15] : i32 from vector<16xi32>
        %mul3A_1101 = arith.constant 16 : i32
        %mul3A_1102 = arith.muli %reduce_min3A_1100, %mul3A_1101 : i32
        %add3A_1103 = vector.broadcast %mul3A_1102 : i32 to vector<16xi32>
        %add3A_1104 = arith.addi %add3A_1103, %iota3A : vector<16xi32>
        %gather3A = tpu.vector_load_idx %arg10[%add3A_1104] : memref<1280xf32, #tpu.memory_space<vmem>>[vector<16xi32>], vector<16xf32>,
        %mul3A_1105 = arith.constant 16 : i32
        %mul3A_1106 = arith.muli %reduce_min3A_1100, %mul3A_1105 : i32
        %eq3A_1107 = vector.broadcast %reduce_max3A_1089 : f32 to vector<16xf32>
        %eq3A_1108 = arith.cmpf oeq, %gather3A, %eq3A_1107 : vector<16xf32>
        %broadcast_in_dim3A_1109 = vector.broadcast %scan3A_58 : i32 to vector<16xi32>
        %select_n3A_1110 = arith.select %eq3A_1108, %iota3A, %broadcast_in_dim3A_1109 : vector<16xi1>, vector<16xi32>
        %reduce_min3A_1111 = arith.constant true
        %reduce_min3A_1112 = vector.broadcast %reduce_min3A_1111 : i1 to vector<16xi1>
        %reduce_min3A_1113 = arith.constant -2147483648 : i32
        %reduce_min3A_1114 = vector.broadcast %reduce_min3A_1113 : i32 to vector<16xi32>
        %reduce_min3A_1115 = arith.xori %select_n3A_1110, %reduce_min3A_1114 : vector<16xi32>
        %reduce_min3A_1116 = tpu.scan <min>, %reduce_min3A_1115 masked %reduce_min3A_1112 : vector<16xi32>, vector<16xi1> -> vector<16xi32>
        %reduce_min3A_1117 = arith.xori %reduce_min3A_1116, %reduce_min3A_1114 : vector<16xi32>
        %reduce_min3A_1118 = vector.extract %reduce_min3A_1117[15] : i32 from vector<16xi32>
        %add3A_1119 = arith.addi %mul3A_1106, %reduce_min3A_1118 : i32
        %mul3A_1120 = arith.constant 16 : i32
        %mul3A_1121 = arith.muli %add3A_1119, %mul3A_1120 : i32
        %add3A_1122 = vector.broadcast %mul3A_1121 : i32 to vector<16xi32>
        %add3A_1123 = arith.addi %add3A_1122, %iota3A : vector<16xi32>
        %gather3A_1124 = tpu.vector_load_idx %arg9[%add3A_1123] : memref<20480xf32, #tpu.memory_space<vmem>>[vector<16xi32>], vector<16xf32>,
        %mul3A_1125 = arith.constant 16 : i32
        %mul3A_1126 = arith.muli %add3A_1119, %mul3A_1125 : i32
        %eq3A_1127 = vector.broadcast %reduce_max3A_1089 : f32 to vector<16xf32>
        %eq3A_1128 = arith.cmpf oeq, %gather3A_1124, %eq3A_1127 : vector<16xf32>
        %broadcast_in_dim3A_1129 = vector.broadcast %scan3A_58 : i32 to vector<16xi32>
        %select_n3A_1130 = arith.select %eq3A_1128, %iota3A, %broadcast_in_dim3A_1129 : vector<16xi1>, vector<16xi32>
        %reduce_min3A_1131 = arith.constant true
        %reduce_min3A_1132 = vector.broadcast %reduce_min3A_1131 : i1 to vector<16xi1>
        %reduce_min3A_1133 = arith.constant -2147483648 : i32
        %reduce_min3A_1134 = vector.broadcast %reduce_min3A_1133 : i32 to vector<16xi32>
        %reduce_min3A_1135 = arith.xori %select_n3A_1130, %reduce_min3A_1134 : vector<16xi32>
        %reduce_min3A_1136 = tpu.scan <min>, %reduce_min3A_1135 masked %reduce_min3A_1132 : vector<16xi32>, vector<16xi1> -> vector<16xi32>
        %reduce_min3A_1137 = arith.xori %reduce_min3A_1136, %reduce_min3A_1134 : vector<16xi32>
        %reduce_min3A_1138 = vector.extract %reduce_min3A_1137[15] : i32 from vector<16xi32>
        %add3A_1139 = arith.addi %mul3A_1126, %reduce_min3A_1138 : i32
        %broadcast_in_dim3A_1140 = vector.broadcast %scan3A_1024 : i32 to vector<16xi32>
        %broadcast_in_dim3A_1141 = vector.broadcast %reduce_max3A_1089 : f32 to vector<16xf32>
        tpu.vector_store_idx %arg12[%broadcast_in_dim3A_1140], %broadcast_in_dim3A_1141 masked %eq3A_4 : memref<128xf32, #tpu.memory_space<vmem>>[vector<16xi32>], vector<16xf32>, vector<16xi1>
        %broadcast_in_dim3A_1142 = vector.broadcast %scan3A_1024 : i32 to vector<16xi32>
        %broadcast_in_dim3A_1143 = vector.broadcast %add3A_1139 : i32 to vector<16xi32>
        tpu.vector_store_idx %arg13[%broadcast_in_dim3A_1142], %broadcast_in_dim3A_1143 masked %eq3A_4 : memref<128xi32, #tpu.memory_space<vmem>>[vector<16xi32>], vector<16xi32>, vector<16xi1>
        %broadcast_in_dim3A_1144 = vector.broadcast %add3A_1139 : i32 to vector<16xi32>
        %broadcast_in_dim3A_1145 = arith.constant -1.000000e+00 : f32
        %broadcast_in_dim3A_1146 = vector.broadcast %broadcast_in_dim3A_1145 : f32 to vector<16xf32>
        tpu.vector_store_idx %arg9[%broadcast_in_dim3A_1144], %broadcast_in_dim3A_1146 masked %eq3A_4 : memref<20480xf32, #tpu.memory_space<vmem>>[vector<16xi32>], vector<16xf32>, vector<16xi1>
        %mul3A_1147 = arith.constant 16 : i32
        %mul3A_1148 = arith.muli %add3A_1119, %mul3A_1147 : i32
        %add3A_1149 = vector.broadcast %mul3A_1148 : i32 to vector<16xi32>
        %add3A_1150 = arith.addi %add3A_1149, %iota3A : vector<16xi32>
        %gather3A_1151 = tpu.vector_load_idx %arg9[%add3A_1150] : memref<20480xf32, #tpu.memory_space<vmem>>[vector<16xi32>], vector<16xf32>,
        %reduce_max3A_1152 = arith.constant true
        %reduce_max3A_1153 = vector.broadcast %reduce_max3A_1152 : i1 to vector<16xi1>
        %reduce_max3A_1154 = tpu.scan <max>, %gather3A_1151 masked %reduce_max3A_1153 : vector<16xf32>, vector<16xi1> -> vector<16xf32>
        %reduce_max3A_1155 = vector.extract %reduce_max3A_1154[15] : f32 from vector<16xf32>
        %broadcast_in_dim3A_1156 = vector.broadcast %add3A_1119 : i32 to vector<16xi32>
        %broadcast_in_dim3A_1157 = vector.broadcast %reduce_max3A_1155 : f32 to vector<16xf32>
        tpu.vector_store_idx %arg10[%broadcast_in_dim3A_1156], %broadcast_in_dim3A_1157 masked %eq3A_4 : memref<1280xf32, #tpu.memory_space<vmem>>[vector<16xi32>], vector<16xf32>, vector<16xi1>
        %mul3A_1158 = arith.constant 16 : i32
        %mul3A_1159 = arith.muli %reduce_min3A_1100, %mul3A_1158 : i32
        %add3A_1160 = vector.broadcast %mul3A_1159 : i32 to vector<16xi32>
        %add3A_1161 = arith.addi %add3A_1160, %iota3A : vector<16xi32>
        %gather3A_1162 = tpu.vector_load_idx %arg10[%add3A_1161] : memref<1280xf32, #tpu.memory_space<vmem>>[vector<16xi32>], vector<16xf32>,
        %reduce_max3A_1163 = arith.constant true
        %reduce_max3A_1164 = vector.broadcast %reduce_max3A_1163 : i1 to vector<16xi1>
        %reduce_max3A_1165 = tpu.scan <max>, %gather3A_1162 masked %reduce_max3A_1164 : vector<16xf32>, vector<16xi1> -> vector<16xf32>
        %reduce_max3A_1166 = vector.extract %reduce_max3A_1165[15] : f32 from vector<16xf32>
        %broadcast_in_dim3A_1167 = vector.broadcast %reduce_min3A_1100 : i32 to vector<16xi32>
        %broadcast_in_dim3A_1168 = vector.broadcast %reduce_max3A_1166 : f32 to vector<16xf32>
        tpu.vector_store_idx %arg11[%broadcast_in_dim3A_1167], %broadcast_in_dim3A_1168 masked %eq3A_4 : memref<80xf32, #tpu.memory_space<vmem>>[vector<16xi32>], vector<16xf32>, vector<16xi1>
      }
      %scan3A_63 = arith.constant 100 : i32
      %get3A = arith.constant 0 : index
      %get3A_64 = tpu.vector_load %arg13[%get3A] {strides = array<i32>} : memref<128xi32, #tpu.memory_space<vmem>>, vector<16xi32>,
      %mul3A_65 = arith.constant 20480 : i32
      %mul3A_66 = arith.muli %add3A, %mul3A_65 : i32
      %add3A_67 = vector.broadcast %mul3A_66 : i32 to vector<16xi32>
      %add3A_68 = arith.addi %get3A_64, %add3A_67 : vector<16xi32>
      %swap3A_69 = arith.constant 0 : index
      %swap3A_70 = tpu.vector_load %arg16[%swap3A_69] {strides = array<i32>} : memref<128xi32, #tpu.memory_space<vmem>>, vector<16xi32>,
      tpu.vector_store %arg16[%swap3A_69], %add3A_68 {strides = array<i32>} : memref<128xi32, #tpu.memory_space<vmem>>, vector<16xi32>,
      %get3A_71 = arith.constant 16 : index
      %get3A_72 = tpu.vector_load %arg13[%get3A_71] {strides = array<i32>} : memref<128xi32, #tpu.memory_space<vmem>>, vector<16xi32>,
      %mul3A_73 = arith.constant 20480 : i32
      %mul3A_74 = arith.muli %add3A, %mul3A_73 : i32
      %add3A_75 = vector.broadcast %mul3A_74 : i32 to vector<16xi32>
      %add3A_76 = arith.addi %get3A_72, %add3A_75 : vector<16xi32>
      %swap3A_77 = arith.constant 16 : index
      %swap3A_78 = tpu.vector_load %arg16[%swap3A_77] {strides = array<i32>} : memref<128xi32, #tpu.memory_space<vmem>>, vector<16xi32>,
      tpu.vector_store %arg16[%swap3A_77], %add3A_76 {strides = array<i32>} : memref<128xi32, #tpu.memory_space<vmem>>, vector<16xi32>,
      %get3A_79 = arith.constant 32 : index
      %get3A_80 = tpu.vector_load %arg13[%get3A_79] {strides = array<i32>} : memref<128xi32, #tpu.memory_space<vmem>>, vector<16xi32>,
      %mul3A_81 = arith.constant 20480 : i32
      %mul3A_82 = arith.muli %add3A, %mul3A_81 : i32
      %add3A_83 = vector.broadcast %mul3A_82 : i32 to vector<16xi32>
      %add3A_84 = arith.addi %get3A_80, %add3A_83 : vector<16xi32>
      %swap3A_85 = arith.constant 32 : index
      %swap3A_86 = tpu.vector_load %arg16[%swap3A_85] {strides = array<i32>} : memref<128xi32, #tpu.memory_space<vmem>>, vector<16xi32>,
      tpu.vector_store %arg16[%swap3A_85], %add3A_84 {strides = array<i32>} : memref<128xi32, #tpu.memory_space<vmem>>, vector<16xi32>,
      %get3A_87 = arith.constant 48 : index
      %get3A_88 = tpu.vector_load %arg13[%get3A_87] {strides = array<i32>} : memref<128xi32, #tpu.memory_space<vmem>>, vector<16xi32>,
      %mul3A_89 = arith.constant 20480 : i32
      %mul3A_90 = arith.muli %add3A, %mul3A_89 : i32
      %add3A_91 = vector.broadcast %mul3A_90 : i32 to vector<16xi32>
      %add3A_92 = arith.addi %get3A_88, %add3A_91 : vector<16xi32>
      %swap3A_93 = arith.constant 48 : index
      %swap3A_94 = tpu.vector_load %arg16[%swap3A_93] {strides = array<i32>} : memref<128xi32, #tpu.memory_space<vmem>>, vector<16xi32>,
      tpu.vector_store %arg16[%swap3A_93], %add3A_92 {strides = array<i32>} : memref<128xi32, #tpu.memory_space<vmem>>, vector<16xi32>,
      %get3A_95 = arith.constant 64 : index
      %get3A_96 = tpu.vector_load %arg13[%get3A_95] {strides = array<i32>} : memref<128xi32, #tpu.memory_space<vmem>>, vector<16xi32>,
      %mul3A_97 = arith.constant 20480 : i32
      %mul3A_98 = arith.muli %add3A, %mul3A_97 : i32
      %add3A_99 = vector.broadcast %mul3A_98 : i32 to vector<16xi32>
      %add3A_100 = arith.addi %get3A_96, %add3A_99 : vector<16xi32>
      %swap3A_101 = arith.constant 64 : index
      %swap3A_102 = tpu.vector_load %arg16[%swap3A_101] {strides = array<i32>} : memref<128xi32, #tpu.memory_space<vmem>>, vector<16xi32>,
      tpu.vector_store %arg16[%swap3A_101], %add3A_100 {strides = array<i32>} : memref<128xi32, #tpu.memory_space<vmem>>, vector<16xi32>,
      %get3A_103 = arith.constant 80 : index
      %get3A_104 = tpu.vector_load %arg13[%get3A_103] {strides = array<i32>} : memref<128xi32, #tpu.memory_space<vmem>>, vector<16xi32>,
      %mul3A_105 = arith.constant 20480 : i32
      %mul3A_106 = arith.muli %add3A, %mul3A_105 : i32
      %add3A_107 = vector.broadcast %mul3A_106 : i32 to vector<16xi32>
      %add3A_108 = arith.addi %get3A_104, %add3A_107 : vector<16xi32>
      %swap3A_109 = arith.constant 80 : index
      %swap3A_110 = tpu.vector_load %arg16[%swap3A_109] {strides = array<i32>} : memref<128xi32, #tpu.memory_space<vmem>>, vector<16xi32>,
      tpu.vector_store %arg16[%swap3A_109], %add3A_108 {strides = array<i32>} : memref<128xi32, #tpu.memory_space<vmem>>, vector<16xi32>,
      %get3A_111 = arith.constant 96 : index
      %get3A_112 = tpu.vector_load %arg13[%get3A_111] {strides = array<i32>} : memref<128xi32, #tpu.memory_space<vmem>>, vector<16xi32>,
      %mul3A_113 = arith.constant 20480 : i32
      %mul3A_114 = arith.muli %add3A, %mul3A_113 : i32
      %add3A_115 = vector.broadcast %mul3A_114 : i32 to vector<16xi32>
      %add3A_116 = arith.addi %get3A_112, %add3A_115 : vector<16xi32>
      %swap3A_117 = arith.constant 96 : index
      %swap3A_118 = tpu.vector_load %arg16[%swap3A_117] {strides = array<i32>} : memref<128xi32, #tpu.memory_space<vmem>>, vector<16xi32>,
      tpu.vector_store %arg16[%swap3A_117], %add3A_116 {strides = array<i32>} : memref<128xi32, #tpu.memory_space<vmem>>, vector<16xi32>,
      %get3A_119 = arith.constant 112 : index
      %get3A_120 = tpu.vector_load %arg13[%get3A_119] {strides = array<i32>} : memref<128xi32, #tpu.memory_space<vmem>>, vector<16xi32>,
      %mul3A_121 = arith.constant 20480 : i32
      %mul3A_122 = arith.muli %add3A, %mul3A_121 : i32
      %add3A_123 = vector.broadcast %mul3A_122 : i32 to vector<16xi32>
      %add3A_124 = arith.addi %get3A_120, %add3A_123 : vector<16xi32>
      %swap3A_125 = arith.constant 112 : index
      %swap3A_126 = tpu.vector_load %arg16[%swap3A_125] {strides = array<i32>} : memref<128xi32, #tpu.memory_space<vmem>>, vector<16xi32>,
      tpu.vector_store %arg16[%swap3A_125], %add3A_124 {strides = array<i32>} : memref<128xi32, #tpu.memory_space<vmem>>, vector<16xi32>,
      %dma_start3A = arith.constant 0 : i32
      %dma_start3A_127 = arith.constant 0 : i32
      %dma_start3A_128 = tpu.memref_slice %arg3[%dma_start3A, %dma_start3A_127] : memref<163840x256xf32, #tpu.memory_space<hbm>> -> memref<163840x256xf32, #tpu.memory_space<hbm>>
      tpu.enqueue_indirect_dma source(%dma_start3A_128 : memref<163840x256xf32, #tpu.memory_space<hbm>>) target(%arg14 : memref<128x256xf32, #tpu.memory_space<vmem>>) offsets(%arg16 : memref<128xi32, #tpu.memory_space<vmem>>) semaphore(%arg29 : memref<!tpu.dma_semaphore, #tpu.memory_space<semaphore_mem>>)
      %dma_wait3A = arith.constant 0 : i32
      %dma_wait3A_129 = arith.constant 0 : i32
      %dma_wait3A_130 = tpu.memref_slice %arg3[%dma_wait3A, %dma_wait3A_129] : memref<163840x256xf32, #tpu.memory_space<hbm>> -> memref<163840x256xf32, #tpu.memory_space<hbm>>
      tpu.wait_indirect_dma semaphore(%arg29 : memref<!tpu.dma_semaphore, #tpu.memory_space<semaphore_mem>>) src(%dma_wait3A_130 : memref<163840x256xf32, #tpu.memory_space<hbm>>) dst(%arg14 : memref<128x256xf32, #tpu.memory_space<vmem>>)
      %get3A_131 = arith.constant 0 : index
      %get3A_132 = tpu.vector_load %arg12[%get3A_131] {strides = array<i32>} : memref<128xf32, #tpu.memory_space<vmem>>, vector<16xf32>,
      %swap3A_133 = arith.constant 0 : index
      %swap3A_134 = tpu.vector_load %arg18[%swap3A_133] {strides = array<i32>} : memref<128xf32, #tpu.memory_space<vmem>>, vector<16xf32>,
      tpu.vector_store %arg18[%swap3A_133], %get3A_132 {strides = array<i32>} : memref<128xf32, #tpu.memory_space<vmem>>, vector<16xf32>,
      %get3A_135 = arith.constant 16 : index
      %get3A_136 = tpu.vector_load %arg12[%get3A_135] {strides = array<i32>} : memref<128xf32, #tpu.memory_space<vmem>>, vector<16xf32>,
      %swap3A_137 = arith.constant 16 : index
      %swap3A_138 = tpu.vector_load %arg18[%swap3A_137] {strides = array<i32>} : memref<128xf32, #tpu.memory_space<vmem>>, vector<16xf32>,
      tpu.vector_store %arg18[%swap3A_137], %get3A_136 {strides = array<i32>} : memref<128xf32, #tpu.memory_space<vmem>>, vector<16xf32>,
      %get3A_139 = arith.constant 32 : index
      %get3A_140 = tpu.vector_load %arg12[%get3A_139] {strides = array<i32>} : memref<128xf32, #tpu.memory_space<vmem>>, vector<16xf32>,
      %swap3A_141 = arith.constant 32 : index
      %swap3A_142 = tpu.vector_load %arg18[%swap3A_141] {strides = array<i32>} : memref<128xf32, #tpu.memory_space<vmem>>, vector<16xf32>,
      tpu.vector_store %arg18[%swap3A_141], %get3A_140 {strides = array<i32>} : memref<128xf32, #tpu.memory_space<vmem>>, vector<16xf32>,
      %get3A_143 = arith.constant 48 : index
      %get3A_144 = tpu.vector_load %arg12[%get3A_143] {strides = array<i32>} : memref<128xf32, #tpu.memory_space<vmem>>, vector<16xf32>,
      %swap3A_145 = arith.constant 48 : index
      %swap3A_146 = tpu.vector_load %arg18[%swap3A_145] {strides = array<i32>} : memref<128xf32, #tpu.memory_space<vmem>>, vector<16xf32>,
      tpu.vector_store %arg18[%swap3A_145], %get3A_144 {strides = array<i32>} : memref<128xf32, #tpu.memory_space<vmem>>, vector<16xf32>,
      %get3A_147 = arith.constant 64 : index
      %get3A_148 = tpu.vector_load %arg12[%get3A_147] {strides = array<i32>} : memref<128xf32, #tpu.memory_space<vmem>>, vector<16xf32>,
      %swap3A_149 = arith.constant 64 : index
      %swap3A_150 = tpu.vector_load %arg18[%swap3A_149] {strides = array<i32>} : memref<128xf32, #tpu.memory_space<vmem>>, vector<16xf32>,
      tpu.vector_store %arg18[%swap3A_149], %get3A_148 {strides = array<i32>} : memref<128xf32, #tpu.memory_space<vmem>>, vector<16xf32>,
      %get3A_151 = arith.constant 80 : index
      %get3A_152 = tpu.vector_load %arg12[%get3A_151] {strides = array<i32>} : memref<128xf32, #tpu.memory_space<vmem>>, vector<16xf32>,
      %swap3A_153 = arith.constant 80 : index
      %swap3A_154 = tpu.vector_load %arg18[%swap3A_153] {strides = array<i32>} : memref<128xf32, #tpu.memory_space<vmem>>, vector<16xf32>,
      tpu.vector_store %arg18[%swap3A_153], %get3A_152 {strides = array<i32>} : memref<128xf32, #tpu.memory_space<vmem>>, vector<16xf32>,
      %get3A_155 = arith.constant 96 : index
      %get3A_156 = tpu.vector_load %arg12[%get3A_155] {strides = array<i32>} : memref<128xf32, #tpu.memory_space<vmem>>, vector<16xf32>,
      %swap3A_157 = arith.constant 96 : index
      %swap3A_158 = tpu.vector_load %arg18[%swap3A_157] {strides = array<i32>} : memref<128xf32, #tpu.memory_space<vmem>>, vector<16xf32>,
      tpu.vector_store %arg18[%swap3A_157], %get3A_156 {strides = array<i32>} : memref<128xf32, #tpu.memory_space<vmem>>, vector<16xf32>,
      %get3A_159 = arith.constant 112 : index
      %get3A_160 = tpu.vector_load %arg12[%get3A_159] {strides = array<i32>} : memref<128xf32, #tpu.memory_space<vmem>>, vector<16xf32>,
      %swap3A_161 = arith.constant 112 : index
      %swap3A_162 = tpu.vector_load %arg18[%swap3A_161] {strides = array<i32>} : memref<128xf32, #tpu.memory_space<vmem>>, vector<16xf32>,
      tpu.vector_store %arg18[%swap3A_161], %get3A_160 {strides = array<i32>} : memref<128xf32, #tpu.memory_space<vmem>>, vector<16xf32>,
      %parallel_loop3A_163 = arith.constant 0 : i32
      %parallel_loop3A_164 = arith.constant 1600 : i32
      %parallel_loop3A_165 = arith.constant 1 : i32
      scf.for %parallel_loop3A_1024 = %parallel_loop3A_163 to %parallel_loop3A_164 step %parallel_loop3A_165  : i32 {
        %parallel_loop3A_1025 = arith.constant 4 : i32
        %parallel_loop3A_1026 = arith.shrsi %parallel_loop3A_1024, %parallel_loop3A_1025 : i32
        %parallel_loop3A_1027 = arith.constant 15 : i32
        %parallel_loop3A_1028 = arith.andi %parallel_loop3A_1024, %parallel_loop3A_1027 : i32
        %parallel_loop3A_1029 = vector.broadcast %parallel_loop3A_1026 : i32 to vector<16xi32>
        %parallel_loop3A_1030 = arith.constant 16 : i32
        %parallel_loop3A_1031 = arith.muli %parallel_loop3A_1028, %parallel_loop3A_1030 : i32
        %parallel_loop3A_1032 = vector.broadcast %parallel_loop3A_1031 : i32 to vector<16xi32>
        %parallel_loop3A_1033 = arith.addi %parallel_loop3A_1032, %iota3A : vector<16xi32>
        %parallel_loop3A_1034 = tpu.vector_load_idx %arg14[%parallel_loop3A_1029, %parallel_loop3A_1033] : memref<128x256xf32, #tpu.memory_space<vmem>>[vector<16xi32>, vector<16xi32>], vector<16xf32>,
        %parallel_loop3A_1035 = arith.constant true
        %parallel_loop3A_1036 = vector.broadcast %parallel_loop3A_1035 : i1 to vector<16xi1>
        %parallel_loop3A_1037 = tpu.scan <max>, %parallel_loop3A_1034 masked %parallel_loop3A_1036 : vector<16xf32>, vector<16xi1> -> vector<16xf32>
        %parallel_loop3A_1038 = vector.extract %parallel_loop3A_1037[15] : f32 from vector<16xf32>
        %parallel_loop3A_1039 = vector.broadcast %parallel_loop3A_1024 : i32 to vector<16xi32>
        %parallel_loop3A_1040 = vector.broadcast %parallel_loop3A_1038 : f32 to vector<16xf32>
        tpu.vector_store_idx %arg15[%parallel_loop3A_1039], %parallel_loop3A_1040 masked %eq3A_4 : memref<2048xf32, #tpu.memory_space<vmem>>[vector<16xi32>], vector<16xf32>, vector<16xi1>
      } {sc.loop_unroll_factor = 8 : i64, sc.parallel_access}
      %scan3A_166 = arith.constant 0 : i32
      %scan3A_167 = arith.constant 1073741824 : i32
      %scan3A_168 = arith.constant 0 : i32
      %scan3A_169 = arith.constant 100 : i32
      %scan3A_170 = arith.addi %scan3A_168, %scan3A_169 : i32
      %scan3A_171 = arith.constant 1 : i32
      scf.for %scan3A_1024 = %scan3A_168 to %scan3A_170 step %scan3A_171  : i32 {
        %broadcast_in_dim3A_1025 = arith.constant 1073741824 : i32
        %broadcast_in_dim3A_1026 = vector.broadcast %broadcast_in_dim3A_1025 : i32 to vector<16xi32>
        %scan3A_1027 = arith.constant 0 : i32
        %mul3A_1028 = arith.constant 16 : i32
        %mul3A_1029 = arith.muli %scan3A_1027, %mul3A_1028 : i32
        %get3A_1030 = arith.index_cast %mul3A_1029 : i32 to index
        %get3A_1031 = tpu.vector_load %arg18[%get3A_1030] {strides = array<i32>} : memref<128xf32, #tpu.memory_space<vmem>>, vector<16xf32>,
        %mul3A_1032 = arith.constant 16 : i32
        %mul3A_1033 = arith.muli %scan3A_1027, %mul3A_1032 : i32
        %get3A_1034 = arith.index_cast %mul3A_1033 : i32 to index
        %get3A_1035 = tpu.vector_load %arg13[%get3A_1034] {strides = array<i32>} : memref<128xi32, #tpu.memory_space<vmem>>, vector<16xi32>,
        %mul3A_1036 = arith.constant 128 : i32
        %mul3A_1037 = vector.broadcast %mul3A_1036 : i32 to vector<16xi32>
        %mul3A_1038 = arith.muli %get3A_1035, %mul3A_1037 : vector<16xi32>
        %mul3A_1039 = arith.constant 16 : i32
        %mul3A_1040 = arith.muli %scan3A_1027, %mul3A_1039 : i32
        %add3A_1041 = vector.broadcast %mul3A_1040 : i32 to vector<16xi32>
        %add3A_1042 = arith.addi %iota3A, %add3A_1041 : vector<16xi32>
        %add3A_1043 = arith.addi %mul3A_1038, %add3A_1042 : vector<16xi32>
        %gt3A_1044 = arith.cmpf ogt, %get3A_1031, %broadcast_in_dim3A_5 : vector<16xf32>
        %eq3A_1045 = arith.cmpf oeq, %get3A_1031, %broadcast_in_dim3A_5 : vector<16xf32>
        %min3A = arith.minsi %broadcast_in_dim3A_1026, %add3A_1043 : vector<16xi32>
        %select_n3A_1046 = arith.select %eq3A_1045, %min3A, %broadcast_in_dim3A_1026 : vector<16xi1>, vector<16xi32>
        %select_n3A_1047 = arith.select %gt3A_1044, %add3A_1043, %select_n3A_1046 : vector<16xi1>, vector<16xi32>
        %max3A = arith.maximumf %broadcast_in_dim3A_5, %get3A_1031 : vector<16xf32>
        %scan3A_1048 = arith.constant 1 : i32
        %mul3A_1049 = arith.constant 16 : i32
        %mul3A_1050 = arith.muli %scan3A_1048, %mul3A_1049 : i32
        %get3A_1051 = arith.index_cast %mul3A_1050 : i32 to index
        %get3A_1052 = tpu.vector_load %arg18[%get3A_1051] {strides = array<i32>} : memref<128xf32, #tpu.memory_space<vmem>>, vector<16xf32>,
        %mul3A_1053 = arith.constant 16 : i32
        %mul3A_1054 = arith.muli %scan3A_1048, %mul3A_1053 : i32
        %get3A_1055 = arith.index_cast %mul3A_1054 : i32 to index
        %get3A_1056 = tpu.vector_load %arg13[%get3A_1055] {strides = array<i32>} : memref<128xi32, #tpu.memory_space<vmem>>, vector<16xi32>,
        %mul3A_1057 = arith.constant 128 : i32
        %mul3A_1058 = vector.broadcast %mul3A_1057 : i32 to vector<16xi32>
        %mul3A_1059 = arith.muli %get3A_1056, %mul3A_1058 : vector<16xi32>
        %mul3A_1060 = arith.constant 16 : i32
        %mul3A_1061 = arith.muli %scan3A_1048, %mul3A_1060 : i32
        %add3A_1062 = vector.broadcast %mul3A_1061 : i32 to vector<16xi32>
        %add3A_1063 = arith.addi %iota3A, %add3A_1062 : vector<16xi32>
        %add3A_1064 = arith.addi %mul3A_1059, %add3A_1063 : vector<16xi32>
        %gt3A_1065 = arith.cmpf ogt, %get3A_1052, %max3A : vector<16xf32>
        %eq3A_1066 = arith.cmpf oeq, %get3A_1052, %max3A : vector<16xf32>
        %min3A_1067 = arith.minsi %select_n3A_1047, %add3A_1064 : vector<16xi32>
        %select_n3A_1068 = arith.select %eq3A_1066, %min3A_1067, %select_n3A_1047 : vector<16xi1>, vector<16xi32>
        %select_n3A_1069 = arith.select %gt3A_1065, %add3A_1064, %select_n3A_1068 : vector<16xi1>, vector<16xi32>
        %max3A_1070 = arith.maximumf %max3A, %get3A_1052 : vector<16xf32>
        %scan3A_1071 = arith.constant 2 : i32
        %mul3A_1072 = arith.constant 16 : i32
        %mul3A_1073 = arith.muli %scan3A_1071, %mul3A_1072 : i32
        %get3A_1074 = arith.index_cast %mul3A_1073 : i32 to index
        %get3A_1075 = tpu.vector_load %arg18[%get3A_1074] {strides = array<i32>} : memref<128xf32, #tpu.memory_space<vmem>>, vector<16xf32>,
        %mul3A_1076 = arith.constant 16 : i32
        %mul3A_1077 = arith.muli %scan3A_1071, %mul3A_1076 : i32
        %get3A_1078 = arith.index_cast %mul3A_1077 : i32 to index
        %get3A_1079 = tpu.vector_load %arg13[%get3A_1078] {strides = array<i32>} : memref<128xi32, #tpu.memory_space<vmem>>, vector<16xi32>,
        %mul3A_1080 = arith.constant 128 : i32
        %mul3A_1081 = vector.broadcast %mul3A_1080 : i32 to vector<16xi32>
        %mul3A_1082 = arith.muli %get3A_1079, %mul3A_1081 : vector<16xi32>
        %mul3A_1083 = arith.constant 16 : i32
        %mul3A_1084 = arith.muli %scan3A_1071, %mul3A_1083 : i32
        %add3A_1085 = vector.broadcast %mul3A_1084 : i32 to vector<16xi32>
        %add3A_1086 = arith.addi %iota3A, %add3A_1085 : vector<16xi32>
        %add3A_1087 = arith.addi %mul3A_1082, %add3A_1086 : vector<16xi32>
        %gt3A_1088 = arith.cmpf ogt, %get3A_1075, %max3A_1070 : vector<16xf32>
        %eq3A_1089 = arith.cmpf oeq, %get3A_1075, %max3A_1070 : vector<16xf32>
        %min3A_1090 = arith.minsi %select_n3A_1069, %add3A_1087 : vector<16xi32>
        %select_n3A_1091 = arith.select %eq3A_1089, %min3A_1090, %select_n3A_1069 : vector<16xi1>, vector<16xi32>
        %select_n3A_1092 = arith.select %gt3A_1088, %add3A_1087, %select_n3A_1091 : vector<16xi1>, vector<16xi32>
        %max3A_1093 = arith.maximumf %max3A_1070, %get3A_1075 : vector<16xf32>
        %scan3A_1094 = arith.constant 3 : i32
        %mul3A_1095 = arith.constant 16 : i32
        %mul3A_1096 = arith.muli %scan3A_1094, %mul3A_1095 : i32
        %get3A_1097 = arith.index_cast %mul3A_1096 : i32 to index
        %get3A_1098 = tpu.vector_load %arg18[%get3A_1097] {strides = array<i32>} : memref<128xf32, #tpu.memory_space<vmem>>, vector<16xf32>,
        %mul3A_1099 = arith.constant 16 : i32
        %mul3A_1100 = arith.muli %scan3A_1094, %mul3A_1099 : i32
        %get3A_1101 = arith.index_cast %mul3A_1100 : i32 to index
        %get3A_1102 = tpu.vector_load %arg13[%get3A_1101] {strides = array<i32>} : memref<128xi32, #tpu.memory_space<vmem>>, vector<16xi32>,
        %mul3A_1103 = arith.constant 128 : i32
        %mul3A_1104 = vector.broadcast %mul3A_1103 : i32 to vector<16xi32>
        %mul3A_1105 = arith.muli %get3A_1102, %mul3A_1104 : vector<16xi32>
        %mul3A_1106 = arith.constant 16 : i32
        %mul3A_1107 = arith.muli %scan3A_1094, %mul3A_1106 : i32
        %add3A_1108 = vector.broadcast %mul3A_1107 : i32 to vector<16xi32>
        %add3A_1109 = arith.addi %iota3A, %add3A_1108 : vector<16xi32>
        %add3A_1110 = arith.addi %mul3A_1105, %add3A_1109 : vector<16xi32>
        %gt3A_1111 = arith.cmpf ogt, %get3A_1098, %max3A_1093 : vector<16xf32>
        %eq3A_1112 = arith.cmpf oeq, %get3A_1098, %max3A_1093 : vector<16xf32>
        %min3A_1113 = arith.minsi %select_n3A_1092, %add3A_1110 : vector<16xi32>
        %select_n3A_1114 = arith.select %eq3A_1112, %min3A_1113, %select_n3A_1092 : vector<16xi1>, vector<16xi32>
        %select_n3A_1115 = arith.select %gt3A_1111, %add3A_1110, %select_n3A_1114 : vector<16xi1>, vector<16xi32>
        %max3A_1116 = arith.maximumf %max3A_1093, %get3A_1098 : vector<16xf32>
        %scan3A_1117 = arith.constant 4 : i32
        %mul3A_1118 = arith.constant 16 : i32
        %mul3A_1119 = arith.muli %scan3A_1117, %mul3A_1118 : i32
        %get3A_1120 = arith.index_cast %mul3A_1119 : i32 to index
        %get3A_1121 = tpu.vector_load %arg18[%get3A_1120] {strides = array<i32>} : memref<128xf32, #tpu.memory_space<vmem>>, vector<16xf32>,
        %mul3A_1122 = arith.constant 16 : i32
        %mul3A_1123 = arith.muli %scan3A_1117, %mul3A_1122 : i32
        %get3A_1124 = arith.index_cast %mul3A_1123 : i32 to index
        %get3A_1125 = tpu.vector_load %arg13[%get3A_1124] {strides = array<i32>} : memref<128xi32, #tpu.memory_space<vmem>>, vector<16xi32>,
        %mul3A_1126 = arith.constant 128 : i32
        %mul3A_1127 = vector.broadcast %mul3A_1126 : i32 to vector<16xi32>
        %mul3A_1128 = arith.muli %get3A_1125, %mul3A_1127 : vector<16xi32>
        %mul3A_1129 = arith.constant 16 : i32
        %mul3A_1130 = arith.muli %scan3A_1117, %mul3A_1129 : i32
        %add3A_1131 = vector.broadcast %mul3A_1130 : i32 to vector<16xi32>
        %add3A_1132 = arith.addi %iota3A, %add3A_1131 : vector<16xi32>
        %add3A_1133 = arith.addi %mul3A_1128, %add3A_1132 : vector<16xi32>
        %gt3A_1134 = arith.cmpf ogt, %get3A_1121, %max3A_1116 : vector<16xf32>
        %eq3A_1135 = arith.cmpf oeq, %get3A_1121, %max3A_1116 : vector<16xf32>
        %min3A_1136 = arith.minsi %select_n3A_1115, %add3A_1133 : vector<16xi32>
        %select_n3A_1137 = arith.select %eq3A_1135, %min3A_1136, %select_n3A_1115 : vector<16xi1>, vector<16xi32>
        %select_n3A_1138 = arith.select %gt3A_1134, %add3A_1133, %select_n3A_1137 : vector<16xi1>, vector<16xi32>
        %max3A_1139 = arith.maximumf %max3A_1116, %get3A_1121 : vector<16xf32>
        %scan3A_1140 = arith.constant 5 : i32
        %mul3A_1141 = arith.constant 16 : i32
        %mul3A_1142 = arith.muli %scan3A_1140, %mul3A_1141 : i32
        %get3A_1143 = arith.index_cast %mul3A_1142 : i32 to index
        %get3A_1144 = tpu.vector_load %arg18[%get3A_1143] {strides = array<i32>} : memref<128xf32, #tpu.memory_space<vmem>>, vector<16xf32>,
        %mul3A_1145 = arith.constant 16 : i32
        %mul3A_1146 = arith.muli %scan3A_1140, %mul3A_1145 : i32
        %get3A_1147 = arith.index_cast %mul3A_1146 : i32 to index
        %get3A_1148 = tpu.vector_load %arg13[%get3A_1147] {strides = array<i32>} : memref<128xi32, #tpu.memory_space<vmem>>, vector<16xi32>,
        %mul3A_1149 = arith.constant 128 : i32
        %mul3A_1150 = vector.broadcast %mul3A_1149 : i32 to vector<16xi32>
        %mul3A_1151 = arith.muli %get3A_1148, %mul3A_1150 : vector<16xi32>
        %mul3A_1152 = arith.constant 16 : i32
        %mul3A_1153 = arith.muli %scan3A_1140, %mul3A_1152 : i32
        %add3A_1154 = vector.broadcast %mul3A_1153 : i32 to vector<16xi32>
        %add3A_1155 = arith.addi %iota3A, %add3A_1154 : vector<16xi32>
        %add3A_1156 = arith.addi %mul3A_1151, %add3A_1155 : vector<16xi32>
        %gt3A_1157 = arith.cmpf ogt, %get3A_1144, %max3A_1139 : vector<16xf32>
        %eq3A_1158 = arith.cmpf oeq, %get3A_1144, %max3A_1139 : vector<16xf32>
        %min3A_1159 = arith.minsi %select_n3A_1138, %add3A_1156 : vector<16xi32>
        %select_n3A_1160 = arith.select %eq3A_1158, %min3A_1159, %select_n3A_1138 : vector<16xi1>, vector<16xi32>
        %select_n3A_1161 = arith.select %gt3A_1157, %add3A_1156, %select_n3A_1160 : vector<16xi1>, vector<16xi32>
        %max3A_1162 = arith.maximumf %max3A_1139, %get3A_1144 : vector<16xf32>
        %scan3A_1163 = arith.constant 6 : i32
        %mul3A_1164 = arith.constant 16 : i32
        %mul3A_1165 = arith.muli %scan3A_1163, %mul3A_1164 : i32
        %get3A_1166 = arith.index_cast %mul3A_1165 : i32 to index
        %get3A_1167 = tpu.vector_load %arg18[%get3A_1166] {strides = array<i32>} : memref<128xf32, #tpu.memory_space<vmem>>, vector<16xf32>,
        %mul3A_1168 = arith.constant 16 : i32
        %mul3A_1169 = arith.muli %scan3A_1163, %mul3A_1168 : i32
        %get3A_1170 = arith.index_cast %mul3A_1169 : i32 to index
        %get3A_1171 = tpu.vector_load %arg13[%get3A_1170] {strides = array<i32>} : memref<128xi32, #tpu.memory_space<vmem>>, vector<16xi32>,
        %mul3A_1172 = arith.constant 128 : i32
        %mul3A_1173 = vector.broadcast %mul3A_1172 : i32 to vector<16xi32>
        %mul3A_1174 = arith.muli %get3A_1171, %mul3A_1173 : vector<16xi32>
        %mul3A_1175 = arith.constant 16 : i32
        %mul3A_1176 = arith.muli %scan3A_1163, %mul3A_1175 : i32
        %add3A_1177 = vector.broadcast %mul3A_1176 : i32 to vector<16xi32>
        %add3A_1178 = arith.addi %iota3A, %add3A_1177 : vector<16xi32>
        %add3A_1179 = arith.addi %mul3A_1174, %add3A_1178 : vector<16xi32>
        %gt3A_1180 = arith.cmpf ogt, %get3A_1167, %max3A_1162 : vector<16xf32>
        %eq3A_1181 = arith.cmpf oeq, %get3A_1167, %max3A_1162 : vector<16xf32>
        %min3A_1182 = arith.minsi %select_n3A_1161, %add3A_1179 : vector<16xi32>
        %select_n3A_1183 = arith.select %eq3A_1181, %min3A_1182, %select_n3A_1161 : vector<16xi1>, vector<16xi32>
        %select_n3A_1184 = arith.select %gt3A_1180, %add3A_1179, %select_n3A_1183 : vector<16xi1>, vector<16xi32>
        %max3A_1185 = arith.maximumf %max3A_1162, %get3A_1167 : vector<16xf32>
        %scan3A_1186 = arith.constant 7 : i32
        %mul3A_1187 = arith.constant 16 : i32
        %mul3A_1188 = arith.muli %scan3A_1186, %mul3A_1187 : i32
        %get3A_1189 = arith.index_cast %mul3A_1188 : i32 to index
        %get3A_1190 = tpu.vector_load %arg18[%get3A_1189] {strides = array<i32>} : memref<128xf32, #tpu.memory_space<vmem>>, vector<16xf32>,
        %mul3A_1191 = arith.constant 16 : i32
        %mul3A_1192 = arith.muli %scan3A_1186, %mul3A_1191 : i32
        %get3A_1193 = arith.index_cast %mul3A_1192 : i32 to index
        %get3A_1194 = tpu.vector_load %arg13[%get3A_1193] {strides = array<i32>} : memref<128xi32, #tpu.memory_space<vmem>>, vector<16xi32>,
        %mul3A_1195 = arith.constant 128 : i32
        %mul3A_1196 = vector.broadcast %mul3A_1195 : i32 to vector<16xi32>
        %mul3A_1197 = arith.muli %get3A_1194, %mul3A_1196 : vector<16xi32>
        %mul3A_1198 = arith.constant 16 : i32
        %mul3A_1199 = arith.muli %scan3A_1186, %mul3A_1198 : i32
        %add3A_1200 = vector.broadcast %mul3A_1199 : i32 to vector<16xi32>
        %add3A_1201 = arith.addi %iota3A, %add3A_1200 : vector<16xi32>
        %add3A_1202 = arith.addi %mul3A_1197, %add3A_1201 : vector<16xi32>
        %gt3A_1203 = arith.cmpf ogt, %get3A_1190, %max3A_1185 : vector<16xf32>
        %eq3A_1204 = arith.cmpf oeq, %get3A_1190, %max3A_1185 : vector<16xf32>
        %min3A_1205 = arith.minsi %select_n3A_1184, %add3A_1202 : vector<16xi32>
        %select_n3A_1206 = arith.select %eq3A_1204, %min3A_1205, %select_n3A_1184 : vector<16xi1>, vector<16xi32>
        %select_n3A_1207 = arith.select %gt3A_1203, %add3A_1202, %select_n3A_1206 : vector<16xi1>, vector<16xi32>
        %max3A_1208 = arith.maximumf %max3A_1185, %get3A_1190 : vector<16xf32>
        %scan3A_1209 = arith.constant 8 : i32
        %reduce_max3A = arith.constant true
        %reduce_max3A_1210 = vector.broadcast %reduce_max3A : i1 to vector<16xi1>
        %reduce_max3A_1211 = tpu.scan <max>, %max3A_1208 masked %reduce_max3A_1210 : vector<16xf32>, vector<16xi1> -> vector<16xf32>
        %reduce_max3A_1212 = vector.extract %reduce_max3A_1211[15] : f32 from vector<16xf32>
        %eq3A_1213 = vector.broadcast %reduce_max3A_1212 : f32 to vector<16xf32>
        %eq3A_1214 = arith.cmpf oeq, %max3A_1208, %eq3A_1213 : vector<16xf32>
        %broadcast_in_dim3A_1215 = vector.broadcast %scan3A_167 : i32 to vector<16xi32>
        %select_n3A_1216 = arith.select %eq3A_1214, %select_n3A_1207, %broadcast_in_dim3A_1215 : vector<16xi1>, vector<16xi32>
        %reduce_min3A = arith.constant true
        %reduce_min3A_1217 = vector.broadcast %reduce_min3A : i1 to vector<16xi1>
        %reduce_min3A_1218 = arith.constant -2147483648 : i32
        %reduce_min3A_1219 = vector.broadcast %reduce_min3A_1218 : i32 to vector<16xi32>
        %reduce_min3A_1220 = arith.xori %select_n3A_1216, %reduce_min3A_1219 : vector<16xi32>
        %reduce_min3A_1221 = tpu.scan <min>, %reduce_min3A_1220 masked %reduce_min3A_1217 : vector<16xi32>, vector<16xi1> -> vector<16xi32>
        %reduce_min3A_1222 = arith.xori %reduce_min3A_1221, %reduce_min3A_1219 : vector<16xi32>
        %reduce_min3A_1223 = vector.extract %reduce_min3A_1222[15] : i32 from vector<16xi32>
        %jit3A_1224 = arith.constant 128 : i32
        %div3A = arith.divsi %reduce_min3A_1223, %jit3A_1224 : i32
        %sign3A = arith.constant 0 : i32
        %sign3A_1225 = arith.cmpi sgt, %reduce_min3A_1223, %sign3A : i32
        %sign3A_1226 = arith.extui %sign3A_1225 : i1 to i32
        %sign3A_1227 = arith.constant 0 : i32
        %sign3A_1228 = arith.cmpi slt, %reduce_min3A_1223, %sign3A_1227 : i32
        %sign3A_1229 = arith.extui %sign3A_1228 : i1 to i32
        %sign3A_1230 = arith.subi %sign3A_1226, %sign3A_1229 : i32
        %sign3A_1231 = arith.constant 0 : i32
        %sign3A_1232 = arith.cmpi sgt, %jit3A_1224, %sign3A_1231 : i32
        %sign3A_1233 = arith.extui %sign3A_1232 : i1 to i32
        %sign3A_1234 = arith.constant 0 : i32
        %sign3A_1235 = arith.cmpi slt, %jit3A_1224, %sign3A_1234 : i32
        %sign3A_1236 = arith.extui %sign3A_1235 : i1 to i32
        %sign3A_1237 = arith.subi %sign3A_1233, %sign3A_1236 : i32
        %ne3A = arith.cmpi ne, %sign3A_1230, %sign3A_1237 : i32
        %rem3A = arith.remsi %reduce_min3A_1223, %jit3A_1224 : i32
        %ne3A_1238 = arith.constant 0 : i32
        %ne3A_1239 = arith.cmpi ne, %rem3A, %ne3A_1238 : i32
        %and3A = arith.andi %ne3A, %ne3A_1239 : i1
        %sub3A_1240 = arith.constant 1 : i32
        %sub3A_1241 = arith.subi %div3A, %sub3A_1240 : i32
        %select_n3A_1242 = arith.select %and3A, %sub3A_1241, %div3A : i32
        %mul3A_1243 = arith.constant 128 : i32
        %mul3A_1244 = arith.muli %select_n3A_1242, %mul3A_1243 : i32
        %sub3A_1245 = arith.subi %reduce_min3A_1223, %mul3A_1244 : i32
        %mul3A_1246 = arith.constant 16 : i32
        %mul3A_1247 = arith.muli %sub3A_1245, %mul3A_1246 : i32
        %add3A_1248 = vector.broadcast %mul3A_1247 : i32 to vector<16xi32>
        %add3A_1249 = arith.addi %add3A_1248, %iota3A : vector<16xi32>
        %gather3A = tpu.vector_load_idx %arg15[%add3A_1249] : memref<2048xf32, #tpu.memory_space<vmem>>[vector<16xi32>], vector<16xf32>,
        %eq3A_1250 = vector.broadcast %reduce_max3A_1212 : f32 to vector<16xf32>
        %eq3A_1251 = arith.cmpf oeq, %gather3A, %eq3A_1250 : vector<16xf32>
        %broadcast_in_dim3A_1252 = vector.broadcast %scan3A_167 : i32 to vector<16xi32>
        %select_n3A_1253 = arith.select %eq3A_1251, %iota3A, %broadcast_in_dim3A_1252 : vector<16xi1>, vector<16xi32>
        %reduce_min3A_1254 = arith.constant true
        %reduce_min3A_1255 = vector.broadcast %reduce_min3A_1254 : i1 to vector<16xi1>
        %reduce_min3A_1256 = arith.constant -2147483648 : i32
        %reduce_min3A_1257 = vector.broadcast %reduce_min3A_1256 : i32 to vector<16xi32>
        %reduce_min3A_1258 = arith.xori %select_n3A_1253, %reduce_min3A_1257 : vector<16xi32>
        %reduce_min3A_1259 = tpu.scan <min>, %reduce_min3A_1258 masked %reduce_min3A_1255 : vector<16xi32>, vector<16xi1> -> vector<16xi32>
        %reduce_min3A_1260 = arith.xori %reduce_min3A_1259, %reduce_min3A_1257 : vector<16xi32>
        %reduce_min3A_1261 = vector.extract %reduce_min3A_1260[15] : i32 from vector<16xi32>
        %broadcast_in_dim3A_1262 = vector.broadcast %sub3A_1245 : i32 to vector<16xi32>
        %mul3A_1263 = arith.constant 16 : i32
        %mul3A_1264 = arith.muli %reduce_min3A_1261, %mul3A_1263 : i32
        %add3A_1265 = vector.broadcast %mul3A_1264 : i32 to vector<16xi32>
        %add3A_1266 = arith.addi %add3A_1265, %iota3A : vector<16xi32>
        %gather3A_1267 = tpu.vector_load_idx %arg14[%broadcast_in_dim3A_1262, %add3A_1266] : memref<128x256xf32, #tpu.memory_space<vmem>>[vector<16xi32>, vector<16xi32>], vector<16xf32>,
        %mul3A_1268 = arith.constant 16 : i32
        %mul3A_1269 = arith.muli %reduce_min3A_1261, %mul3A_1268 : i32
        %eq3A_1270 = vector.broadcast %reduce_max3A_1212 : f32 to vector<16xf32>
        %eq3A_1271 = arith.cmpf oeq, %gather3A_1267, %eq3A_1270 : vector<16xf32>
        %broadcast_in_dim3A_1272 = vector.broadcast %scan3A_167 : i32 to vector<16xi32>
        %select_n3A_1273 = arith.select %eq3A_1271, %iota3A, %broadcast_in_dim3A_1272 : vector<16xi1>, vector<16xi32>
        %reduce_min3A_1274 = arith.constant true
        %reduce_min3A_1275 = vector.broadcast %reduce_min3A_1274 : i1 to vector<16xi1>
        %reduce_min3A_1276 = arith.constant -2147483648 : i32
        %reduce_min3A_1277 = vector.broadcast %reduce_min3A_1276 : i32 to vector<16xi32>
        %reduce_min3A_1278 = arith.xori %select_n3A_1273, %reduce_min3A_1277 : vector<16xi32>
        %reduce_min3A_1279 = tpu.scan <min>, %reduce_min3A_1278 masked %reduce_min3A_1275 : vector<16xi32>, vector<16xi1> -> vector<16xi32>
        %reduce_min3A_1280 = arith.xori %reduce_min3A_1279, %reduce_min3A_1277 : vector<16xi32>
        %reduce_min3A_1281 = vector.extract %reduce_min3A_1280[15] : i32 from vector<16xi32>
        %add3A_1282 = arith.addi %mul3A_1269, %reduce_min3A_1281 : i32
        %broadcast_in_dim3A_1283 = vector.broadcast %sub3A_1245 : i32 to vector<16xi32>
        %broadcast_in_dim3A_1284 = vector.broadcast %add3A_1282 : i32 to vector<16xi32>
        %broadcast_in_dim3A_1285 = arith.constant 0xFF800000 : f32
        %broadcast_in_dim3A_1286 = vector.broadcast %broadcast_in_dim3A_1285 : f32 to vector<16xf32>
        tpu.vector_store_idx %arg14[%broadcast_in_dim3A_1283, %broadcast_in_dim3A_1284], %broadcast_in_dim3A_1286 masked %eq3A_4 : memref<128x256xf32, #tpu.memory_space<vmem>>[vector<16xi32>, vector<16xi32>], vector<16xf32>, vector<16xi1>
        %broadcast_in_dim3A_1287 = vector.broadcast %sub3A_1245 : i32 to vector<16xi32>
        %mul3A_1288 = arith.constant 16 : i32
        %mul3A_1289 = arith.muli %reduce_min3A_1261, %mul3A_1288 : i32
        %add3A_1290 = vector.broadcast %mul3A_1289 : i32 to vector<16xi32>
        %add3A_1291 = arith.addi %add3A_1290, %iota3A : vector<16xi32>
        %gather3A_1292 = tpu.vector_load_idx %arg14[%broadcast_in_dim3A_1287, %add3A_1291] : memref<128x256xf32, #tpu.memory_space<vmem>>[vector<16xi32>, vector<16xi32>], vector<16xf32>,
        %reduce_max3A_1293 = arith.constant true
        %reduce_max3A_1294 = vector.broadcast %reduce_max3A_1293 : i1 to vector<16xi1>
        %reduce_max3A_1295 = tpu.scan <max>, %gather3A_1292 masked %reduce_max3A_1294 : vector<16xf32>, vector<16xi1> -> vector<16xf32>
        %reduce_max3A_1296 = vector.extract %reduce_max3A_1295[15] : f32 from vector<16xf32>
        %mul3A_1297 = arith.constant 16 : i32
        %mul3A_1298 = arith.muli %sub3A_1245, %mul3A_1297 : i32
        %add3A_1299 = arith.addi %mul3A_1298, %reduce_min3A_1261 : i32
        %broadcast_in_dim3A_1300 = vector.broadcast %add3A_1299 : i32 to vector<16xi32>
        %broadcast_in_dim3A_1301 = vector.broadcast %reduce_max3A_1296 : f32 to vector<16xf32>
        tpu.vector_store_idx %arg15[%broadcast_in_dim3A_1300], %broadcast_in_dim3A_1301 masked %eq3A_4 : memref<2048xf32, #tpu.memory_space<vmem>>[vector<16xi32>], vector<16xf32>, vector<16xi1>
        %mul3A_1302 = arith.constant 16 : i32
        %mul3A_1303 = arith.muli %sub3A_1245, %mul3A_1302 : i32
        %add3A_1304 = vector.broadcast %mul3A_1303 : i32 to vector<16xi32>
        %add3A_1305 = arith.addi %add3A_1304, %iota3A : vector<16xi32>
        %gather3A_1306 = tpu.vector_load_idx %arg15[%add3A_1305] : memref<2048xf32, #tpu.memory_space<vmem>>[vector<16xi32>], vector<16xf32>,
        %reduce_max3A_1307 = arith.constant true
        %reduce_max3A_1308 = vector.broadcast %reduce_max3A_1307 : i1 to vector<16xi1>
        %reduce_max3A_1309 = tpu.scan <max>, %gather3A_1306 masked %reduce_max3A_1308 : vector<16xf32>, vector<16xi1> -> vector<16xf32>
        %reduce_max3A_1310 = vector.extract %reduce_max3A_1309[15] : f32 from vector<16xf32>
        %broadcast_in_dim3A_1311 = vector.broadcast %sub3A_1245 : i32 to vector<16xi32>
        %broadcast_in_dim3A_1312 = vector.broadcast %reduce_max3A_1310 : f32 to vector<16xf32>
        tpu.vector_store_idx %arg18[%broadcast_in_dim3A_1311], %broadcast_in_dim3A_1312 masked %eq3A_4 : memref<128xf32, #tpu.memory_space<vmem>>[vector<16xi32>], vector<16xf32>, vector<16xi1>
        %jit3A_1313 = arith.constant 256 : i32
        %div3A_1314 = arith.divsi %select_n3A_1242, %jit3A_1313 : i32
        %sign3A_1315 = arith.constant 0 : i32
        %sign3A_1316 = arith.cmpi sgt, %select_n3A_1242, %sign3A_1315 : i32
        %sign3A_1317 = arith.extui %sign3A_1316 : i1 to i32
        %sign3A_1318 = arith.constant 0 : i32
        %sign3A_1319 = arith.cmpi slt, %select_n3A_1242, %sign3A_1318 : i32
        %sign3A_1320 = arith.extui %sign3A_1319 : i1 to i32
        %sign3A_1321 = arith.subi %sign3A_1317, %sign3A_1320 : i32
        %sign3A_1322 = arith.constant 0 : i32
        %sign3A_1323 = arith.cmpi sgt, %jit3A_1313, %sign3A_1322 : i32
        %sign3A_1324 = arith.extui %sign3A_1323 : i1 to i32
        %sign3A_1325 = arith.constant 0 : i32
        %sign3A_1326 = arith.cmpi slt, %jit3A_1313, %sign3A_1325 : i32
        %sign3A_1327 = arith.extui %sign3A_1326 : i1 to i32
        %sign3A_1328 = arith.subi %sign3A_1324, %sign3A_1327 : i32
        %ne3A_1329 = arith.cmpi ne, %sign3A_1321, %sign3A_1328 : i32
        %rem3A_1330 = arith.remsi %select_n3A_1242, %jit3A_1313 : i32
        %ne3A_1331 = arith.constant 0 : i32
        %ne3A_1332 = arith.cmpi ne, %rem3A_1330, %ne3A_1331 : i32
        %and3A_1333 = arith.andi %ne3A_1329, %ne3A_1332 : i1
        %sub3A_1334 = arith.constant 1 : i32
        %sub3A_1335 = arith.subi %div3A_1314, %sub3A_1334 : i32
        %select_n3A_1336 = arith.select %and3A_1333, %sub3A_1335, %div3A_1314 : i32
        %mul3A_1337 = arith.constant 256 : i32
        %mul3A_1338 = arith.muli %select_n3A_1336, %mul3A_1337 : i32
        %sub3A_1339 = arith.subi %select_n3A_1242, %mul3A_1338 : i32
        %mul3A_1340 = arith.constant 256 : i32
        %mul3A_1341 = arith.muli %sub3A_1339, %mul3A_1340 : i32
        %add3A_1342 = arith.addi %mul3A_1341, %add3A_1282 : i32
        %broadcast_in_dim3A_1343 = vector.broadcast %scan3A_1024 : i32 to vector<16xi32>
        %broadcast_in_dim3A_1344 = vector.broadcast %reduce_max3A_1212 : f32 to vector<16xf32>
        tpu.vector_store_idx %arg23[%broadcast_in_dim3A_1343], %broadcast_in_dim3A_1344 masked %eq3A_4 : memref<128xf32, #tpu.memory_space<vmem>>[vector<16xi32>], vector<16xf32>, vector<16xi1>
        %broadcast_in_dim3A_1345 = vector.broadcast %scan3A_1024 : i32 to vector<16xi32>
        %broadcast_in_dim3A_1346 = vector.broadcast %select_n3A_1336 : i32 to vector<16xi32>
        %convert_element_type3A_1347 = arith.sitofp %broadcast_in_dim3A_1346 : vector<16xi32> to vector<16xf32>
        tpu.vector_store_idx %arg21[%broadcast_in_dim3A_1345], %convert_element_type3A_1347 masked %eq3A_4 : memref<128xf32, #tpu.memory_space<vmem>>[vector<16xi32>], vector<16xf32>, vector<16xi1>
        %broadcast_in_dim3A_1348 = vector.broadcast %scan3A_1024 : i32 to vector<16xi32>
        %broadcast_in_dim3A_1349 = vector.broadcast %add3A_1282 : i32 to vector<16xi32>
        %convert_element_type3A_1350 = arith.sitofp %broadcast_in_dim3A_1349 : vector<16xi32> to vector<16xf32>
        tpu.vector_store_idx %arg19[%broadcast_in_dim3A_1348], %convert_element_type3A_1350 masked %eq3A_4 : memref<128xf32, #tpu.memory_space<vmem>>[vector<16xi32>], vector<16xf32>, vector<16xi1>
        %broadcast_in_dim3A_1351 = vector.broadcast %scan3A_1024 : i32 to vector<16xi32>
        %broadcast_in_dim3A_1352 = vector.broadcast %sub3A_1339 : i32 to vector<16xi32>
        %convert_element_type3A_1353 = arith.sitofp %broadcast_in_dim3A_1352 : vector<16xi32> to vector<16xf32>
        tpu.vector_store_idx %arg20[%broadcast_in_dim3A_1351], %convert_element_type3A_1353 masked %eq3A_4 : memref<128xf32, #tpu.memory_space<vmem>>[vector<16xi32>], vector<16xf32>, vector<16xi1>
        %broadcast_in_dim3A_1354 = vector.broadcast %scan3A_1024 : i32 to vector<16xi32>
        %broadcast_in_dim3A_1355 = vector.broadcast %add3A_1342 : i32 to vector<16xi32>
        tpu.vector_store_idx %arg22[%broadcast_in_dim3A_1354], %broadcast_in_dim3A_1355 masked %eq3A_4 : memref<128xi32, #tpu.memory_space<vmem>>[vector<16xi32>], vector<16xi32>, vector<16xi1>
      }
      %scan3A_172 = arith.constant 100 : i32
      %add3A_173 = arith.constant 0 : i32
      %add3A_174 = vector.broadcast %add3A_173 : i32 to vector<16xi32>
      %add3A_175 = arith.addi %add3A_174, %iota3A : vector<16xi32>
      %ge3A = arith.constant 100 : i32
      %ge3A_176 = vector.broadcast %ge3A : i32 to vector<16xi32>
      %ge3A_177 = arith.cmpi sge, %add3A_175, %ge3A_176 : vector<16xi32>
      %broadcast_in_dim3A_178 = arith.constant -1.000000e+00 : f32
      %broadcast_in_dim3A_179 = vector.broadcast %broadcast_in_dim3A_178 : f32 to vector<16xf32>
      tpu.vector_store_idx %arg23[%add3A_175], %broadcast_in_dim3A_179 masked %ge3A_177 : memref<128xf32, #tpu.memory_space<vmem>>[vector<16xi32>], vector<16xf32>, vector<16xi1>
      %broadcast_in_dim3A_180 = arith.constant -1.000000e+00 : f32
      %broadcast_in_dim3A_181 = vector.broadcast %broadcast_in_dim3A_180 : f32 to vector<16xf32>
      tpu.vector_store_idx %arg21[%add3A_175], %broadcast_in_dim3A_181 masked %ge3A_177 : memref<128xf32, #tpu.memory_space<vmem>>[vector<16xi32>], vector<16xf32>, vector<16xi1>
      %broadcast_in_dim3A_182 = arith.constant 0.000000e+00 : f32
      %broadcast_in_dim3A_183 = vector.broadcast %broadcast_in_dim3A_182 : f32 to vector<16xf32>
      tpu.vector_store_idx %arg19[%add3A_175], %broadcast_in_dim3A_183 masked %ge3A_177 : memref<128xf32, #tpu.memory_space<vmem>>[vector<16xi32>], vector<16xf32>, vector<16xi1>
      %broadcast_in_dim3A_184 = arith.constant 0.000000e+00 : f32
      %broadcast_in_dim3A_185 = vector.broadcast %broadcast_in_dim3A_184 : f32 to vector<16xf32>
      tpu.vector_store_idx %arg20[%add3A_175], %broadcast_in_dim3A_185 masked %ge3A_177 : memref<128xf32, #tpu.memory_space<vmem>>[vector<16xi32>], vector<16xf32>, vector<16xi1>
      %broadcast_in_dim3A_186 = arith.constant 0 : i32
      %broadcast_in_dim3A_187 = vector.broadcast %broadcast_in_dim3A_186 : i32 to vector<16xi32>
      tpu.vector_store_idx %arg22[%add3A_175], %broadcast_in_dim3A_187 masked %ge3A_177 : memref<128xi32, #tpu.memory_space<vmem>>[vector<16xi32>], vector<16xi32>, vector<16xi1>
      %add3A_188 = arith.constant 16 : i32
      %add3A_189 = vector.broadcast %add3A_188 : i32 to vector<16xi32>
      %add3A_190 = arith.addi %add3A_189, %iota3A : vector<16xi32>
      %ge3A_191 = arith.constant 100 : i32
      %ge3A_192 = vector.broadcast %ge3A_191 : i32 to vector<16xi32>
      %ge3A_193 = arith.cmpi sge, %add3A_190, %ge3A_192 : vector<16xi32>
      %broadcast_in_dim3A_194 = arith.constant -1.000000e+00 : f32
      %broadcast_in_dim3A_195 = vector.broadcast %broadcast_in_dim3A_194 : f32 to vector<16xf32>
      tpu.vector_store_idx %arg23[%add3A_190], %broadcast_in_dim3A_195 masked %ge3A_193 : memref<128xf32, #tpu.memory_space<vmem>>[vector<16xi32>], vector<16xf32>, vector<16xi1>
      %broadcast_in_dim3A_196 = arith.constant -1.000000e+00 : f32
      %broadcast_in_dim3A_197 = vector.broadcast %broadcast_in_dim3A_196 : f32 to vector<16xf32>
      tpu.vector_store_idx %arg21[%add3A_190], %broadcast_in_dim3A_197 masked %ge3A_193 : memref<128xf32, #tpu.memory_space<vmem>>[vector<16xi32>], vector<16xf32>, vector<16xi1>
      %broadcast_in_dim3A_198 = arith.constant 0.000000e+00 : f32
      %broadcast_in_dim3A_199 = vector.broadcast %broadcast_in_dim3A_198 : f32 to vector<16xf32>
      tpu.vector_store_idx %arg19[%add3A_190], %broadcast_in_dim3A_199 masked %ge3A_193 : memref<128xf32, #tpu.memory_space<vmem>>[vector<16xi32>], vector<16xf32>, vector<16xi1>
      %broadcast_in_dim3A_200 = arith.constant 0.000000e+00 : f32
      %broadcast_in_dim3A_201 = vector.broadcast %broadcast_in_dim3A_200 : f32 to vector<16xf32>
      tpu.vector_store_idx %arg20[%add3A_190], %broadcast_in_dim3A_201 masked %ge3A_193 : memref<128xf32, #tpu.memory_space<vmem>>[vector<16xi32>], vector<16xf32>, vector<16xi1>
      %broadcast_in_dim3A_202 = arith.constant 0 : i32
      %broadcast_in_dim3A_203 = vector.broadcast %broadcast_in_dim3A_202 : i32 to vector<16xi32>
      tpu.vector_store_idx %arg22[%add3A_190], %broadcast_in_dim3A_203 masked %ge3A_193 : memref<128xi32, #tpu.memory_space<vmem>>[vector<16xi32>], vector<16xi32>, vector<16xi1>
      %add3A_204 = arith.constant 32 : i32
      %add3A_205 = vector.broadcast %add3A_204 : i32 to vector<16xi32>
      %add3A_206 = arith.addi %add3A_205, %iota3A : vector<16xi32>
      %ge3A_207 = arith.constant 100 : i32
      %ge3A_208 = vector.broadcast %ge3A_207 : i32 to vector<16xi32>
      %ge3A_209 = arith.cmpi sge, %add3A_206, %ge3A_208 : vector<16xi32>
      %broadcast_in_dim3A_210 = arith.constant -1.000000e+00 : f32
      %broadcast_in_dim3A_211 = vector.broadcast %broadcast_in_dim3A_210 : f32 to vector<16xf32>
      tpu.vector_store_idx %arg23[%add3A_206], %broadcast_in_dim3A_211 masked %ge3A_209 : memref<128xf32, #tpu.memory_space<vmem>>[vector<16xi32>], vector<16xf32>, vector<16xi1>
      %broadcast_in_dim3A_212 = arith.constant -1.000000e+00 : f32
      %broadcast_in_dim3A_213 = vector.broadcast %broadcast_in_dim3A_212 : f32 to vector<16xf32>
      tpu.vector_store_idx %arg21[%add3A_206], %broadcast_in_dim3A_213 masked %ge3A_209 : memref<128xf32, #tpu.memory_space<vmem>>[vector<16xi32>], vector<16xf32>, vector<16xi1>
      %broadcast_in_dim3A_214 = arith.constant 0.000000e+00 : f32
      %broadcast_in_dim3A_215 = vector.broadcast %broadcast_in_dim3A_214 : f32 to vector<16xf32>
      tpu.vector_store_idx %arg19[%add3A_206], %broadcast_in_dim3A_215 masked %ge3A_209 : memref<128xf32, #tpu.memory_space<vmem>>[vector<16xi32>], vector<16xf32>, vector<16xi1>
      %broadcast_in_dim3A_216 = arith.constant 0.000000e+00 : f32
      %broadcast_in_dim3A_217 = vector.broadcast %broadcast_in_dim3A_216 : f32 to vector<16xf32>
      tpu.vector_store_idx %arg20[%add3A_206], %broadcast_in_dim3A_217 masked %ge3A_209 : memref<128xf32, #tpu.memory_space<vmem>>[vector<16xi32>], vector<16xf32>, vector<16xi1>
      %broadcast_in_dim3A_218 = arith.constant 0 : i32
      %broadcast_in_dim3A_219 = vector.broadcast %broadcast_in_dim3A_218 : i32 to vector<16xi32>
      tpu.vector_store_idx %arg22[%add3A_206], %broadcast_in_dim3A_219 masked %ge3A_209 : memref<128xi32, #tpu.memory_space<vmem>>[vector<16xi32>], vector<16xi32>, vector<16xi1>
      %add3A_220 = arith.constant 48 : i32
      %add3A_221 = vector.broadcast %add3A_220 : i32 to vector<16xi32>
      %add3A_222 = arith.addi %add3A_221, %iota3A : vector<16xi32>
      %ge3A_223 = arith.constant 100 : i32
      %ge3A_224 = vector.broadcast %ge3A_223 : i32 to vector<16xi32>
      %ge3A_225 = arith.cmpi sge, %add3A_222, %ge3A_224 : vector<16xi32>
      %broadcast_in_dim3A_226 = arith.constant -1.000000e+00 : f32
      %broadcast_in_dim3A_227 = vector.broadcast %broadcast_in_dim3A_226 : f32 to vector<16xf32>
      tpu.vector_store_idx %arg23[%add3A_222], %broadcast_in_dim3A_227 masked %ge3A_225 : memref<128xf32, #tpu.memory_space<vmem>>[vector<16xi32>], vector<16xf32>, vector<16xi1>
      %broadcast_in_dim3A_228 = arith.constant -1.000000e+00 : f32
      %broadcast_in_dim3A_229 = vector.broadcast %broadcast_in_dim3A_228 : f32 to vector<16xf32>
      tpu.vector_store_idx %arg21[%add3A_222], %broadcast_in_dim3A_229 masked %ge3A_225 : memref<128xf32, #tpu.memory_space<vmem>>[vector<16xi32>], vector<16xf32>, vector<16xi1>
      %broadcast_in_dim3A_230 = arith.constant 0.000000e+00 : f32
      %broadcast_in_dim3A_231 = vector.broadcast %broadcast_in_dim3A_230 : f32 to vector<16xf32>
      tpu.vector_store_idx %arg19[%add3A_222], %broadcast_in_dim3A_231 masked %ge3A_225 : memref<128xf32, #tpu.memory_space<vmem>>[vector<16xi32>], vector<16xf32>, vector<16xi1>
      %broadcast_in_dim3A_232 = arith.constant 0.000000e+00 : f32
      %broadcast_in_dim3A_233 = vector.broadcast %broadcast_in_dim3A_232 : f32 to vector<16xf32>
      tpu.vector_store_idx %arg20[%add3A_222], %broadcast_in_dim3A_233 masked %ge3A_225 : memref<128xf32, #tpu.memory_space<vmem>>[vector<16xi32>], vector<16xf32>, vector<16xi1>
      %broadcast_in_dim3A_234 = arith.constant 0 : i32
      %broadcast_in_dim3A_235 = vector.broadcast %broadcast_in_dim3A_234 : i32 to vector<16xi32>
      tpu.vector_store_idx %arg22[%add3A_222], %broadcast_in_dim3A_235 masked %ge3A_225 : memref<128xi32, #tpu.memory_space<vmem>>[vector<16xi32>], vector<16xi32>, vector<16xi1>
      %add3A_236 = arith.constant 64 : i32
      %add3A_237 = vector.broadcast %add3A_236 : i32 to vector<16xi32>
      %add3A_238 = arith.addi %add3A_237, %iota3A : vector<16xi32>
      %ge3A_239 = arith.constant 100 : i32
      %ge3A_240 = vector.broadcast %ge3A_239 : i32 to vector<16xi32>
      %ge3A_241 = arith.cmpi sge, %add3A_238, %ge3A_240 : vector<16xi32>
      %broadcast_in_dim3A_242 = arith.constant -1.000000e+00 : f32
      %broadcast_in_dim3A_243 = vector.broadcast %broadcast_in_dim3A_242 : f32 to vector<16xf32>
      tpu.vector_store_idx %arg23[%add3A_238], %broadcast_in_dim3A_243 masked %ge3A_241 : memref<128xf32, #tpu.memory_space<vmem>>[vector<16xi32>], vector<16xf32>, vector<16xi1>
      %broadcast_in_dim3A_244 = arith.constant -1.000000e+00 : f32
      %broadcast_in_dim3A_245 = vector.broadcast %broadcast_in_dim3A_244 : f32 to vector<16xf32>
      tpu.vector_store_idx %arg21[%add3A_238], %broadcast_in_dim3A_245 masked %ge3A_241 : memref<128xf32, #tpu.memory_space<vmem>>[vector<16xi32>], vector<16xf32>, vector<16xi1>
      %broadcast_in_dim3A_246 = arith.constant 0.000000e+00 : f32
      %broadcast_in_dim3A_247 = vector.broadcast %broadcast_in_dim3A_246 : f32 to vector<16xf32>
      tpu.vector_store_idx %arg19[%add3A_238], %broadcast_in_dim3A_247 masked %ge3A_241 : memref<128xf32, #tpu.memory_space<vmem>>[vector<16xi32>], vector<16xf32>, vector<16xi1>
      %broadcast_in_dim3A_248 = arith.constant 0.000000e+00 : f32
      %broadcast_in_dim3A_249 = vector.broadcast %broadcast_in_dim3A_248 : f32 to vector<16xf32>
      tpu.vector_store_idx %arg20[%add3A_238], %broadcast_in_dim3A_249 masked %ge3A_241 : memref<128xf32, #tpu.memory_space<vmem>>[vector<16xi32>], vector<16xf32>, vector<16xi1>
      %broadcast_in_dim3A_250 = arith.constant 0 : i32
      %broadcast_in_dim3A_251 = vector.broadcast %broadcast_in_dim3A_250 : i32 to vector<16xi32>
      tpu.vector_store_idx %arg22[%add3A_238], %broadcast_in_dim3A_251 masked %ge3A_241 : memref<128xi32, #tpu.memory_space<vmem>>[vector<16xi32>], vector<16xi32>, vector<16xi1>
      %add3A_252 = arith.constant 80 : i32
      %add3A_253 = vector.broadcast %add3A_252 : i32 to vector<16xi32>
      %add3A_254 = arith.addi %add3A_253, %iota3A : vector<16xi32>
      %ge3A_255 = arith.constant 100 : i32
      %ge3A_256 = vector.broadcast %ge3A_255 : i32 to vector<16xi32>
      %ge3A_257 = arith.cmpi sge, %add3A_254, %ge3A_256 : vector<16xi32>
      %broadcast_in_dim3A_258 = arith.constant -1.000000e+00 : f32
      %broadcast_in_dim3A_259 = vector.broadcast %broadcast_in_dim3A_258 : f32 to vector<16xf32>
      tpu.vector_store_idx %arg23[%add3A_254], %broadcast_in_dim3A_259 masked %ge3A_257 : memref<128xf32, #tpu.memory_space<vmem>>[vector<16xi32>], vector<16xf32>, vector<16xi1>
      %broadcast_in_dim3A_260 = arith.constant -1.000000e+00 : f32
      %broadcast_in_dim3A_261 = vector.broadcast %broadcast_in_dim3A_260 : f32 to vector<16xf32>
      tpu.vector_store_idx %arg21[%add3A_254], %broadcast_in_dim3A_261 masked %ge3A_257 : memref<128xf32, #tpu.memory_space<vmem>>[vector<16xi32>], vector<16xf32>, vector<16xi1>
      %broadcast_in_dim3A_262 = arith.constant 0.000000e+00 : f32
      %broadcast_in_dim3A_263 = vector.broadcast %broadcast_in_dim3A_262 : f32 to vector<16xf32>
      tpu.vector_store_idx %arg19[%add3A_254], %broadcast_in_dim3A_263 masked %ge3A_257 : memref<128xf32, #tpu.memory_space<vmem>>[vector<16xi32>], vector<16xf32>, vector<16xi1>
      %broadcast_in_dim3A_264 = arith.constant 0.000000e+00 : f32
      %broadcast_in_dim3A_265 = vector.broadcast %broadcast_in_dim3A_264 : f32 to vector<16xf32>
      tpu.vector_store_idx %arg20[%add3A_254], %broadcast_in_dim3A_265 masked %ge3A_257 : memref<128xf32, #tpu.memory_space<vmem>>[vector<16xi32>], vector<16xf32>, vector<16xi1>
      %broadcast_in_dim3A_266 = arith.constant 0 : i32
      %broadcast_in_dim3A_267 = vector.broadcast %broadcast_in_dim3A_266 : i32 to vector<16xi32>
      tpu.vector_store_idx %arg22[%add3A_254], %broadcast_in_dim3A_267 masked %ge3A_257 : memref<128xi32, #tpu.memory_space<vmem>>[vector<16xi32>], vector<16xi32>, vector<16xi1>
      %add3A_268 = arith.constant 96 : i32
      %add3A_269 = vector.broadcast %add3A_268 : i32 to vector<16xi32>
      %add3A_270 = arith.addi %add3A_269, %iota3A : vector<16xi32>
      %ge3A_271 = arith.constant 100 : i32
      %ge3A_272 = vector.broadcast %ge3A_271 : i32 to vector<16xi32>
      %ge3A_273 = arith.cmpi sge, %add3A_270, %ge3A_272 : vector<16xi32>
      %broadcast_in_dim3A_274 = arith.constant -1.000000e+00 : f32
      %broadcast_in_dim3A_275 = vector.broadcast %broadcast_in_dim3A_274 : f32 to vector<16xf32>
      tpu.vector_store_idx %arg23[%add3A_270], %broadcast_in_dim3A_275 masked %ge3A_273 : memref<128xf32, #tpu.memory_space<vmem>>[vector<16xi32>], vector<16xf32>, vector<16xi1>
      %broadcast_in_dim3A_276 = arith.constant -1.000000e+00 : f32
      %broadcast_in_dim3A_277 = vector.broadcast %broadcast_in_dim3A_276 : f32 to vector<16xf32>
      tpu.vector_store_idx %arg21[%add3A_270], %broadcast_in_dim3A_277 masked %ge3A_273 : memref<128xf32, #tpu.memory_space<vmem>>[vector<16xi32>], vector<16xf32>, vector<16xi1>
      %broadcast_in_dim3A_278 = arith.constant 0.000000e+00 : f32
      %broadcast_in_dim3A_279 = vector.broadcast %broadcast_in_dim3A_278 : f32 to vector<16xf32>
      tpu.vector_store_idx %arg19[%add3A_270], %broadcast_in_dim3A_279 masked %ge3A_273 : memref<128xf32, #tpu.memory_space<vmem>>[vector<16xi32>], vector<16xf32>, vector<16xi1>
      %broadcast_in_dim3A_280 = arith.constant 0.000000e+00 : f32
      %broadcast_in_dim3A_281 = vector.broadcast %broadcast_in_dim3A_280 : f32 to vector<16xf32>
      tpu.vector_store_idx %arg20[%add3A_270], %broadcast_in_dim3A_281 masked %ge3A_273 : memref<128xf32, #tpu.memory_space<vmem>>[vector<16xi32>], vector<16xf32>, vector<16xi1>
      %broadcast_in_dim3A_282 = arith.constant 0 : i32
      %broadcast_in_dim3A_283 = vector.broadcast %broadcast_in_dim3A_282 : i32 to vector<16xi32>
      tpu.vector_store_idx %arg22[%add3A_270], %broadcast_in_dim3A_283 masked %ge3A_273 : memref<128xi32, #tpu.memory_space<vmem>>[vector<16xi32>], vector<16xi32>, vector<16xi1>
      %add3A_284 = arith.constant 112 : i32
      %add3A_285 = vector.broadcast %add3A_284 : i32 to vector<16xi32>
      %add3A_286 = arith.addi %add3A_285, %iota3A : vector<16xi32>
      %ge3A_287 = arith.constant 100 : i32
      %ge3A_288 = vector.broadcast %ge3A_287 : i32 to vector<16xi32>
      %ge3A_289 = arith.cmpi sge, %add3A_286, %ge3A_288 : vector<16xi32>
      %broadcast_in_dim3A_290 = arith.constant -1.000000e+00 : f32
      %broadcast_in_dim3A_291 = vector.broadcast %broadcast_in_dim3A_290 : f32 to vector<16xf32>
      tpu.vector_store_idx %arg23[%add3A_286], %broadcast_in_dim3A_291 masked %ge3A_289 : memref<128xf32, #tpu.memory_space<vmem>>[vector<16xi32>], vector<16xf32>, vector<16xi1>
      %broadcast_in_dim3A_292 = arith.constant -1.000000e+00 : f32
      %broadcast_in_dim3A_293 = vector.broadcast %broadcast_in_dim3A_292 : f32 to vector<16xf32>
      tpu.vector_store_idx %arg21[%add3A_286], %broadcast_in_dim3A_293 masked %ge3A_289 : memref<128xf32, #tpu.memory_space<vmem>>[vector<16xi32>], vector<16xf32>, vector<16xi1>
      %broadcast_in_dim3A_294 = arith.constant 0.000000e+00 : f32
      %broadcast_in_dim3A_295 = vector.broadcast %broadcast_in_dim3A_294 : f32 to vector<16xf32>
      tpu.vector_store_idx %arg19[%add3A_286], %broadcast_in_dim3A_295 masked %ge3A_289 : memref<128xf32, #tpu.memory_space<vmem>>[vector<16xi32>], vector<16xf32>, vector<16xi1>
      %broadcast_in_dim3A_296 = arith.constant 0.000000e+00 : f32
      %broadcast_in_dim3A_297 = vector.broadcast %broadcast_in_dim3A_296 : f32 to vector<16xf32>
      tpu.vector_store_idx %arg20[%add3A_286], %broadcast_in_dim3A_297 masked %ge3A_289 : memref<128xf32, #tpu.memory_space<vmem>>[vector<16xi32>], vector<16xf32>, vector<16xi1>
      %broadcast_in_dim3A_298 = arith.constant 0 : i32
      %broadcast_in_dim3A_299 = vector.broadcast %broadcast_in_dim3A_298 : i32 to vector<16xi32>
      tpu.vector_store_idx %arg22[%add3A_286], %broadcast_in_dim3A_299 masked %ge3A_289 : memref<128xi32, #tpu.memory_space<vmem>>[vector<16xi32>], vector<16xi32>, vector<16xi1>
      %get3A_300 = arith.constant 0 : index
      %get3A_301 = tpu.vector_load %arg22[%get3A_300] {strides = array<i32>} : memref<128xi32, #tpu.memory_space<vmem>>, vector<16xi32>,
      %mul3A_302 = arith.constant 131072 : i32
      %mul3A_303 = arith.muli %add3A, %mul3A_302 : i32
      %add3A_304 = vector.broadcast %mul3A_303 : i32 to vector<16xi32>
      %add3A_305 = arith.addi %get3A_301, %add3A_304 : vector<16xi32>
      %swap3A_306 = arith.constant 0 : index
      %swap3A_307 = tpu.vector_load %arg16[%swap3A_306] {strides = array<i32>} : memref<128xi32, #tpu.memory_space<vmem>>, vector<16xi32>,
      tpu.vector_store %arg16[%swap3A_306], %add3A_305 {strides = array<i32>} : memref<128xi32, #tpu.memory_space<vmem>>, vector<16xi32>,
      %add3A_308 = arith.constant 65536 : i32
      %add3A_309 = vector.broadcast %add3A_308 : i32 to vector<16xi32>
      %add3A_310 = arith.addi %add3A_305, %add3A_309 : vector<16xi32>
      %swap3A_311 = arith.constant 0 : index
      %swap3A_312 = tpu.vector_load %arg17[%swap3A_311] {strides = array<i32>} : memref<128xi32, #tpu.memory_space<vmem>>, vector<16xi32>,
      tpu.vector_store %arg17[%swap3A_311], %add3A_310 {strides = array<i32>} : memref<128xi32, #tpu.memory_space<vmem>>, vector<16xi32>,
      %get3A_313 = arith.constant 16 : index
      %get3A_314 = tpu.vector_load %arg22[%get3A_313] {strides = array<i32>} : memref<128xi32, #tpu.memory_space<vmem>>, vector<16xi32>,
      %mul3A_315 = arith.constant 131072 : i32
      %mul3A_316 = arith.muli %add3A, %mul3A_315 : i32
      %add3A_317 = vector.broadcast %mul3A_316 : i32 to vector<16xi32>
      %add3A_318 = arith.addi %get3A_314, %add3A_317 : vector<16xi32>
      %swap3A_319 = arith.constant 16 : index
      %swap3A_320 = tpu.vector_load %arg16[%swap3A_319] {strides = array<i32>} : memref<128xi32, #tpu.memory_space<vmem>>, vector<16xi32>,
      tpu.vector_store %arg16[%swap3A_319], %add3A_318 {strides = array<i32>} : memref<128xi32, #tpu.memory_space<vmem>>, vector<16xi32>,
      %add3A_321 = arith.constant 65536 : i32
      %add3A_322 = vector.broadcast %add3A_321 : i32 to vector<16xi32>
      %add3A_323 = arith.addi %add3A_318, %add3A_322 : vector<16xi32>
      %swap3A_324 = arith.constant 16 : index
      %swap3A_325 = tpu.vector_load %arg17[%swap3A_324] {strides = array<i32>} : memref<128xi32, #tpu.memory_space<vmem>>, vector<16xi32>,
      tpu.vector_store %arg17[%swap3A_324], %add3A_323 {strides = array<i32>} : memref<128xi32, #tpu.memory_space<vmem>>, vector<16xi32>,
      %get3A_326 = arith.constant 32 : index
      %get3A_327 = tpu.vector_load %arg22[%get3A_326] {strides = array<i32>} : memref<128xi32, #tpu.memory_space<vmem>>, vector<16xi32>,
      %mul3A_328 = arith.constant 131072 : i32
      %mul3A_329 = arith.muli %add3A, %mul3A_328 : i32
      %add3A_330 = vector.broadcast %mul3A_329 : i32 to vector<16xi32>
      %add3A_331 = arith.addi %get3A_327, %add3A_330 : vector<16xi32>
      %swap3A_332 = arith.constant 32 : index
      %swap3A_333 = tpu.vector_load %arg16[%swap3A_332] {strides = array<i32>} : memref<128xi32, #tpu.memory_space<vmem>>, vector<16xi32>,
      tpu.vector_store %arg16[%swap3A_332], %add3A_331 {strides = array<i32>} : memref<128xi32, #tpu.memory_space<vmem>>, vector<16xi32>,
      %add3A_334 = arith.constant 65536 : i32
      %add3A_335 = vector.broadcast %add3A_334 : i32 to vector<16xi32>
      %add3A_336 = arith.addi %add3A_331, %add3A_335 : vector<16xi32>
      %swap3A_337 = arith.constant 32 : index
      %swap3A_338 = tpu.vector_load %arg17[%swap3A_337] {strides = array<i32>} : memref<128xi32, #tpu.memory_space<vmem>>, vector<16xi32>,
      tpu.vector_store %arg17[%swap3A_337], %add3A_336 {strides = array<i32>} : memref<128xi32, #tpu.memory_space<vmem>>, vector<16xi32>,
      %get3A_339 = arith.constant 48 : index
      %get3A_340 = tpu.vector_load %arg22[%get3A_339] {strides = array<i32>} : memref<128xi32, #tpu.memory_space<vmem>>, vector<16xi32>,
      %mul3A_341 = arith.constant 131072 : i32
      %mul3A_342 = arith.muli %add3A, %mul3A_341 : i32
      %add3A_343 = vector.broadcast %mul3A_342 : i32 to vector<16xi32>
      %add3A_344 = arith.addi %get3A_340, %add3A_343 : vector<16xi32>
      %swap3A_345 = arith.constant 48 : index
      %swap3A_346 = tpu.vector_load %arg16[%swap3A_345] {strides = array<i32>} : memref<128xi32, #tpu.memory_space<vmem>>, vector<16xi32>,
      tpu.vector_store %arg16[%swap3A_345], %add3A_344 {strides = array<i32>} : memref<128xi32, #tpu.memory_space<vmem>>, vector<16xi32>,
      %add3A_347 = arith.constant 65536 : i32
      %add3A_348 = vector.broadcast %add3A_347 : i32 to vector<16xi32>
      %add3A_349 = arith.addi %add3A_344, %add3A_348 : vector<16xi32>
      %swap3A_350 = arith.constant 48 : index
      %swap3A_351 = tpu.vector_load %arg17[%swap3A_350] {strides = array<i32>} : memref<128xi32, #tpu.memory_space<vmem>>, vector<16xi32>,
      tpu.vector_store %arg17[%swap3A_350], %add3A_349 {strides = array<i32>} : memref<128xi32, #tpu.memory_space<vmem>>, vector<16xi32>,
      %get3A_352 = arith.constant 64 : index
      %get3A_353 = tpu.vector_load %arg22[%get3A_352] {strides = array<i32>} : memref<128xi32, #tpu.memory_space<vmem>>, vector<16xi32>,
      %mul3A_354 = arith.constant 131072 : i32
      %mul3A_355 = arith.muli %add3A, %mul3A_354 : i32
      %add3A_356 = vector.broadcast %mul3A_355 : i32 to vector<16xi32>
      %add3A_357 = arith.addi %get3A_353, %add3A_356 : vector<16xi32>
      %swap3A_358 = arith.constant 64 : index
      %swap3A_359 = tpu.vector_load %arg16[%swap3A_358] {strides = array<i32>} : memref<128xi32, #tpu.memory_space<vmem>>, vector<16xi32>,
      tpu.vector_store %arg16[%swap3A_358], %add3A_357 {strides = array<i32>} : memref<128xi32, #tpu.memory_space<vmem>>, vector<16xi32>,
      %add3A_360 = arith.constant 65536 : i32
      %add3A_361 = vector.broadcast %add3A_360 : i32 to vector<16xi32>
      %add3A_362 = arith.addi %add3A_357, %add3A_361 : vector<16xi32>
      %swap3A_363 = arith.constant 64 : index
      %swap3A_364 = tpu.vector_load %arg17[%swap3A_363] {strides = array<i32>} : memref<128xi32, #tpu.memory_space<vmem>>, vector<16xi32>,
      tpu.vector_store %arg17[%swap3A_363], %add3A_362 {strides = array<i32>} : memref<128xi32, #tpu.memory_space<vmem>>, vector<16xi32>,
      %get3A_365 = arith.constant 80 : index
      %get3A_366 = tpu.vector_load %arg22[%get3A_365] {strides = array<i32>} : memref<128xi32, #tpu.memory_space<vmem>>, vector<16xi32>,
      %mul3A_367 = arith.constant 131072 : i32
      %mul3A_368 = arith.muli %add3A, %mul3A_367 : i32
      %add3A_369 = vector.broadcast %mul3A_368 : i32 to vector<16xi32>
      %add3A_370 = arith.addi %get3A_366, %add3A_369 : vector<16xi32>
      %swap3A_371 = arith.constant 80 : index
      %swap3A_372 = tpu.vector_load %arg16[%swap3A_371] {strides = array<i32>} : memref<128xi32, #tpu.memory_space<vmem>>, vector<16xi32>,
      tpu.vector_store %arg16[%swap3A_371], %add3A_370 {strides = array<i32>} : memref<128xi32, #tpu.memory_space<vmem>>, vector<16xi32>,
      %add3A_373 = arith.constant 65536 : i32
      %add3A_374 = vector.broadcast %add3A_373 : i32 to vector<16xi32>
      %add3A_375 = arith.addi %add3A_370, %add3A_374 : vector<16xi32>
      %swap3A_376 = arith.constant 80 : index
      %swap3A_377 = tpu.vector_load %arg17[%swap3A_376] {strides = array<i32>} : memref<128xi32, #tpu.memory_space<vmem>>, vector<16xi32>,
      tpu.vector_store %arg17[%swap3A_376], %add3A_375 {strides = array<i32>} : memref<128xi32, #tpu.memory_space<vmem>>, vector<16xi32>,
      %get3A_378 = arith.constant 96 : index
      %get3A_379 = tpu.vector_load %arg22[%get3A_378] {strides = array<i32>} : memref<128xi32, #tpu.memory_space<vmem>>, vector<16xi32>,
      %mul3A_380 = arith.constant 131072 : i32
      %mul3A_381 = arith.muli %add3A, %mul3A_380 : i32
      %add3A_382 = vector.broadcast %mul3A_381 : i32 to vector<16xi32>
      %add3A_383 = arith.addi %get3A_379, %add3A_382 : vector<16xi32>
      %swap3A_384 = arith.constant 96 : index
      %swap3A_385 = tpu.vector_load %arg16[%swap3A_384] {strides = array<i32>} : memref<128xi32, #tpu.memory_space<vmem>>, vector<16xi32>,
      tpu.vector_store %arg16[%swap3A_384], %add3A_383 {strides = array<i32>} : memref<128xi32, #tpu.memory_space<vmem>>, vector<16xi32>,
      %add3A_386 = arith.constant 65536 : i32
      %add3A_387 = vector.broadcast %add3A_386 : i32 to vector<16xi32>
      %add3A_388 = arith.addi %add3A_383, %add3A_387 : vector<16xi32>
      %swap3A_389 = arith.constant 96 : index
      %swap3A_390 = tpu.vector_load %arg17[%swap3A_389] {strides = array<i32>} : memref<128xi32, #tpu.memory_space<vmem>>, vector<16xi32>,
      tpu.vector_store %arg17[%swap3A_389], %add3A_388 {strides = array<i32>} : memref<128xi32, #tpu.memory_space<vmem>>, vector<16xi32>,
      %get3A_391 = arith.constant 112 : index
      %get3A_392 = tpu.vector_load %arg22[%get3A_391] {strides = array<i32>} : memref<128xi32, #tpu.memory_space<vmem>>, vector<16xi32>,
      %mul3A_393 = arith.constant 131072 : i32
      %mul3A_394 = arith.muli %add3A, %mul3A_393 : i32
      %add3A_395 = vector.broadcast %mul3A_394 : i32 to vector<16xi32>
      %add3A_396 = arith.addi %get3A_392, %add3A_395 : vector<16xi32>
      %swap3A_397 = arith.constant 112 : index
      %swap3A_398 = tpu.vector_load %arg16[%swap3A_397] {strides = array<i32>} : memref<128xi32, #tpu.memory_space<vmem>>, vector<16xi32>,
      tpu.vector_store %arg16[%swap3A_397], %add3A_396 {strides = array<i32>} : memref<128xi32, #tpu.memory_space<vmem>>, vector<16xi32>,
      %add3A_399 = arith.constant 65536 : i32
      %add3A_400 = vector.broadcast %add3A_399 : i32 to vector<16xi32>
      %add3A_401 = arith.addi %add3A_396, %add3A_400 : vector<16xi32>
      %swap3A_402 = arith.constant 112 : index
      %swap3A_403 = tpu.vector_load %arg17[%swap3A_402] {strides = array<i32>} : memref<128xi32, #tpu.memory_space<vmem>>, vector<16xi32>,
      tpu.vector_store %arg17[%swap3A_402], %add3A_401 {strides = array<i32>} : memref<128xi32, #tpu.memory_space<vmem>>, vector<16xi32>,
      %dma_start3A_404 = arith.constant 0 : i32
      %dma_start3A_405 = tpu.memref_slice %arg4[%dma_start3A_404] : memref<1048576xf32, #tpu.memory_space<hbm>> -> memref<1048576xf32, #tpu.memory_space<hbm>>
      tpu.enqueue_indirect_dma source(%dma_start3A_405 : memref<1048576xf32, #tpu.memory_space<hbm>>) target(%arg24 : memref<128xf32, #tpu.memory_space<vmem>>) offsets(%arg16 : memref<128xi32, #tpu.memory_space<vmem>>) semaphore(%arg29 : memref<!tpu.dma_semaphore, #tpu.memory_space<semaphore_mem>>)
      %dma_wait3A_406 = arith.constant 0 : i32
      %dma_wait3A_407 = tpu.memref_slice %arg4[%dma_wait3A_406] : memref<1048576xf32, #tpu.memory_space<hbm>> -> memref<1048576xf32, #tpu.memory_space<hbm>>
      tpu.wait_indirect_dma semaphore(%arg29 : memref<!tpu.dma_semaphore, #tpu.memory_space<semaphore_mem>>) src(%dma_wait3A_407 : memref<1048576xf32, #tpu.memory_space<hbm>>) dst(%arg24 : memref<128xf32, #tpu.memory_space<vmem>>)
      %dma_start3A_408 = arith.constant 0 : i32
      %dma_start3A_409 = tpu.memref_slice %arg4[%dma_start3A_408] : memref<1048576xf32, #tpu.memory_space<hbm>> -> memref<1048576xf32, #tpu.memory_space<hbm>>
      tpu.enqueue_indirect_dma source(%dma_start3A_409 : memref<1048576xf32, #tpu.memory_space<hbm>>) target(%arg25 : memref<128xf32, #tpu.memory_space<vmem>>) offsets(%arg17 : memref<128xi32, #tpu.memory_space<vmem>>) semaphore(%arg29 : memref<!tpu.dma_semaphore, #tpu.memory_space<semaphore_mem>>)
      %dma_wait3A_410 = arith.constant 0 : i32
      %dma_wait3A_411 = tpu.memref_slice %arg4[%dma_wait3A_410] : memref<1048576xf32, #tpu.memory_space<hbm>> -> memref<1048576xf32, #tpu.memory_space<hbm>>
      tpu.wait_indirect_dma semaphore(%arg29 : memref<!tpu.dma_semaphore, #tpu.memory_space<semaphore_mem>>) src(%dma_wait3A_411 : memref<1048576xf32, #tpu.memory_space<hbm>>) dst(%arg25 : memref<128xf32, #tpu.memory_space<vmem>>)
      %dma_start3A_412 = arith.constant 0 : i32
      %dma_start3A_413 = tpu.memref_slice %arg5[%dma_start3A_412] : memref<1048576xf32, #tpu.memory_space<hbm>> -> memref<1048576xf32, #tpu.memory_space<hbm>>
      tpu.enqueue_indirect_dma source(%dma_start3A_413 : memref<1048576xf32, #tpu.memory_space<hbm>>) target(%arg26 : memref<128xf32, #tpu.memory_space<vmem>>) offsets(%arg16 : memref<128xi32, #tpu.memory_space<vmem>>) semaphore(%arg29 : memref<!tpu.dma_semaphore, #tpu.memory_space<semaphore_mem>>)
      %dma_wait3A_414 = arith.constant 0 : i32
      %dma_wait3A_415 = tpu.memref_slice %arg5[%dma_wait3A_414] : memref<1048576xf32, #tpu.memory_space<hbm>> -> memref<1048576xf32, #tpu.memory_space<hbm>>
      tpu.wait_indirect_dma semaphore(%arg29 : memref<!tpu.dma_semaphore, #tpu.memory_space<semaphore_mem>>) src(%dma_wait3A_415 : memref<1048576xf32, #tpu.memory_space<hbm>>) dst(%arg26 : memref<128xf32, #tpu.memory_space<vmem>>)
      %dma_start3A_416 = arith.constant 0 : i32
      %dma_start3A_417 = tpu.memref_slice %arg5[%dma_start3A_416] : memref<1048576xf32, #tpu.memory_space<hbm>> -> memref<1048576xf32, #tpu.memory_space<hbm>>
      tpu.enqueue_indirect_dma source(%dma_start3A_417 : memref<1048576xf32, #tpu.memory_space<hbm>>) target(%arg27 : memref<128xf32, #tpu.memory_space<vmem>>) offsets(%arg17 : memref<128xi32, #tpu.memory_space<vmem>>) semaphore(%arg29 : memref<!tpu.dma_semaphore, #tpu.memory_space<semaphore_mem>>)
      %dma_wait3A_418 = arith.constant 0 : i32
      %dma_wait3A_419 = tpu.memref_slice %arg5[%dma_wait3A_418] : memref<1048576xf32, #tpu.memory_space<hbm>> -> memref<1048576xf32, #tpu.memory_space<hbm>>
      tpu.wait_indirect_dma semaphore(%arg29 : memref<!tpu.dma_semaphore, #tpu.memory_space<semaphore_mem>>) src(%dma_wait3A_419 : memref<1048576xf32, #tpu.memory_space<hbm>>) dst(%arg27 : memref<128xf32, #tpu.memory_space<vmem>>)
      %get3A_420 = arith.constant 0 : index
      %get3A_421 = tpu.vector_load %arg23[%get3A_420] {strides = array<i32>} : memref<128xf32, #tpu.memory_space<vmem>>, vector<16xf32>,
      %gt3A = arith.constant 0.00999999977 : f32
      %gt3A_422 = vector.broadcast %gt3A : f32 to vector<16xf32>
      %gt3A_423 = arith.cmpf ogt, %get3A_421, %gt3A_422 : vector<16xf32>
      %get3A_424 = arith.constant 0 : index
      %get3A_425 = tpu.vector_load %arg19[%get3A_424] {strides = array<i32>} : memref<128xf32, #tpu.memory_space<vmem>>, vector<16xf32>,
      %get3A_426 = arith.constant 0 : index
      %get3A_427 = tpu.vector_load %arg24[%get3A_426] {strides = array<i32>} : memref<128xf32, #tpu.memory_space<vmem>>, vector<16xf32>,
      %add3A_428 = arith.addf %get3A_425, %get3A_427 : vector<16xf32>
      %get3A_429 = arith.constant 0 : index
      %get3A_430 = tpu.vector_load %arg20[%get3A_429] {strides = array<i32>} : memref<128xf32, #tpu.memory_space<vmem>>, vector<16xf32>,
      %get3A_431 = arith.constant 0 : index
      %get3A_432 = tpu.vector_load %arg25[%get3A_431] {strides = array<i32>} : memref<128xf32, #tpu.memory_space<vmem>>, vector<16xf32>,
      %add3A_433 = arith.addf %get3A_430, %get3A_432 : vector<16xf32>
      %get3A_434 = arith.constant 0 : index
      %get3A_435 = tpu.vector_load %arg26[%get3A_434] {strides = array<i32>} : memref<128xf32, #tpu.memory_space<vmem>>, vector<16xf32>,
      %mul3A_436 = arith.constant 5.000000e-01 : f32
      %mul3A_437 = vector.broadcast %mul3A_436 : f32 to vector<16xf32>
      %mul3A_438 = arith.mulf %get3A_435, %mul3A_437 : vector<16xf32>
      %get3A_439 = arith.constant 0 : index
      %get3A_440 = tpu.vector_load %arg27[%get3A_439] {strides = array<i32>} : memref<128xf32, #tpu.memory_space<vmem>>, vector<16xf32>,
      %mul3A_441 = arith.constant 5.000000e-01 : f32
      %mul3A_442 = vector.broadcast %mul3A_441 : f32 to vector<16xf32>
      %mul3A_443 = arith.mulf %get3A_440, %mul3A_442 : vector<16xf32>
      %sub3A = arith.subf %add3A_428, %mul3A_438 : vector<16xf32>
      %jit3A = arith.constant -1.000000e+00 : f32
      %broadcast_in_dim3A_444 = vector.broadcast %jit3A : f32 to vector<16xf32>
      %select_n3A = arith.select %gt3A_423, %sub3A, %broadcast_in_dim3A_444 : vector<16xi1>, vector<16xf32>
      %mul3A_445 = arith.constant 4.000000e+00 : f32
      %mul3A_446 = vector.broadcast %mul3A_445 : f32 to vector<16xf32>
      %mul3A_447 = arith.mulf %select_n3A, %mul3A_446 : vector<16xf32>
      %sub3A_448 = arith.subf %add3A_433, %mul3A_443 : vector<16xf32>
      %jit3A_449 = arith.constant -1.000000e+00 : f32
      %broadcast_in_dim3A_450 = vector.broadcast %jit3A_449 : f32 to vector<16xf32>
      %select_n3A_451 = arith.select %gt3A_423, %sub3A_448, %broadcast_in_dim3A_450 : vector<16xi1>, vector<16xf32>
      %mul3A_452 = arith.constant 4.000000e+00 : f32
      %mul3A_453 = vector.broadcast %mul3A_452 : f32 to vector<16xf32>
      %mul3A_454 = arith.mulf %select_n3A_451, %mul3A_453 : vector<16xf32>
      %add3A_455 = arith.addf %add3A_428, %mul3A_438 : vector<16xf32>
      %jit3A_456 = arith.constant -1.000000e+00 : f32
      %broadcast_in_dim3A_457 = vector.broadcast %jit3A_456 : f32 to vector<16xf32>
      %select_n3A_458 = arith.select %gt3A_423, %add3A_455, %broadcast_in_dim3A_457 : vector<16xi1>, vector<16xf32>
      %mul3A_459 = arith.constant 4.000000e+00 : f32
      %mul3A_460 = vector.broadcast %mul3A_459 : f32 to vector<16xf32>
      %mul3A_461 = arith.mulf %select_n3A_458, %mul3A_460 : vector<16xf32>
      %add3A_462 = arith.addf %add3A_433, %mul3A_443 : vector<16xf32>
      %jit3A_463 = arith.constant -1.000000e+00 : f32
      %broadcast_in_dim3A_464 = vector.broadcast %jit3A_463 : f32 to vector<16xf32>
      %select_n3A_465 = arith.select %gt3A_423, %add3A_462, %broadcast_in_dim3A_464 : vector<16xi1>, vector<16xf32>
      %mul3A_466 = arith.constant 4.000000e+00 : f32
      %mul3A_467 = vector.broadcast %mul3A_466 : f32 to vector<16xf32>
      %mul3A_468 = arith.mulf %select_n3A_465, %mul3A_467 : vector<16xf32>
      %get3A_469 = arith.constant 0 : index
      %get3A_470 = tpu.vector_load %arg21[%get3A_469] {strides = array<i32>} : memref<128xf32, #tpu.memory_space<vmem>>, vector<16xf32>,
      %jit3A_471 = arith.constant -1.000000e+00 : f32
      %broadcast_in_dim3A_472 = vector.broadcast %jit3A_471 : f32 to vector<16xf32>
      %select_n3A_473 = arith.select %gt3A_423, %get3A_470, %broadcast_in_dim3A_472 : vector<16xi1>, vector<16xf32>
      %swap3A_474 = arith.constant 0 : index
      %swap3A_475 = tpu.vector_load %arg21[%swap3A_474] {strides = array<i32>} : memref<128xf32, #tpu.memory_space<vmem>>, vector<16xf32>,
      tpu.vector_store %arg21[%swap3A_474], %select_n3A_473 {strides = array<i32>} : memref<128xf32, #tpu.memory_space<vmem>>, vector<16xf32>,
      %jit3A_476 = arith.constant -1.000000e+00 : f32
      %broadcast_in_dim3A_477 = vector.broadcast %jit3A_476 : f32 to vector<16xf32>
      %select_n3A_478 = arith.select %gt3A_423, %get3A_421, %broadcast_in_dim3A_477 : vector<16xi1>, vector<16xf32>
      %swap3A_479 = arith.constant 0 : index
      %swap3A_480 = tpu.vector_load %arg23[%swap3A_479] {strides = array<i32>} : memref<128xf32, #tpu.memory_space<vmem>>, vector<16xf32>,
      tpu.vector_store %arg23[%swap3A_479], %select_n3A_478 {strides = array<i32>} : memref<128xf32, #tpu.memory_space<vmem>>, vector<16xf32>,
      %add3A_481 = arith.constant 0 : i32
      %add3A_482 = vector.broadcast %add3A_481 : i32 to vector<16xi32>
      %add3A_483 = arith.addi %add3A_482, %iota3A : vector<16xi32>
      %broadcast_in_dim3A_484 = arith.constant 0 : i32
      %broadcast_in_dim3A_485 = vector.broadcast %broadcast_in_dim3A_484 : i32 to vector<16xi32>
      tpu.vector_store_idx %arg28[%add3A_483, %broadcast_in_dim3A_485], %mul3A_447 : memref<128x4xf32, #tpu.memory_space<vmem>>[vector<16xi32>, vector<16xi32>], vector<16xf32>,
      %broadcast_in_dim3A_486 = arith.constant 1 : i32
      %broadcast_in_dim3A_487 = vector.broadcast %broadcast_in_dim3A_486 : i32 to vector<16xi32>
      tpu.vector_store_idx %arg28[%add3A_483, %broadcast_in_dim3A_487], %mul3A_454 : memref<128x4xf32, #tpu.memory_space<vmem>>[vector<16xi32>, vector<16xi32>], vector<16xf32>,
      %broadcast_in_dim3A_488 = arith.constant 2 : i32
      %broadcast_in_dim3A_489 = vector.broadcast %broadcast_in_dim3A_488 : i32 to vector<16xi32>
      tpu.vector_store_idx %arg28[%add3A_483, %broadcast_in_dim3A_489], %mul3A_461 : memref<128x4xf32, #tpu.memory_space<vmem>>[vector<16xi32>, vector<16xi32>], vector<16xf32>,
      %broadcast_in_dim3A_490 = arith.constant 3 : i32
      %broadcast_in_dim3A_491 = vector.broadcast %broadcast_in_dim3A_490 : i32 to vector<16xi32>
      tpu.vector_store_idx %arg28[%add3A_483, %broadcast_in_dim3A_491], %mul3A_468 : memref<128x4xf32, #tpu.memory_space<vmem>>[vector<16xi32>, vector<16xi32>], vector<16xf32>,
      %get3A_492 = arith.constant 16 : index
      %get3A_493 = tpu.vector_load %arg23[%get3A_492] {strides = array<i32>} : memref<128xf32, #tpu.memory_space<vmem>>, vector<16xf32>,
      %gt3A_494 = arith.constant 0.00999999977 : f32
      %gt3A_495 = vector.broadcast %gt3A_494 : f32 to vector<16xf32>
      %gt3A_496 = arith.cmpf ogt, %get3A_493, %gt3A_495 : vector<16xf32>
      %get3A_497 = arith.constant 16 : index
      %get3A_498 = tpu.vector_load %arg19[%get3A_497] {strides = array<i32>} : memref<128xf32, #tpu.memory_space<vmem>>, vector<16xf32>,
      %get3A_499 = arith.constant 16 : index
      %get3A_500 = tpu.vector_load %arg24[%get3A_499] {strides = array<i32>} : memref<128xf32, #tpu.memory_space<vmem>>, vector<16xf32>,
      %add3A_501 = arith.addf %get3A_498, %get3A_500 : vector<16xf32>
      %get3A_502 = arith.constant 16 : index
      %get3A_503 = tpu.vector_load %arg20[%get3A_502] {strides = array<i32>} : memref<128xf32, #tpu.memory_space<vmem>>, vector<16xf32>,
      %get3A_504 = arith.constant 16 : index
      %get3A_505 = tpu.vector_load %arg25[%get3A_504] {strides = array<i32>} : memref<128xf32, #tpu.memory_space<vmem>>, vector<16xf32>,
      %add3A_506 = arith.addf %get3A_503, %get3A_505 : vector<16xf32>
      %get3A_507 = arith.constant 16 : index
      %get3A_508 = tpu.vector_load %arg26[%get3A_507] {strides = array<i32>} : memref<128xf32, #tpu.memory_space<vmem>>, vector<16xf32>,
      %mul3A_509 = arith.constant 5.000000e-01 : f32
      %mul3A_510 = vector.broadcast %mul3A_509 : f32 to vector<16xf32>
      %mul3A_511 = arith.mulf %get3A_508, %mul3A_510 : vector<16xf32>
      %get3A_512 = arith.constant 16 : index
      %get3A_513 = tpu.vector_load %arg27[%get3A_512] {strides = array<i32>} : memref<128xf32, #tpu.memory_space<vmem>>, vector<16xf32>,
      %mul3A_514 = arith.constant 5.000000e-01 : f32
      %mul3A_515 = vector.broadcast %mul3A_514 : f32 to vector<16xf32>
      %mul3A_516 = arith.mulf %get3A_513, %mul3A_515 : vector<16xf32>
      %sub3A_517 = arith.subf %add3A_501, %mul3A_511 : vector<16xf32>
      %jit3A_518 = arith.constant -1.000000e+00 : f32
      %broadcast_in_dim3A_519 = vector.broadcast %jit3A_518 : f32 to vector<16xf32>
      %select_n3A_520 = arith.select %gt3A_496, %sub3A_517, %broadcast_in_dim3A_519 : vector<16xi1>, vector<16xf32>
      %mul3A_521 = arith.constant 4.000000e+00 : f32
      %mul3A_522 = vector.broadcast %mul3A_521 : f32 to vector<16xf32>
      %mul3A_523 = arith.mulf %select_n3A_520, %mul3A_522 : vector<16xf32>
      %sub3A_524 = arith.subf %add3A_506, %mul3A_516 : vector<16xf32>
      %jit3A_525 = arith.constant -1.000000e+00 : f32
      %broadcast_in_dim3A_526 = vector.broadcast %jit3A_525 : f32 to vector<16xf32>
      %select_n3A_527 = arith.select %gt3A_496, %sub3A_524, %broadcast_in_dim3A_526 : vector<16xi1>, vector<16xf32>
      %mul3A_528 = arith.constant 4.000000e+00 : f32
      %mul3A_529 = vector.broadcast %mul3A_528 : f32 to vector<16xf32>
      %mul3A_530 = arith.mulf %select_n3A_527, %mul3A_529 : vector<16xf32>
      %add3A_531 = arith.addf %add3A_501, %mul3A_511 : vector<16xf32>
      %jit3A_532 = arith.constant -1.000000e+00 : f32
      %broadcast_in_dim3A_533 = vector.broadcast %jit3A_532 : f32 to vector<16xf32>
      %select_n3A_534 = arith.select %gt3A_496, %add3A_531, %broadcast_in_dim3A_533 : vector<16xi1>, vector<16xf32>
      %mul3A_535 = arith.constant 4.000000e+00 : f32
      %mul3A_536 = vector.broadcast %mul3A_535 : f32 to vector<16xf32>
      %mul3A_537 = arith.mulf %select_n3A_534, %mul3A_536 : vector<16xf32>
      %add3A_538 = arith.addf %add3A_506, %mul3A_516 : vector<16xf32>
      %jit3A_539 = arith.constant -1.000000e+00 : f32
      %broadcast_in_dim3A_540 = vector.broadcast %jit3A_539 : f32 to vector<16xf32>
      %select_n3A_541 = arith.select %gt3A_496, %add3A_538, %broadcast_in_dim3A_540 : vector<16xi1>, vector<16xf32>
      %mul3A_542 = arith.constant 4.000000e+00 : f32
      %mul3A_543 = vector.broadcast %mul3A_542 : f32 to vector<16xf32>
      %mul3A_544 = arith.mulf %select_n3A_541, %mul3A_543 : vector<16xf32>
      %get3A_545 = arith.constant 16 : index
      %get3A_546 = tpu.vector_load %arg21[%get3A_545] {strides = array<i32>} : memref<128xf32, #tpu.memory_space<vmem>>, vector<16xf32>,
      %jit3A_547 = arith.constant -1.000000e+00 : f32
      %broadcast_in_dim3A_548 = vector.broadcast %jit3A_547 : f32 to vector<16xf32>
      %select_n3A_549 = arith.select %gt3A_496, %get3A_546, %broadcast_in_dim3A_548 : vector<16xi1>, vector<16xf32>
      %swap3A_550 = arith.constant 16 : index
      %swap3A_551 = tpu.vector_load %arg21[%swap3A_550] {strides = array<i32>} : memref<128xf32, #tpu.memory_space<vmem>>, vector<16xf32>,
      tpu.vector_store %arg21[%swap3A_550], %select_n3A_549 {strides = array<i32>} : memref<128xf32, #tpu.memory_space<vmem>>, vector<16xf32>,
      %jit3A_552 = arith.constant -1.000000e+00 : f32
      %broadcast_in_dim3A_553 = vector.broadcast %jit3A_552 : f32 to vector<16xf32>
      %select_n3A_554 = arith.select %gt3A_496, %get3A_493, %broadcast_in_dim3A_553 : vector<16xi1>, vector<16xf32>
      %swap3A_555 = arith.constant 16 : index
      %swap3A_556 = tpu.vector_load %arg23[%swap3A_555] {strides = array<i32>} : memref<128xf32, #tpu.memory_space<vmem>>, vector<16xf32>,
      tpu.vector_store %arg23[%swap3A_555], %select_n3A_554 {strides = array<i32>} : memref<128xf32, #tpu.memory_space<vmem>>, vector<16xf32>,
      %add3A_557 = arith.constant 16 : i32
      %add3A_558 = vector.broadcast %add3A_557 : i32 to vector<16xi32>
      %add3A_559 = arith.addi %add3A_558, %iota3A : vector<16xi32>
      %broadcast_in_dim3A_560 = arith.constant 0 : i32
      %broadcast_in_dim3A_561 = vector.broadcast %broadcast_in_dim3A_560 : i32 to vector<16xi32>
      tpu.vector_store_idx %arg28[%add3A_559, %broadcast_in_dim3A_561], %mul3A_523 : memref<128x4xf32, #tpu.memory_space<vmem>>[vector<16xi32>, vector<16xi32>], vector<16xf32>,
      %broadcast_in_dim3A_562 = arith.constant 1 : i32
      %broadcast_in_dim3A_563 = vector.broadcast %broadcast_in_dim3A_562 : i32 to vector<16xi32>
      tpu.vector_store_idx %arg28[%add3A_559, %broadcast_in_dim3A_563], %mul3A_530 : memref<128x4xf32, #tpu.memory_space<vmem>>[vector<16xi32>, vector<16xi32>], vector<16xf32>,
      %broadcast_in_dim3A_564 = arith.constant 2 : i32
      %broadcast_in_dim3A_565 = vector.broadcast %broadcast_in_dim3A_564 : i32 to vector<16xi32>
      tpu.vector_store_idx %arg28[%add3A_559, %broadcast_in_dim3A_565], %mul3A_537 : memref<128x4xf32, #tpu.memory_space<vmem>>[vector<16xi32>, vector<16xi32>], vector<16xf32>,
      %broadcast_in_dim3A_566 = arith.constant 3 : i32
      %broadcast_in_dim3A_567 = vector.broadcast %broadcast_in_dim3A_566 : i32 to vector<16xi32>
      tpu.vector_store_idx %arg28[%add3A_559, %broadcast_in_dim3A_567], %mul3A_544 : memref<128x4xf32, #tpu.memory_space<vmem>>[vector<16xi32>, vector<16xi32>], vector<16xf32>,
      %get3A_568 = arith.constant 32 : index
      %get3A_569 = tpu.vector_load %arg23[%get3A_568] {strides = array<i32>} : memref<128xf32, #tpu.memory_space<vmem>>, vector<16xf32>,
      %gt3A_570 = arith.constant 0.00999999977 : f32
      %gt3A_571 = vector.broadcast %gt3A_570 : f32 to vector<16xf32>
      %gt3A_572 = arith.cmpf ogt, %get3A_569, %gt3A_571 : vector<16xf32>
      %get3A_573 = arith.constant 32 : index
      %get3A_574 = tpu.vector_load %arg19[%get3A_573] {strides = array<i32>} : memref<128xf32, #tpu.memory_space<vmem>>, vector<16xf32>,
      %get3A_575 = arith.constant 32 : index
      %get3A_576 = tpu.vector_load %arg24[%get3A_575] {strides = array<i32>} : memref<128xf32, #tpu.memory_space<vmem>>, vector<16xf32>,
      %add3A_577 = arith.addf %get3A_574, %get3A_576 : vector<16xf32>
      %get3A_578 = arith.constant 32 : index
      %get3A_579 = tpu.vector_load %arg20[%get3A_578] {strides = array<i32>} : memref<128xf32, #tpu.memory_space<vmem>>, vector<16xf32>,
      %get3A_580 = arith.constant 32 : index
      %get3A_581 = tpu.vector_load %arg25[%get3A_580] {strides = array<i32>} : memref<128xf32, #tpu.memory_space<vmem>>, vector<16xf32>,
      %add3A_582 = arith.addf %get3A_579, %get3A_581 : vector<16xf32>
      %get3A_583 = arith.constant 32 : index
      %get3A_584 = tpu.vector_load %arg26[%get3A_583] {strides = array<i32>} : memref<128xf32, #tpu.memory_space<vmem>>, vector<16xf32>,
      %mul3A_585 = arith.constant 5.000000e-01 : f32
      %mul3A_586 = vector.broadcast %mul3A_585 : f32 to vector<16xf32>
      %mul3A_587 = arith.mulf %get3A_584, %mul3A_586 : vector<16xf32>
      %get3A_588 = arith.constant 32 : index
      %get3A_589 = tpu.vector_load %arg27[%get3A_588] {strides = array<i32>} : memref<128xf32, #tpu.memory_space<vmem>>, vector<16xf32>,
      %mul3A_590 = arith.constant 5.000000e-01 : f32
      %mul3A_591 = vector.broadcast %mul3A_590 : f32 to vector<16xf32>
      %mul3A_592 = arith.mulf %get3A_589, %mul3A_591 : vector<16xf32>
      %sub3A_593 = arith.subf %add3A_577, %mul3A_587 : vector<16xf32>
      %jit3A_594 = arith.constant -1.000000e+00 : f32
      %broadcast_in_dim3A_595 = vector.broadcast %jit3A_594 : f32 to vector<16xf32>
      %select_n3A_596 = arith.select %gt3A_572, %sub3A_593, %broadcast_in_dim3A_595 : vector<16xi1>, vector<16xf32>
      %mul3A_597 = arith.constant 4.000000e+00 : f32
      %mul3A_598 = vector.broadcast %mul3A_597 : f32 to vector<16xf32>
      %mul3A_599 = arith.mulf %select_n3A_596, %mul3A_598 : vector<16xf32>
      %sub3A_600 = arith.subf %add3A_582, %mul3A_592 : vector<16xf32>
      %jit3A_601 = arith.constant -1.000000e+00 : f32
      %broadcast_in_dim3A_602 = vector.broadcast %jit3A_601 : f32 to vector<16xf32>
      %select_n3A_603 = arith.select %gt3A_572, %sub3A_600, %broadcast_in_dim3A_602 : vector<16xi1>, vector<16xf32>
      %mul3A_604 = arith.constant 4.000000e+00 : f32
      %mul3A_605 = vector.broadcast %mul3A_604 : f32 to vector<16xf32>
      %mul3A_606 = arith.mulf %select_n3A_603, %mul3A_605 : vector<16xf32>
      %add3A_607 = arith.addf %add3A_577, %mul3A_587 : vector<16xf32>
      %jit3A_608 = arith.constant -1.000000e+00 : f32
      %broadcast_in_dim3A_609 = vector.broadcast %jit3A_608 : f32 to vector<16xf32>
      %select_n3A_610 = arith.select %gt3A_572, %add3A_607, %broadcast_in_dim3A_609 : vector<16xi1>, vector<16xf32>
      %mul3A_611 = arith.constant 4.000000e+00 : f32
      %mul3A_612 = vector.broadcast %mul3A_611 : f32 to vector<16xf32>
      %mul3A_613 = arith.mulf %select_n3A_610, %mul3A_612 : vector<16xf32>
      %add3A_614 = arith.addf %add3A_582, %mul3A_592 : vector<16xf32>
      %jit3A_615 = arith.constant -1.000000e+00 : f32
      %broadcast_in_dim3A_616 = vector.broadcast %jit3A_615 : f32 to vector<16xf32>
      %select_n3A_617 = arith.select %gt3A_572, %add3A_614, %broadcast_in_dim3A_616 : vector<16xi1>, vector<16xf32>
      %mul3A_618 = arith.constant 4.000000e+00 : f32
      %mul3A_619 = vector.broadcast %mul3A_618 : f32 to vector<16xf32>
      %mul3A_620 = arith.mulf %select_n3A_617, %mul3A_619 : vector<16xf32>
      %get3A_621 = arith.constant 32 : index
      %get3A_622 = tpu.vector_load %arg21[%get3A_621] {strides = array<i32>} : memref<128xf32, #tpu.memory_space<vmem>>, vector<16xf32>,
      %jit3A_623 = arith.constant -1.000000e+00 : f32
      %broadcast_in_dim3A_624 = vector.broadcast %jit3A_623 : f32 to vector<16xf32>
      %select_n3A_625 = arith.select %gt3A_572, %get3A_622, %broadcast_in_dim3A_624 : vector<16xi1>, vector<16xf32>
      %swap3A_626 = arith.constant 32 : index
      %swap3A_627 = tpu.vector_load %arg21[%swap3A_626] {strides = array<i32>} : memref<128xf32, #tpu.memory_space<vmem>>, vector<16xf32>,
      tpu.vector_store %arg21[%swap3A_626], %select_n3A_625 {strides = array<i32>} : memref<128xf32, #tpu.memory_space<vmem>>, vector<16xf32>,
      %jit3A_628 = arith.constant -1.000000e+00 : f32
      %broadcast_in_dim3A_629 = vector.broadcast %jit3A_628 : f32 to vector<16xf32>
      %select_n3A_630 = arith.select %gt3A_572, %get3A_569, %broadcast_in_dim3A_629 : vector<16xi1>, vector<16xf32>
      %swap3A_631 = arith.constant 32 : index
      %swap3A_632 = tpu.vector_load %arg23[%swap3A_631] {strides = array<i32>} : memref<128xf32, #tpu.memory_space<vmem>>, vector<16xf32>,
      tpu.vector_store %arg23[%swap3A_631], %select_n3A_630 {strides = array<i32>} : memref<128xf32, #tpu.memory_space<vmem>>, vector<16xf32>,
      %add3A_633 = arith.constant 32 : i32
      %add3A_634 = vector.broadcast %add3A_633 : i32 to vector<16xi32>
      %add3A_635 = arith.addi %add3A_634, %iota3A : vector<16xi32>
      %broadcast_in_dim3A_636 = arith.constant 0 : i32
      %broadcast_in_dim3A_637 = vector.broadcast %broadcast_in_dim3A_636 : i32 to vector<16xi32>
      tpu.vector_store_idx %arg28[%add3A_635, %broadcast_in_dim3A_637], %mul3A_599 : memref<128x4xf32, #tpu.memory_space<vmem>>[vector<16xi32>, vector<16xi32>], vector<16xf32>,
      %broadcast_in_dim3A_638 = arith.constant 1 : i32
      %broadcast_in_dim3A_639 = vector.broadcast %broadcast_in_dim3A_638 : i32 to vector<16xi32>
      tpu.vector_store_idx %arg28[%add3A_635, %broadcast_in_dim3A_639], %mul3A_606 : memref<128x4xf32, #tpu.memory_space<vmem>>[vector<16xi32>, vector<16xi32>], vector<16xf32>,
      %broadcast_in_dim3A_640 = arith.constant 2 : i32
      %broadcast_in_dim3A_641 = vector.broadcast %broadcast_in_dim3A_640 : i32 to vector<16xi32>
      tpu.vector_store_idx %arg28[%add3A_635, %broadcast_in_dim3A_641], %mul3A_613 : memref<128x4xf32, #tpu.memory_space<vmem>>[vector<16xi32>, vector<16xi32>], vector<16xf32>,
      %broadcast_in_dim3A_642 = arith.constant 3 : i32
      %broadcast_in_dim3A_643 = vector.broadcast %broadcast_in_dim3A_642 : i32 to vector<16xi32>
      tpu.vector_store_idx %arg28[%add3A_635, %broadcast_in_dim3A_643], %mul3A_620 : memref<128x4xf32, #tpu.memory_space<vmem>>[vector<16xi32>, vector<16xi32>], vector<16xf32>,
      %get3A_644 = arith.constant 48 : index
      %get3A_645 = tpu.vector_load %arg23[%get3A_644] {strides = array<i32>} : memref<128xf32, #tpu.memory_space<vmem>>, vector<16xf32>,
      %gt3A_646 = arith.constant 0.00999999977 : f32
      %gt3A_647 = vector.broadcast %gt3A_646 : f32 to vector<16xf32>
      %gt3A_648 = arith.cmpf ogt, %get3A_645, %gt3A_647 : vector<16xf32>
      %get3A_649 = arith.constant 48 : index
      %get3A_650 = tpu.vector_load %arg19[%get3A_649] {strides = array<i32>} : memref<128xf32, #tpu.memory_space<vmem>>, vector<16xf32>,
      %get3A_651 = arith.constant 48 : index
      %get3A_652 = tpu.vector_load %arg24[%get3A_651] {strides = array<i32>} : memref<128xf32, #tpu.memory_space<vmem>>, vector<16xf32>,
      %add3A_653 = arith.addf %get3A_650, %get3A_652 : vector<16xf32>
      %get3A_654 = arith.constant 48 : index
      %get3A_655 = tpu.vector_load %arg20[%get3A_654] {strides = array<i32>} : memref<128xf32, #tpu.memory_space<vmem>>, vector<16xf32>,
      %get3A_656 = arith.constant 48 : index
      %get3A_657 = tpu.vector_load %arg25[%get3A_656] {strides = array<i32>} : memref<128xf32, #tpu.memory_space<vmem>>, vector<16xf32>,
      %add3A_658 = arith.addf %get3A_655, %get3A_657 : vector<16xf32>
      %get3A_659 = arith.constant 48 : index
      %get3A_660 = tpu.vector_load %arg26[%get3A_659] {strides = array<i32>} : memref<128xf32, #tpu.memory_space<vmem>>, vector<16xf32>,
      %mul3A_661 = arith.constant 5.000000e-01 : f32
      %mul3A_662 = vector.broadcast %mul3A_661 : f32 to vector<16xf32>
      %mul3A_663 = arith.mulf %get3A_660, %mul3A_662 : vector<16xf32>
      %get3A_664 = arith.constant 48 : index
      %get3A_665 = tpu.vector_load %arg27[%get3A_664] {strides = array<i32>} : memref<128xf32, #tpu.memory_space<vmem>>, vector<16xf32>,
      %mul3A_666 = arith.constant 5.000000e-01 : f32
      %mul3A_667 = vector.broadcast %mul3A_666 : f32 to vector<16xf32>
      %mul3A_668 = arith.mulf %get3A_665, %mul3A_667 : vector<16xf32>
      %sub3A_669 = arith.subf %add3A_653, %mul3A_663 : vector<16xf32>
      %jit3A_670 = arith.constant -1.000000e+00 : f32
      %broadcast_in_dim3A_671 = vector.broadcast %jit3A_670 : f32 to vector<16xf32>
      %select_n3A_672 = arith.select %gt3A_648, %sub3A_669, %broadcast_in_dim3A_671 : vector<16xi1>, vector<16xf32>
      %mul3A_673 = arith.constant 4.000000e+00 : f32
      %mul3A_674 = vector.broadcast %mul3A_673 : f32 to vector<16xf32>
      %mul3A_675 = arith.mulf %select_n3A_672, %mul3A_674 : vector<16xf32>
      %sub3A_676 = arith.subf %add3A_658, %mul3A_668 : vector<16xf32>
      %jit3A_677 = arith.constant -1.000000e+00 : f32
      %broadcast_in_dim3A_678 = vector.broadcast %jit3A_677 : f32 to vector<16xf32>
      %select_n3A_679 = arith.select %gt3A_648, %sub3A_676, %broadcast_in_dim3A_678 : vector<16xi1>, vector<16xf32>
      %mul3A_680 = arith.constant 4.000000e+00 : f32
      %mul3A_681 = vector.broadcast %mul3A_680 : f32 to vector<16xf32>
      %mul3A_682 = arith.mulf %select_n3A_679, %mul3A_681 : vector<16xf32>
      %add3A_683 = arith.addf %add3A_653, %mul3A_663 : vector<16xf32>
      %jit3A_684 = arith.constant -1.000000e+00 : f32
      %broadcast_in_dim3A_685 = vector.broadcast %jit3A_684 : f32 to vector<16xf32>
      %select_n3A_686 = arith.select %gt3A_648, %add3A_683, %broadcast_in_dim3A_685 : vector<16xi1>, vector<16xf32>
      %mul3A_687 = arith.constant 4.000000e+00 : f32
      %mul3A_688 = vector.broadcast %mul3A_687 : f32 to vector<16xf32>
      %mul3A_689 = arith.mulf %select_n3A_686, %mul3A_688 : vector<16xf32>
      %add3A_690 = arith.addf %add3A_658, %mul3A_668 : vector<16xf32>
      %jit3A_691 = arith.constant -1.000000e+00 : f32
      %broadcast_in_dim3A_692 = vector.broadcast %jit3A_691 : f32 to vector<16xf32>
      %select_n3A_693 = arith.select %gt3A_648, %add3A_690, %broadcast_in_dim3A_692 : vector<16xi1>, vector<16xf32>
      %mul3A_694 = arith.constant 4.000000e+00 : f32
      %mul3A_695 = vector.broadcast %mul3A_694 : f32 to vector<16xf32>
      %mul3A_696 = arith.mulf %select_n3A_693, %mul3A_695 : vector<16xf32>
      %get3A_697 = arith.constant 48 : index
      %get3A_698 = tpu.vector_load %arg21[%get3A_697] {strides = array<i32>} : memref<128xf32, #tpu.memory_space<vmem>>, vector<16xf32>,
      %jit3A_699 = arith.constant -1.000000e+00 : f32
      %broadcast_in_dim3A_700 = vector.broadcast %jit3A_699 : f32 to vector<16xf32>
      %select_n3A_701 = arith.select %gt3A_648, %get3A_698, %broadcast_in_dim3A_700 : vector<16xi1>, vector<16xf32>
      %swap3A_702 = arith.constant 48 : index
      %swap3A_703 = tpu.vector_load %arg21[%swap3A_702] {strides = array<i32>} : memref<128xf32, #tpu.memory_space<vmem>>, vector<16xf32>,
      tpu.vector_store %arg21[%swap3A_702], %select_n3A_701 {strides = array<i32>} : memref<128xf32, #tpu.memory_space<vmem>>, vector<16xf32>,
      %jit3A_704 = arith.constant -1.000000e+00 : f32
      %broadcast_in_dim3A_705 = vector.broadcast %jit3A_704 : f32 to vector<16xf32>
      %select_n3A_706 = arith.select %gt3A_648, %get3A_645, %broadcast_in_dim3A_705 : vector<16xi1>, vector<16xf32>
      %swap3A_707 = arith.constant 48 : index
      %swap3A_708 = tpu.vector_load %arg23[%swap3A_707] {strides = array<i32>} : memref<128xf32, #tpu.memory_space<vmem>>, vector<16xf32>,
      tpu.vector_store %arg23[%swap3A_707], %select_n3A_706 {strides = array<i32>} : memref<128xf32, #tpu.memory_space<vmem>>, vector<16xf32>,
      %add3A_709 = arith.constant 48 : i32
      %add3A_710 = vector.broadcast %add3A_709 : i32 to vector<16xi32>
      %add3A_711 = arith.addi %add3A_710, %iota3A : vector<16xi32>
      %broadcast_in_dim3A_712 = arith.constant 0 : i32
      %broadcast_in_dim3A_713 = vector.broadcast %broadcast_in_dim3A_712 : i32 to vector<16xi32>
      tpu.vector_store_idx %arg28[%add3A_711, %broadcast_in_dim3A_713], %mul3A_675 : memref<128x4xf32, #tpu.memory_space<vmem>>[vector<16xi32>, vector<16xi32>], vector<16xf32>,
      %broadcast_in_dim3A_714 = arith.constant 1 : i32
      %broadcast_in_dim3A_715 = vector.broadcast %broadcast_in_dim3A_714 : i32 to vector<16xi32>
      tpu.vector_store_idx %arg28[%add3A_711, %broadcast_in_dim3A_715], %mul3A_682 : memref<128x4xf32, #tpu.memory_space<vmem>>[vector<16xi32>, vector<16xi32>], vector<16xf32>,
      %broadcast_in_dim3A_716 = arith.constant 2 : i32
      %broadcast_in_dim3A_717 = vector.broadcast %broadcast_in_dim3A_716 : i32 to vector<16xi32>
      tpu.vector_store_idx %arg28[%add3A_711, %broadcast_in_dim3A_717], %mul3A_689 : memref<128x4xf32, #tpu.memory_space<vmem>>[vector<16xi32>, vector<16xi32>], vector<16xf32>,
      %broadcast_in_dim3A_718 = arith.constant 3 : i32
      %broadcast_in_dim3A_719 = vector.broadcast %broadcast_in_dim3A_718 : i32 to vector<16xi32>
      tpu.vector_store_idx %arg28[%add3A_711, %broadcast_in_dim3A_719], %mul3A_696 : memref<128x4xf32, #tpu.memory_space<vmem>>[vector<16xi32>, vector<16xi32>], vector<16xf32>,
      %get3A_720 = arith.constant 64 : index
      %get3A_721 = tpu.vector_load %arg23[%get3A_720] {strides = array<i32>} : memref<128xf32, #tpu.memory_space<vmem>>, vector<16xf32>,
      %gt3A_722 = arith.constant 0.00999999977 : f32
      %gt3A_723 = vector.broadcast %gt3A_722 : f32 to vector<16xf32>
      %gt3A_724 = arith.cmpf ogt, %get3A_721, %gt3A_723 : vector<16xf32>
      %get3A_725 = arith.constant 64 : index
      %get3A_726 = tpu.vector_load %arg19[%get3A_725] {strides = array<i32>} : memref<128xf32, #tpu.memory_space<vmem>>, vector<16xf32>,
      %get3A_727 = arith.constant 64 : index
      %get3A_728 = tpu.vector_load %arg24[%get3A_727] {strides = array<i32>} : memref<128xf32, #tpu.memory_space<vmem>>, vector<16xf32>,
      %add3A_729 = arith.addf %get3A_726, %get3A_728 : vector<16xf32>
      %get3A_730 = arith.constant 64 : index
      %get3A_731 = tpu.vector_load %arg20[%get3A_730] {strides = array<i32>} : memref<128xf32, #tpu.memory_space<vmem>>, vector<16xf32>,
      %get3A_732 = arith.constant 64 : index
      %get3A_733 = tpu.vector_load %arg25[%get3A_732] {strides = array<i32>} : memref<128xf32, #tpu.memory_space<vmem>>, vector<16xf32>,
      %add3A_734 = arith.addf %get3A_731, %get3A_733 : vector<16xf32>
      %get3A_735 = arith.constant 64 : index
      %get3A_736 = tpu.vector_load %arg26[%get3A_735] {strides = array<i32>} : memref<128xf32, #tpu.memory_space<vmem>>, vector<16xf32>,
      %mul3A_737 = arith.constant 5.000000e-01 : f32
      %mul3A_738 = vector.broadcast %mul3A_737 : f32 to vector<16xf32>
      %mul3A_739 = arith.mulf %get3A_736, %mul3A_738 : vector<16xf32>
      %get3A_740 = arith.constant 64 : index
      %get3A_741 = tpu.vector_load %arg27[%get3A_740] {strides = array<i32>} : memref<128xf32, #tpu.memory_space<vmem>>, vector<16xf32>,
      %mul3A_742 = arith.constant 5.000000e-01 : f32
      %mul3A_743 = vector.broadcast %mul3A_742 : f32 to vector<16xf32>
      %mul3A_744 = arith.mulf %get3A_741, %mul3A_743 : vector<16xf32>
      %sub3A_745 = arith.subf %add3A_729, %mul3A_739 : vector<16xf32>
      %jit3A_746 = arith.constant -1.000000e+00 : f32
      %broadcast_in_dim3A_747 = vector.broadcast %jit3A_746 : f32 to vector<16xf32>
      %select_n3A_748 = arith.select %gt3A_724, %sub3A_745, %broadcast_in_dim3A_747 : vector<16xi1>, vector<16xf32>
      %mul3A_749 = arith.constant 4.000000e+00 : f32
      %mul3A_750 = vector.broadcast %mul3A_749 : f32 to vector<16xf32>
      %mul3A_751 = arith.mulf %select_n3A_748, %mul3A_750 : vector<16xf32>
      %sub3A_752 = arith.subf %add3A_734, %mul3A_744 : vector<16xf32>
      %jit3A_753 = arith.constant -1.000000e+00 : f32
      %broadcast_in_dim3A_754 = vector.broadcast %jit3A_753 : f32 to vector<16xf32>
      %select_n3A_755 = arith.select %gt3A_724, %sub3A_752, %broadcast_in_dim3A_754 : vector<16xi1>, vector<16xf32>
      %mul3A_756 = arith.constant 4.000000e+00 : f32
      %mul3A_757 = vector.broadcast %mul3A_756 : f32 to vector<16xf32>
      %mul3A_758 = arith.mulf %select_n3A_755, %mul3A_757 : vector<16xf32>
      %add3A_759 = arith.addf %add3A_729, %mul3A_739 : vector<16xf32>
      %jit3A_760 = arith.constant -1.000000e+00 : f32
      %broadcast_in_dim3A_761 = vector.broadcast %jit3A_760 : f32 to vector<16xf32>
      %select_n3A_762 = arith.select %gt3A_724, %add3A_759, %broadcast_in_dim3A_761 : vector<16xi1>, vector<16xf32>
      %mul3A_763 = arith.constant 4.000000e+00 : f32
      %mul3A_764 = vector.broadcast %mul3A_763 : f32 to vector<16xf32>
      %mul3A_765 = arith.mulf %select_n3A_762, %mul3A_764 : vector<16xf32>
      %add3A_766 = arith.addf %add3A_734, %mul3A_744 : vector<16xf32>
      %jit3A_767 = arith.constant -1.000000e+00 : f32
      %broadcast_in_dim3A_768 = vector.broadcast %jit3A_767 : f32 to vector<16xf32>
      %select_n3A_769 = arith.select %gt3A_724, %add3A_766, %broadcast_in_dim3A_768 : vector<16xi1>, vector<16xf32>
      %mul3A_770 = arith.constant 4.000000e+00 : f32
      %mul3A_771 = vector.broadcast %mul3A_770 : f32 to vector<16xf32>
      %mul3A_772 = arith.mulf %select_n3A_769, %mul3A_771 : vector<16xf32>
      %get3A_773 = arith.constant 64 : index
      %get3A_774 = tpu.vector_load %arg21[%get3A_773] {strides = array<i32>} : memref<128xf32, #tpu.memory_space<vmem>>, vector<16xf32>,
      %jit3A_775 = arith.constant -1.000000e+00 : f32
      %broadcast_in_dim3A_776 = vector.broadcast %jit3A_775 : f32 to vector<16xf32>
      %select_n3A_777 = arith.select %gt3A_724, %get3A_774, %broadcast_in_dim3A_776 : vector<16xi1>, vector<16xf32>
      %swap3A_778 = arith.constant 64 : index
      %swap3A_779 = tpu.vector_load %arg21[%swap3A_778] {strides = array<i32>} : memref<128xf32, #tpu.memory_space<vmem>>, vector<16xf32>,
      tpu.vector_store %arg21[%swap3A_778], %select_n3A_777 {strides = array<i32>} : memref<128xf32, #tpu.memory_space<vmem>>, vector<16xf32>,
      %jit3A_780 = arith.constant -1.000000e+00 : f32
      %broadcast_in_dim3A_781 = vector.broadcast %jit3A_780 : f32 to vector<16xf32>
      %select_n3A_782 = arith.select %gt3A_724, %get3A_721, %broadcast_in_dim3A_781 : vector<16xi1>, vector<16xf32>
      %swap3A_783 = arith.constant 64 : index
      %swap3A_784 = tpu.vector_load %arg23[%swap3A_783] {strides = array<i32>} : memref<128xf32, #tpu.memory_space<vmem>>, vector<16xf32>,
      tpu.vector_store %arg23[%swap3A_783], %select_n3A_782 {strides = array<i32>} : memref<128xf32, #tpu.memory_space<vmem>>, vector<16xf32>,
      %add3A_785 = arith.constant 64 : i32
      %add3A_786 = vector.broadcast %add3A_785 : i32 to vector<16xi32>
      %add3A_787 = arith.addi %add3A_786, %iota3A : vector<16xi32>
      %broadcast_in_dim3A_788 = arith.constant 0 : i32
      %broadcast_in_dim3A_789 = vector.broadcast %broadcast_in_dim3A_788 : i32 to vector<16xi32>
      tpu.vector_store_idx %arg28[%add3A_787, %broadcast_in_dim3A_789], %mul3A_751 : memref<128x4xf32, #tpu.memory_space<vmem>>[vector<16xi32>, vector<16xi32>], vector<16xf32>,
      %broadcast_in_dim3A_790 = arith.constant 1 : i32
      %broadcast_in_dim3A_791 = vector.broadcast %broadcast_in_dim3A_790 : i32 to vector<16xi32>
      tpu.vector_store_idx %arg28[%add3A_787, %broadcast_in_dim3A_791], %mul3A_758 : memref<128x4xf32, #tpu.memory_space<vmem>>[vector<16xi32>, vector<16xi32>], vector<16xf32>,
      %broadcast_in_dim3A_792 = arith.constant 2 : i32
      %broadcast_in_dim3A_793 = vector.broadcast %broadcast_in_dim3A_792 : i32 to vector<16xi32>
      tpu.vector_store_idx %arg28[%add3A_787, %broadcast_in_dim3A_793], %mul3A_765 : memref<128x4xf32, #tpu.memory_space<vmem>>[vector<16xi32>, vector<16xi32>], vector<16xf32>,
      %broadcast_in_dim3A_794 = arith.constant 3 : i32
      %broadcast_in_dim3A_795 = vector.broadcast %broadcast_in_dim3A_794 : i32 to vector<16xi32>
      tpu.vector_store_idx %arg28[%add3A_787, %broadcast_in_dim3A_795], %mul3A_772 : memref<128x4xf32, #tpu.memory_space<vmem>>[vector<16xi32>, vector<16xi32>], vector<16xf32>,
      %get3A_796 = arith.constant 80 : index
      %get3A_797 = tpu.vector_load %arg23[%get3A_796] {strides = array<i32>} : memref<128xf32, #tpu.memory_space<vmem>>, vector<16xf32>,
      %gt3A_798 = arith.constant 0.00999999977 : f32
      %gt3A_799 = vector.broadcast %gt3A_798 : f32 to vector<16xf32>
      %gt3A_800 = arith.cmpf ogt, %get3A_797, %gt3A_799 : vector<16xf32>
      %get3A_801 = arith.constant 80 : index
      %get3A_802 = tpu.vector_load %arg19[%get3A_801] {strides = array<i32>} : memref<128xf32, #tpu.memory_space<vmem>>, vector<16xf32>,
      %get3A_803 = arith.constant 80 : index
      %get3A_804 = tpu.vector_load %arg24[%get3A_803] {strides = array<i32>} : memref<128xf32, #tpu.memory_space<vmem>>, vector<16xf32>,
      %add3A_805 = arith.addf %get3A_802, %get3A_804 : vector<16xf32>
      %get3A_806 = arith.constant 80 : index
      %get3A_807 = tpu.vector_load %arg20[%get3A_806] {strides = array<i32>} : memref<128xf32, #tpu.memory_space<vmem>>, vector<16xf32>,
      %get3A_808 = arith.constant 80 : index
      %get3A_809 = tpu.vector_load %arg25[%get3A_808] {strides = array<i32>} : memref<128xf32, #tpu.memory_space<vmem>>, vector<16xf32>,
      %add3A_810 = arith.addf %get3A_807, %get3A_809 : vector<16xf32>
      %get3A_811 = arith.constant 80 : index
      %get3A_812 = tpu.vector_load %arg26[%get3A_811] {strides = array<i32>} : memref<128xf32, #tpu.memory_space<vmem>>, vector<16xf32>,
      %mul3A_813 = arith.constant 5.000000e-01 : f32
      %mul3A_814 = vector.broadcast %mul3A_813 : f32 to vector<16xf32>
      %mul3A_815 = arith.mulf %get3A_812, %mul3A_814 : vector<16xf32>
      %get3A_816 = arith.constant 80 : index
      %get3A_817 = tpu.vector_load %arg27[%get3A_816] {strides = array<i32>} : memref<128xf32, #tpu.memory_space<vmem>>, vector<16xf32>,
      %mul3A_818 = arith.constant 5.000000e-01 : f32
      %mul3A_819 = vector.broadcast %mul3A_818 : f32 to vector<16xf32>
      %mul3A_820 = arith.mulf %get3A_817, %mul3A_819 : vector<16xf32>
      %sub3A_821 = arith.subf %add3A_805, %mul3A_815 : vector<16xf32>
      %jit3A_822 = arith.constant -1.000000e+00 : f32
      %broadcast_in_dim3A_823 = vector.broadcast %jit3A_822 : f32 to vector<16xf32>
      %select_n3A_824 = arith.select %gt3A_800, %sub3A_821, %broadcast_in_dim3A_823 : vector<16xi1>, vector<16xf32>
      %mul3A_825 = arith.constant 4.000000e+00 : f32
      %mul3A_826 = vector.broadcast %mul3A_825 : f32 to vector<16xf32>
      %mul3A_827 = arith.mulf %select_n3A_824, %mul3A_826 : vector<16xf32>
      %sub3A_828 = arith.subf %add3A_810, %mul3A_820 : vector<16xf32>
      %jit3A_829 = arith.constant -1.000000e+00 : f32
      %broadcast_in_dim3A_830 = vector.broadcast %jit3A_829 : f32 to vector<16xf32>
      %select_n3A_831 = arith.select %gt3A_800, %sub3A_828, %broadcast_in_dim3A_830 : vector<16xi1>, vector<16xf32>
      %mul3A_832 = arith.constant 4.000000e+00 : f32
      %mul3A_833 = vector.broadcast %mul3A_832 : f32 to vector<16xf32>
      %mul3A_834 = arith.mulf %select_n3A_831, %mul3A_833 : vector<16xf32>
      %add3A_835 = arith.addf %add3A_805, %mul3A_815 : vector<16xf32>
      %jit3A_836 = arith.constant -1.000000e+00 : f32
      %broadcast_in_dim3A_837 = vector.broadcast %jit3A_836 : f32 to vector<16xf32>
      %select_n3A_838 = arith.select %gt3A_800, %add3A_835, %broadcast_in_dim3A_837 : vector<16xi1>, vector<16xf32>
      %mul3A_839 = arith.constant 4.000000e+00 : f32
      %mul3A_840 = vector.broadcast %mul3A_839 : f32 to vector<16xf32>
      %mul3A_841 = arith.mulf %select_n3A_838, %mul3A_840 : vector<16xf32>
      %add3A_842 = arith.addf %add3A_810, %mul3A_820 : vector<16xf32>
      %jit3A_843 = arith.constant -1.000000e+00 : f32
      %broadcast_in_dim3A_844 = vector.broadcast %jit3A_843 : f32 to vector<16xf32>
      %select_n3A_845 = arith.select %gt3A_800, %add3A_842, %broadcast_in_dim3A_844 : vector<16xi1>, vector<16xf32>
      %mul3A_846 = arith.constant 4.000000e+00 : f32
      %mul3A_847 = vector.broadcast %mul3A_846 : f32 to vector<16xf32>
      %mul3A_848 = arith.mulf %select_n3A_845, %mul3A_847 : vector<16xf32>
      %get3A_849 = arith.constant 80 : index
      %get3A_850 = tpu.vector_load %arg21[%get3A_849] {strides = array<i32>} : memref<128xf32, #tpu.memory_space<vmem>>, vector<16xf32>,
      %jit3A_851 = arith.constant -1.000000e+00 : f32
      %broadcast_in_dim3A_852 = vector.broadcast %jit3A_851 : f32 to vector<16xf32>
      %select_n3A_853 = arith.select %gt3A_800, %get3A_850, %broadcast_in_dim3A_852 : vector<16xi1>, vector<16xf32>
      %swap3A_854 = arith.constant 80 : index
      %swap3A_855 = tpu.vector_load %arg21[%swap3A_854] {strides = array<i32>} : memref<128xf32, #tpu.memory_space<vmem>>, vector<16xf32>,
      tpu.vector_store %arg21[%swap3A_854], %select_n3A_853 {strides = array<i32>} : memref<128xf32, #tpu.memory_space<vmem>>, vector<16xf32>,
      %jit3A_856 = arith.constant -1.000000e+00 : f32
      %broadcast_in_dim3A_857 = vector.broadcast %jit3A_856 : f32 to vector<16xf32>
      %select_n3A_858 = arith.select %gt3A_800, %get3A_797, %broadcast_in_dim3A_857 : vector<16xi1>, vector<16xf32>
      %swap3A_859 = arith.constant 80 : index
      %swap3A_860 = tpu.vector_load %arg23[%swap3A_859] {strides = array<i32>} : memref<128xf32, #tpu.memory_space<vmem>>, vector<16xf32>,
      tpu.vector_store %arg23[%swap3A_859], %select_n3A_858 {strides = array<i32>} : memref<128xf32, #tpu.memory_space<vmem>>, vector<16xf32>,
      %add3A_861 = arith.constant 80 : i32
      %add3A_862 = vector.broadcast %add3A_861 : i32 to vector<16xi32>
      %add3A_863 = arith.addi %add3A_862, %iota3A : vector<16xi32>
      %broadcast_in_dim3A_864 = arith.constant 0 : i32
      %broadcast_in_dim3A_865 = vector.broadcast %broadcast_in_dim3A_864 : i32 to vector<16xi32>
      tpu.vector_store_idx %arg28[%add3A_863, %broadcast_in_dim3A_865], %mul3A_827 : memref<128x4xf32, #tpu.memory_space<vmem>>[vector<16xi32>, vector<16xi32>], vector<16xf32>,
      %broadcast_in_dim3A_866 = arith.constant 1 : i32
      %broadcast_in_dim3A_867 = vector.broadcast %broadcast_in_dim3A_866 : i32 to vector<16xi32>
      tpu.vector_store_idx %arg28[%add3A_863, %broadcast_in_dim3A_867], %mul3A_834 : memref<128x4xf32, #tpu.memory_space<vmem>>[vector<16xi32>, vector<16xi32>], vector<16xf32>,
      %broadcast_in_dim3A_868 = arith.constant 2 : i32
      %broadcast_in_dim3A_869 = vector.broadcast %broadcast_in_dim3A_868 : i32 to vector<16xi32>
      tpu.vector_store_idx %arg28[%add3A_863, %broadcast_in_dim3A_869], %mul3A_841 : memref<128x4xf32, #tpu.memory_space<vmem>>[vector<16xi32>, vector<16xi32>], vector<16xf32>,
      %broadcast_in_dim3A_870 = arith.constant 3 : i32
      %broadcast_in_dim3A_871 = vector.broadcast %broadcast_in_dim3A_870 : i32 to vector<16xi32>
      tpu.vector_store_idx %arg28[%add3A_863, %broadcast_in_dim3A_871], %mul3A_848 : memref<128x4xf32, #tpu.memory_space<vmem>>[vector<16xi32>, vector<16xi32>], vector<16xf32>,
      %get3A_872 = arith.constant 96 : index
      %get3A_873 = tpu.vector_load %arg23[%get3A_872] {strides = array<i32>} : memref<128xf32, #tpu.memory_space<vmem>>, vector<16xf32>,
      %gt3A_874 = arith.constant 0.00999999977 : f32
      %gt3A_875 = vector.broadcast %gt3A_874 : f32 to vector<16xf32>
      %gt3A_876 = arith.cmpf ogt, %get3A_873, %gt3A_875 : vector<16xf32>
      %get3A_877 = arith.constant 96 : index
      %get3A_878 = tpu.vector_load %arg19[%get3A_877] {strides = array<i32>} : memref<128xf32, #tpu.memory_space<vmem>>, vector<16xf32>,
      %get3A_879 = arith.constant 96 : index
      %get3A_880 = tpu.vector_load %arg24[%get3A_879] {strides = array<i32>} : memref<128xf32, #tpu.memory_space<vmem>>, vector<16xf32>,
      %add3A_881 = arith.addf %get3A_878, %get3A_880 : vector<16xf32>
      %get3A_882 = arith.constant 96 : index
      %get3A_883 = tpu.vector_load %arg20[%get3A_882] {strides = array<i32>} : memref<128xf32, #tpu.memory_space<vmem>>, vector<16xf32>,
      %get3A_884 = arith.constant 96 : index
      %get3A_885 = tpu.vector_load %arg25[%get3A_884] {strides = array<i32>} : memref<128xf32, #tpu.memory_space<vmem>>, vector<16xf32>,
      %add3A_886 = arith.addf %get3A_883, %get3A_885 : vector<16xf32>
      %get3A_887 = arith.constant 96 : index
      %get3A_888 = tpu.vector_load %arg26[%get3A_887] {strides = array<i32>} : memref<128xf32, #tpu.memory_space<vmem>>, vector<16xf32>,
      %mul3A_889 = arith.constant 5.000000e-01 : f32
      %mul3A_890 = vector.broadcast %mul3A_889 : f32 to vector<16xf32>
      %mul3A_891 = arith.mulf %get3A_888, %mul3A_890 : vector<16xf32>
      %get3A_892 = arith.constant 96 : index
      %get3A_893 = tpu.vector_load %arg27[%get3A_892] {strides = array<i32>} : memref<128xf32, #tpu.memory_space<vmem>>, vector<16xf32>,
      %mul3A_894 = arith.constant 5.000000e-01 : f32
      %mul3A_895 = vector.broadcast %mul3A_894 : f32 to vector<16xf32>
      %mul3A_896 = arith.mulf %get3A_893, %mul3A_895 : vector<16xf32>
      %sub3A_897 = arith.subf %add3A_881, %mul3A_891 : vector<16xf32>
      %jit3A_898 = arith.constant -1.000000e+00 : f32
      %broadcast_in_dim3A_899 = vector.broadcast %jit3A_898 : f32 to vector<16xf32>
      %select_n3A_900 = arith.select %gt3A_876, %sub3A_897, %broadcast_in_dim3A_899 : vector<16xi1>, vector<16xf32>
      %mul3A_901 = arith.constant 4.000000e+00 : f32
      %mul3A_902 = vector.broadcast %mul3A_901 : f32 to vector<16xf32>
      %mul3A_903 = arith.mulf %select_n3A_900, %mul3A_902 : vector<16xf32>
      %sub3A_904 = arith.subf %add3A_886, %mul3A_896 : vector<16xf32>
      %jit3A_905 = arith.constant -1.000000e+00 : f32
      %broadcast_in_dim3A_906 = vector.broadcast %jit3A_905 : f32 to vector<16xf32>
      %select_n3A_907 = arith.select %gt3A_876, %sub3A_904, %broadcast_in_dim3A_906 : vector<16xi1>, vector<16xf32>
      %mul3A_908 = arith.constant 4.000000e+00 : f32
      %mul3A_909 = vector.broadcast %mul3A_908 : f32 to vector<16xf32>
      %mul3A_910 = arith.mulf %select_n3A_907, %mul3A_909 : vector<16xf32>
      %add3A_911 = arith.addf %add3A_881, %mul3A_891 : vector<16xf32>
      %jit3A_912 = arith.constant -1.000000e+00 : f32
      %broadcast_in_dim3A_913 = vector.broadcast %jit3A_912 : f32 to vector<16xf32>
      %select_n3A_914 = arith.select %gt3A_876, %add3A_911, %broadcast_in_dim3A_913 : vector<16xi1>, vector<16xf32>
      %mul3A_915 = arith.constant 4.000000e+00 : f32
      %mul3A_916 = vector.broadcast %mul3A_915 : f32 to vector<16xf32>
      %mul3A_917 = arith.mulf %select_n3A_914, %mul3A_916 : vector<16xf32>
      %add3A_918 = arith.addf %add3A_886, %mul3A_896 : vector<16xf32>
      %jit3A_919 = arith.constant -1.000000e+00 : f32
      %broadcast_in_dim3A_920 = vector.broadcast %jit3A_919 : f32 to vector<16xf32>
      %select_n3A_921 = arith.select %gt3A_876, %add3A_918, %broadcast_in_dim3A_920 : vector<16xi1>, vector<16xf32>
      %mul3A_922 = arith.constant 4.000000e+00 : f32
      %mul3A_923 = vector.broadcast %mul3A_922 : f32 to vector<16xf32>
      %mul3A_924 = arith.mulf %select_n3A_921, %mul3A_923 : vector<16xf32>
      %get3A_925 = arith.constant 96 : index
      %get3A_926 = tpu.vector_load %arg21[%get3A_925] {strides = array<i32>} : memref<128xf32, #tpu.memory_space<vmem>>, vector<16xf32>,
      %jit3A_927 = arith.constant -1.000000e+00 : f32
      %broadcast_in_dim3A_928 = vector.broadcast %jit3A_927 : f32 to vector<16xf32>
      %select_n3A_929 = arith.select %gt3A_876, %get3A_926, %broadcast_in_dim3A_928 : vector<16xi1>, vector<16xf32>
      %swap3A_930 = arith.constant 96 : index
      %swap3A_931 = tpu.vector_load %arg21[%swap3A_930] {strides = array<i32>} : memref<128xf32, #tpu.memory_space<vmem>>, vector<16xf32>,
      tpu.vector_store %arg21[%swap3A_930], %select_n3A_929 {strides = array<i32>} : memref<128xf32, #tpu.memory_space<vmem>>, vector<16xf32>,
      %jit3A_932 = arith.constant -1.000000e+00 : f32
      %broadcast_in_dim3A_933 = vector.broadcast %jit3A_932 : f32 to vector<16xf32>
      %select_n3A_934 = arith.select %gt3A_876, %get3A_873, %broadcast_in_dim3A_933 : vector<16xi1>, vector<16xf32>
      %swap3A_935 = arith.constant 96 : index
      %swap3A_936 = tpu.vector_load %arg23[%swap3A_935] {strides = array<i32>} : memref<128xf32, #tpu.memory_space<vmem>>, vector<16xf32>,
      tpu.vector_store %arg23[%swap3A_935], %select_n3A_934 {strides = array<i32>} : memref<128xf32, #tpu.memory_space<vmem>>, vector<16xf32>,
      %add3A_937 = arith.constant 96 : i32
      %add3A_938 = vector.broadcast %add3A_937 : i32 to vector<16xi32>
      %add3A_939 = arith.addi %add3A_938, %iota3A : vector<16xi32>
      %broadcast_in_dim3A_940 = arith.constant 0 : i32
      %broadcast_in_dim3A_941 = vector.broadcast %broadcast_in_dim3A_940 : i32 to vector<16xi32>
      tpu.vector_store_idx %arg28[%add3A_939, %broadcast_in_dim3A_941], %mul3A_903 : memref<128x4xf32, #tpu.memory_space<vmem>>[vector<16xi32>, vector<16xi32>], vector<16xf32>,
      %broadcast_in_dim3A_942 = arith.constant 1 : i32
      %broadcast_in_dim3A_943 = vector.broadcast %broadcast_in_dim3A_942 : i32 to vector<16xi32>
      tpu.vector_store_idx %arg28[%add3A_939, %broadcast_in_dim3A_943], %mul3A_910 : memref<128x4xf32, #tpu.memory_space<vmem>>[vector<16xi32>, vector<16xi32>], vector<16xf32>,
      %broadcast_in_dim3A_944 = arith.constant 2 : i32
      %broadcast_in_dim3A_945 = vector.broadcast %broadcast_in_dim3A_944 : i32 to vector<16xi32>
      tpu.vector_store_idx %arg28[%add3A_939, %broadcast_in_dim3A_945], %mul3A_917 : memref<128x4xf32, #tpu.memory_space<vmem>>[vector<16xi32>, vector<16xi32>], vector<16xf32>,
      %broadcast_in_dim3A_946 = arith.constant 3 : i32
      %broadcast_in_dim3A_947 = vector.broadcast %broadcast_in_dim3A_946 : i32 to vector<16xi32>
      tpu.vector_store_idx %arg28[%add3A_939, %broadcast_in_dim3A_947], %mul3A_924 : memref<128x4xf32, #tpu.memory_space<vmem>>[vector<16xi32>, vector<16xi32>], vector<16xf32>,
      %get3A_948 = arith.constant 112 : index
      %get3A_949 = tpu.vector_load %arg23[%get3A_948] {strides = array<i32>} : memref<128xf32, #tpu.memory_space<vmem>>, vector<16xf32>,
      %gt3A_950 = arith.constant 0.00999999977 : f32
      %gt3A_951 = vector.broadcast %gt3A_950 : f32 to vector<16xf32>
      %gt3A_952 = arith.cmpf ogt, %get3A_949, %gt3A_951 : vector<16xf32>
      %get3A_953 = arith.constant 112 : index
      %get3A_954 = tpu.vector_load %arg19[%get3A_953] {strides = array<i32>} : memref<128xf32, #tpu.memory_space<vmem>>, vector<16xf32>,
      %get3A_955 = arith.constant 112 : index
      %get3A_956 = tpu.vector_load %arg24[%get3A_955] {strides = array<i32>} : memref<128xf32, #tpu.memory_space<vmem>>, vector<16xf32>,
      %add3A_957 = arith.addf %get3A_954, %get3A_956 : vector<16xf32>
      %get3A_958 = arith.constant 112 : index
      %get3A_959 = tpu.vector_load %arg20[%get3A_958] {strides = array<i32>} : memref<128xf32, #tpu.memory_space<vmem>>, vector<16xf32>,
      %get3A_960 = arith.constant 112 : index
      %get3A_961 = tpu.vector_load %arg25[%get3A_960] {strides = array<i32>} : memref<128xf32, #tpu.memory_space<vmem>>, vector<16xf32>,
      %add3A_962 = arith.addf %get3A_959, %get3A_961 : vector<16xf32>
      %get3A_963 = arith.constant 112 : index
      %get3A_964 = tpu.vector_load %arg26[%get3A_963] {strides = array<i32>} : memref<128xf32, #tpu.memory_space<vmem>>, vector<16xf32>,
      %mul3A_965 = arith.constant 5.000000e-01 : f32
      %mul3A_966 = vector.broadcast %mul3A_965 : f32 to vector<16xf32>
      %mul3A_967 = arith.mulf %get3A_964, %mul3A_966 : vector<16xf32>
      %get3A_968 = arith.constant 112 : index
      %get3A_969 = tpu.vector_load %arg27[%get3A_968] {strides = array<i32>} : memref<128xf32, #tpu.memory_space<vmem>>, vector<16xf32>,
      %mul3A_970 = arith.constant 5.000000e-01 : f32
      %mul3A_971 = vector.broadcast %mul3A_970 : f32 to vector<16xf32>
      %mul3A_972 = arith.mulf %get3A_969, %mul3A_971 : vector<16xf32>
      %sub3A_973 = arith.subf %add3A_957, %mul3A_967 : vector<16xf32>
      %jit3A_974 = arith.constant -1.000000e+00 : f32
      %broadcast_in_dim3A_975 = vector.broadcast %jit3A_974 : f32 to vector<16xf32>
      %select_n3A_976 = arith.select %gt3A_952, %sub3A_973, %broadcast_in_dim3A_975 : vector<16xi1>, vector<16xf32>
      %mul3A_977 = arith.constant 4.000000e+00 : f32
      %mul3A_978 = vector.broadcast %mul3A_977 : f32 to vector<16xf32>
      %mul3A_979 = arith.mulf %select_n3A_976, %mul3A_978 : vector<16xf32>
      %sub3A_980 = arith.subf %add3A_962, %mul3A_972 : vector<16xf32>
      %jit3A_981 = arith.constant -1.000000e+00 : f32
      %broadcast_in_dim3A_982 = vector.broadcast %jit3A_981 : f32 to vector<16xf32>
      %select_n3A_983 = arith.select %gt3A_952, %sub3A_980, %broadcast_in_dim3A_982 : vector<16xi1>, vector<16xf32>
      %mul3A_984 = arith.constant 4.000000e+00 : f32
      %mul3A_985 = vector.broadcast %mul3A_984 : f32 to vector<16xf32>
      %mul3A_986 = arith.mulf %select_n3A_983, %mul3A_985 : vector<16xf32>
      %add3A_987 = arith.addf %add3A_957, %mul3A_967 : vector<16xf32>
      %jit3A_988 = arith.constant -1.000000e+00 : f32
      %broadcast_in_dim3A_989 = vector.broadcast %jit3A_988 : f32 to vector<16xf32>
      %select_n3A_990 = arith.select %gt3A_952, %add3A_987, %broadcast_in_dim3A_989 : vector<16xi1>, vector<16xf32>
      %mul3A_991 = arith.constant 4.000000e+00 : f32
      %mul3A_992 = vector.broadcast %mul3A_991 : f32 to vector<16xf32>
      %mul3A_993 = arith.mulf %select_n3A_990, %mul3A_992 : vector<16xf32>
      %add3A_994 = arith.addf %add3A_962, %mul3A_972 : vector<16xf32>
      %jit3A_995 = arith.constant -1.000000e+00 : f32
      %broadcast_in_dim3A_996 = vector.broadcast %jit3A_995 : f32 to vector<16xf32>
      %select_n3A_997 = arith.select %gt3A_952, %add3A_994, %broadcast_in_dim3A_996 : vector<16xi1>, vector<16xf32>
      %mul3A_998 = arith.constant 4.000000e+00 : f32
      %mul3A_999 = vector.broadcast %mul3A_998 : f32 to vector<16xf32>
      %mul3A_1000 = arith.mulf %select_n3A_997, %mul3A_999 : vector<16xf32>
      %get3A_1001 = arith.constant 112 : index
      %get3A_1002 = tpu.vector_load %arg21[%get3A_1001] {strides = array<i32>} : memref<128xf32, #tpu.memory_space<vmem>>, vector<16xf32>,
      %jit3A_1003 = arith.constant -1.000000e+00 : f32
      %broadcast_in_dim3A_1004 = vector.broadcast %jit3A_1003 : f32 to vector<16xf32>
      %select_n3A_1005 = arith.select %gt3A_952, %get3A_1002, %broadcast_in_dim3A_1004 : vector<16xi1>, vector<16xf32>
      %swap3A_1006 = arith.constant 112 : index
      %swap3A_1007 = tpu.vector_load %arg21[%swap3A_1006] {strides = array<i32>} : memref<128xf32, #tpu.memory_space<vmem>>, vector<16xf32>,
      tpu.vector_store %arg21[%swap3A_1006], %select_n3A_1005 {strides = array<i32>} : memref<128xf32, #tpu.memory_space<vmem>>, vector<16xf32>,
      %jit3A_1008 = arith.constant -1.000000e+00 : f32
      %broadcast_in_dim3A_1009 = vector.broadcast %jit3A_1008 : f32 to vector<16xf32>
      %select_n3A_1010 = arith.select %gt3A_952, %get3A_949, %broadcast_in_dim3A_1009 : vector<16xi1>, vector<16xf32>
      %swap3A_1011 = arith.constant 112 : index
      %swap3A_1012 = tpu.vector_load %arg23[%swap3A_1011] {strides = array<i32>} : memref<128xf32, #tpu.memory_space<vmem>>, vector<16xf32>,
      tpu.vector_store %arg23[%swap3A_1011], %select_n3A_1010 {strides = array<i32>} : memref<128xf32, #tpu.memory_space<vmem>>, vector<16xf32>,
      %add3A_1013 = arith.constant 112 : i32
      %add3A_1014 = vector.broadcast %add3A_1013 : i32 to vector<16xi32>
      %add3A_1015 = arith.addi %add3A_1014, %iota3A : vector<16xi32>
      %broadcast_in_dim3A_1016 = arith.constant 0 : i32
      %broadcast_in_dim3A_1017 = vector.broadcast %broadcast_in_dim3A_1016 : i32 to vector<16xi32>
      tpu.vector_store_idx %arg28[%add3A_1015, %broadcast_in_dim3A_1017], %mul3A_979 : memref<128x4xf32, #tpu.memory_space<vmem>>[vector<16xi32>, vector<16xi32>], vector<16xf32>,
      %broadcast_in_dim3A_1018 = arith.constant 1 : i32
      %broadcast_in_dim3A_1019 = vector.broadcast %broadcast_in_dim3A_1018 : i32 to vector<16xi32>
      tpu.vector_store_idx %arg28[%add3A_1015, %broadcast_in_dim3A_1019], %mul3A_986 : memref<128x4xf32, #tpu.memory_space<vmem>>[vector<16xi32>, vector<16xi32>], vector<16xf32>,
      %broadcast_in_dim3A_1020 = arith.constant 2 : i32
      %broadcast_in_dim3A_1021 = vector.broadcast %broadcast_in_dim3A_1020 : i32 to vector<16xi32>
      tpu.vector_store_idx %arg28[%add3A_1015, %broadcast_in_dim3A_1021], %mul3A_993 : memref<128x4xf32, #tpu.memory_space<vmem>>[vector<16xi32>, vector<16xi32>], vector<16xf32>,
      %broadcast_in_dim3A_1022 = arith.constant 3 : i32
      %broadcast_in_dim3A_1023 = vector.broadcast %broadcast_in_dim3A_1022 : i32 to vector<16xi32>
      tpu.vector_store_idx %arg28[%add3A_1015, %broadcast_in_dim3A_1023], %mul3A_1000 : memref<128x4xf32, #tpu.memory_space<vmem>>[vector<16xi32>, vector<16xi32>], vector<16xf32>,
      "tpu.region"() ({
        %run_scoped3A = tpu.sem_alloc : memref<!tpu.dma_semaphore, #tpu.memory_space<semaphore_mem>>
        %dma_start3A_1024 = arith.constant 0 : i32
        %dma_start3A_1025 = tpu.memref_slice %arg6[%add3A, %dma_start3A_1024] : memref<8x128xf32, #tpu.memory_space<hbm>> -> memref<1x128xf32, #tpu.memory_space<hbm>>
        %dma_start3A_1026 = tpu.memref_squeeze %dma_start3A_1025 : memref<1x128xf32, #tpu.memory_space<hbm>> -> memref<128xf32, #tpu.memory_space<hbm>>
        %dma_start3A_1027 = arith.constant 0 : i32
        %dma_start3A_1028 = tpu.memref_slice %arg6[%add3A, %dma_start3A_1027] : memref<8x128xf32, #tpu.memory_space<hbm>> -> memref<1x128xf32, #tpu.memory_space<hbm>>
        %dma_start3A_1029 = tpu.memref_squeeze %dma_start3A_1028 : memref<1x128xf32, #tpu.memory_space<hbm>> -> memref<128xf32, #tpu.memory_space<hbm>>
        tpu.enqueue_dma source(%arg21 : memref<128xf32, #tpu.memory_space<vmem>>) target(%dma_start3A_1029 : memref<128xf32, #tpu.memory_space<hbm>>) target_semaphore(%run_scoped3A : memref<!tpu.dma_semaphore, #tpu.memory_space<semaphore_mem>>)
        %dma_wait3A_1030 = arith.constant 0 : i32
        %dma_wait3A_1031 = tpu.memref_slice %arg6[%add3A, %dma_wait3A_1030] : memref<8x128xf32, #tpu.memory_space<hbm>> -> memref<1x128xf32, #tpu.memory_space<hbm>>
        %dma_wait3A_1032 = tpu.memref_squeeze %dma_wait3A_1031 : memref<1x128xf32, #tpu.memory_space<hbm>> -> memref<128xf32, #tpu.memory_space<hbm>>
        %dma_wait3A_1033 = arith.constant 0 : i32
        %dma_wait3A_1034 = tpu.memref_slice %arg6[%add3A, %dma_wait3A_1033] : memref<8x128xf32, #tpu.memory_space<hbm>> -> memref<1x128xf32, #tpu.memory_space<hbm>>
        %dma_wait3A_1035 = tpu.memref_squeeze %dma_wait3A_1034 : memref<1x128xf32, #tpu.memory_space<hbm>> -> memref<128xf32, #tpu.memory_space<hbm>>
        tpu.wait_dma2 semaphore(%run_scoped3A : memref<!tpu.dma_semaphore, #tpu.memory_space<semaphore_mem>>) src(%arg21 : memref<128xf32, #tpu.memory_space<vmem>>) dst(%dma_wait3A_1035 : memref<128xf32, #tpu.memory_space<hbm>>)
        tpu.yield
      }) : () -> ()
      "tpu.region"() ({
        %run_scoped3A = tpu.sem_alloc : memref<!tpu.dma_semaphore, #tpu.memory_space<semaphore_mem>>
        %dma_start3A_1024 = arith.constant 0 : i32
        %dma_start3A_1025 = tpu.memref_slice %arg7[%add3A, %dma_start3A_1024] : memref<8x128xf32, #tpu.memory_space<hbm>> -> memref<1x128xf32, #tpu.memory_space<hbm>>
        %dma_start3A_1026 = tpu.memref_squeeze %dma_start3A_1025 : memref<1x128xf32, #tpu.memory_space<hbm>> -> memref<128xf32, #tpu.memory_space<hbm>>
        %dma_start3A_1027 = arith.constant 0 : i32
        %dma_start3A_1028 = tpu.memref_slice %arg7[%add3A, %dma_start3A_1027] : memref<8x128xf32, #tpu.memory_space<hbm>> -> memref<1x128xf32, #tpu.memory_space<hbm>>
        %dma_start3A_1029 = tpu.memref_squeeze %dma_start3A_1028 : memref<1x128xf32, #tpu.memory_space<hbm>> -> memref<128xf32, #tpu.memory_space<hbm>>
        tpu.enqueue_dma source(%arg23 : memref<128xf32, #tpu.memory_space<vmem>>) target(%dma_start3A_1029 : memref<128xf32, #tpu.memory_space<hbm>>) target_semaphore(%run_scoped3A : memref<!tpu.dma_semaphore, #tpu.memory_space<semaphore_mem>>)
        %dma_wait3A_1030 = arith.constant 0 : i32
        %dma_wait3A_1031 = tpu.memref_slice %arg7[%add3A, %dma_wait3A_1030] : memref<8x128xf32, #tpu.memory_space<hbm>> -> memref<1x128xf32, #tpu.memory_space<hbm>>
        %dma_wait3A_1032 = tpu.memref_squeeze %dma_wait3A_1031 : memref<1x128xf32, #tpu.memory_space<hbm>> -> memref<128xf32, #tpu.memory_space<hbm>>
        %dma_wait3A_1033 = arith.constant 0 : i32
        %dma_wait3A_1034 = tpu.memref_slice %arg7[%add3A, %dma_wait3A_1033] : memref<8x128xf32, #tpu.memory_space<hbm>> -> memref<1x128xf32, #tpu.memory_space<hbm>>
        %dma_wait3A_1035 = tpu.memref_squeeze %dma_wait3A_1034 : memref<1x128xf32, #tpu.memory_space<hbm>> -> memref<128xf32, #tpu.memory_space<hbm>>
        tpu.wait_dma2 semaphore(%run_scoped3A : memref<!tpu.dma_semaphore, #tpu.memory_space<semaphore_mem>>) src(%arg23 : memref<128xf32, #tpu.memory_space<vmem>>) dst(%dma_wait3A_1035 : memref<128xf32, #tpu.memory_space<hbm>>)
        tpu.yield
      }) : () -> ()
      "tpu.region"() ({
        %run_scoped3A = tpu.sem_alloc : memref<!tpu.dma_semaphore, #tpu.memory_space<semaphore_mem>>
        %dma_start3A_1024 = arith.constant 0 : i32
        %dma_start3A_1025 = arith.constant 0 : i32
        %dma_start3A_1026 = tpu.memref_slice %arg8[%add3A, %dma_start3A_1024, %dma_start3A_1025] : memref<8x128x4xf32, #tpu.memory_space<hbm>> -> memref<1x128x4xf32, #tpu.memory_space<hbm>>
        %dma_start3A_1027 = tpu.memref_squeeze %dma_start3A_1026 : memref<1x128x4xf32, #tpu.memory_space<hbm>> -> memref<128x4xf32, #tpu.memory_space<hbm>>
        %dma_start3A_1028 = arith.constant 0 : i32
        %dma_start3A_1029 = arith.constant 0 : i32
        %dma_start3A_1030 = tpu.memref_slice %arg8[%add3A, %dma_start3A_1028, %dma_start3A_1029] : memref<8x128x4xf32, #tpu.memory_space<hbm>> -> memref<1x128x4xf32, #tpu.memory_space<hbm>>
        %dma_start3A_1031 = tpu.memref_squeeze %dma_start3A_1030 : memref<1x128x4xf32, #tpu.memory_space<hbm>> -> memref<128x4xf32, #tpu.memory_space<hbm>>
        tpu.enqueue_dma source(%arg28 : memref<128x4xf32, #tpu.memory_space<vmem>>) target(%dma_start3A_1031 : memref<128x4xf32, #tpu.memory_space<hbm>>) target_semaphore(%run_scoped3A : memref<!tpu.dma_semaphore, #tpu.memory_space<semaphore_mem>>)
        %dma_wait3A_1032 = arith.constant 0 : i32
        %dma_wait3A_1033 = arith.constant 0 : i32
        %dma_wait3A_1034 = tpu.memref_slice %arg8[%add3A, %dma_wait3A_1032, %dma_wait3A_1033] : memref<8x128x4xf32, #tpu.memory_space<hbm>> -> memref<1x128x4xf32, #tpu.memory_space<hbm>>
        %dma_wait3A_1035 = tpu.memref_squeeze %dma_wait3A_1034 : memref<1x128x4xf32, #tpu.memory_space<hbm>> -> memref<128x4xf32, #tpu.memory_space<hbm>>
        %dma_wait3A_1036 = arith.constant 0 : i32
        %dma_wait3A_1037 = arith.constant 0 : i32
        %dma_wait3A_1038 = tpu.memref_slice %arg8[%add3A, %dma_wait3A_1036, %dma_wait3A_1037] : memref<8x128x4xf32, #tpu.memory_space<hbm>> -> memref<1x128x4xf32, #tpu.memory_space<hbm>>
        %dma_wait3A_1039 = tpu.memref_squeeze %dma_wait3A_1038 : memref<1x128x4xf32, #tpu.memory_space<hbm>> -> memref<128x4xf32, #tpu.memory_space<hbm>>
        tpu.wait_dma2 semaphore(%run_scoped3A : memref<!tpu.dma_semaphore, #tpu.memory_space<semaphore_mem>>) src(%arg28 : memref<128x4xf32, #tpu.memory_space<vmem>>) dst(%dma_wait3A_1039 : memref<128x4xf32, #tpu.memory_space<hbm>>)
        tpu.yield
      }) : () -> ()
    } else {
    }
    return
  }
}

module attributes {stable_mosaic.version = 14 : i64} {
  func.func @_tc_body(%arg0: i32, %arg1: i32, %arg2: memref<1x16x256x256xf32, #tpu.memory_space<vmem>>, %arg3: memref<1x16x256x256xf32, #tpu.memory_space<vmem>>, %arg4: memref<1x16x256xf32, #tpu.memory_space<vmem>>) attributes {dimension_semantics = [#tpu.dimension_semantics<arbitrary>, #tpu.dimension_semantics<arbitrary>], iteration_bounds = array<i64: 8, 5>, scalar_prefetch = 0 : i64, scratch_operands = 0 : i64, tpu.core_type = #tpu.core_type<tc>, window_params = [{transform_indices = @transform_0, window_bounds = array<i64: 1, 16, 256, 256>}, {transform_indices = @transform_1, window_bounds = array<i64: 1, 16, 256, 256>}, {transform_indices = @transform_2, window_bounds = array<i64: 1, 16, 256>}]} {
    %get3A = arith.constant 0 : index
    %get3A_0 = arith.constant 0 : index
    %get3A_1 = arith.constant 0 : index
    %get3A_2 = arith.constant 0 : index
    %get3A_3 = vector.load %arg2[%get3A, %get3A_0, %get3A_1, %get3A_2] : memref<1x16x256x256xf32, #tpu.memory_space<vmem>>, vector<1x16x256x256xf32>
    %get3A_4 = vector.shape_cast %get3A_3 : vector<1x16x256x256xf32> to vector<16x256x256xf32>
    %broadcast_in_dim3A = arith.constant 0xFF800000 : f32
    %broadcast_in_dim3A_5 = vector.broadcast %broadcast_in_dim3A : f32 to vector<16x1x256xf32>
    %slice3A = vector.extract_strided_slice %get3A_4 {offsets = [0, 0, 0], sizes = [16, 255, 256], strides = [1, 1, 1]} : vector<16x256x256xf32> to vector<16x255x256xf32>
    %concatenate3A = tpu.concatenate %broadcast_in_dim3A_5, %slice3A in 1 : vector<16x1x256xf32>, vector<16x255x256xf32> -> vector<16x256x256xf32>
    %slice3A_6 = vector.extract_strided_slice %get3A_4 {offsets = [0, 1, 0], sizes = [16, 255, 256], strides = [1, 1, 1]} : vector<16x256x256xf32> to vector<16x255x256xf32>
    %concatenate3A_7 = tpu.concatenate %slice3A_6, %broadcast_in_dim3A_5 in 1 : vector<16x255x256xf32>, vector<16x1x256xf32> -> vector<16x256x256xf32>
    %max3A = arith.maximumf %concatenate3A, %get3A_4 : vector<16x256x256xf32>
    %max3A_8 = arith.maximumf %max3A, %concatenate3A_7 : vector<16x256x256xf32>
    %broadcast_in_dim3A_9 = arith.constant 0xFF800000 : f32
    %broadcast_in_dim3A_10 = vector.broadcast %broadcast_in_dim3A_9 : f32 to vector<16x256x1xf32>
    %slice3A_11 = vector.extract_strided_slice %max3A_8 {offsets = [0, 0, 0], sizes = [16, 256, 255], strides = [1, 1, 1]} : vector<16x256x256xf32> to vector<16x256x255xf32>
    %concatenate3A_12 = tpu.concatenate %broadcast_in_dim3A_10, %slice3A_11 in 2 : vector<16x256x1xf32>, vector<16x256x255xf32> -> vector<16x256x256xf32>
    %slice3A_13 = vector.extract_strided_slice %max3A_8 {offsets = [0, 0, 1], sizes = [16, 256, 255], strides = [1, 1, 1]} : vector<16x256x256xf32> to vector<16x256x255xf32>
    %concatenate3A_14 = tpu.concatenate %slice3A_13, %broadcast_in_dim3A_10 in 2 : vector<16x256x255xf32>, vector<16x256x1xf32> -> vector<16x256x256xf32>
    %max3A_15 = arith.maximumf %concatenate3A_12, %max3A_8 : vector<16x256x256xf32>
    %max3A_16 = arith.maximumf %max3A_15, %concatenate3A_14 : vector<16x256x256xf32>
    %eq3A = arith.cmpf oeq, %max3A_16, %get3A_4 : vector<16x256x256xf32>
    %jit3A = arith.constant 0.000000e+00 : f32
    %broadcast_in_dim3A_17 = vector.broadcast %jit3A : f32 to vector<16x256x256xf32>
    %select_n3A = arith.select %eq3A, %get3A_4, %broadcast_in_dim3A_17 : vector<16x256x256xi1>, vector<16x256x256xf32>
    %swap3A = arith.constant 0 : index
    %swap3A_18 = arith.constant 0 : index
    %swap3A_19 = arith.constant 0 : index
    %swap3A_20 = arith.constant 0 : index
    %swap3A_21 = vector.load %arg3[%swap3A, %swap3A_18, %swap3A_19, %swap3A_20] : memref<1x16x256x256xf32, #tpu.memory_space<vmem>>, vector<1x16x256x256xf32>
    %swap3A_22 = vector.shape_cast %swap3A_21 : vector<1x16x256x256xf32> to vector<16x256x256xf32>
    %swap3A_23 = vector.shape_cast %select_n3A : vector<16x256x256xf32> to vector<1x16x256x256xf32>
    tpu.vector_store %arg3[%swap3A, %swap3A_18, %swap3A_19, %swap3A_20], %swap3A_23 {strides = array<i32>} : memref<1x16x256x256xf32, #tpu.memory_space<vmem>>, vector<1x16x256x256xf32>,
    %reduce_max3A = arith.constant dense<0xFF800000> : vector<16x256xf32>
    %reduce_max3A_24 = vector.multi_reduction <maximumf>, %select_n3A, %reduce_max3A [2] : vector<16x256x256xf32> to vector<16x256xf32>
    %swap3A_25 = arith.constant 0 : index
    %swap3A_26 = arith.constant 0 : index
    %swap3A_27 = arith.constant 0 : index
    %swap3A_28 = vector.load %arg4[%swap3A_25, %swap3A_26, %swap3A_27] : memref<1x16x256xf32, #tpu.memory_space<vmem>>, vector<1x16x256xf32>
    %swap3A_29 = vector.shape_cast %swap3A_28 : vector<1x16x256xf32> to vector<16x256xf32>
    %swap3A_30 = vector.shape_cast %reduce_max3A_24 : vector<16x256xf32> to vector<1x16x256xf32>
    tpu.vector_store %arg4[%swap3A_25, %swap3A_26, %swap3A_27], %swap3A_30 {strides = array<i32>} : memref<1x16x256xf32, #tpu.memory_space<vmem>>, vector<1x16x256xf32>,
    return
  }
  func.func @transform_0(%arg0: i32, %arg1: i32) -> (i32, i32, i32, i32) {
    %c0_i32 = arith.constant 0 : i32
    %c0_i32_0 = arith.constant 0 : i32
    %c0_i32_1 = arith.constant 0 : i32
    return %arg0, %arg1, %c0_i32, %c0_i32_0 : i32, i32, i32, i32
  }
  func.func @transform_1(%arg0: i32, %arg1: i32) -> (i32, i32, i32, i32) {
    %c0_i32 = arith.constant 0 : i32
    %c0_i32_0 = arith.constant 0 : i32
    %c0_i32_1 = arith.constant 0 : i32
    return %arg0, %arg1, %c0_i32, %c0_i32_0 : i32, i32, i32, i32
  }
  func.func @transform_2(%arg0: i32, %arg1: i32) -> (i32, i32, i32) {
    %c0_i32 = arith.constant 0 : i32
    %c0_i32_0 = arith.constant 0 : i32
    return %arg0, %arg1, %c0_i32 : i32, i32, i32
  }
}

</mosaic_0001>

<sc_bundles>
// kernel: kernel.4.cloned.1.call-start
scs
__scs_entry_jumppad:
0x0: {  	(pc) =	sbr.rel $0x88, $3  }
0x1: {  	(tag) =	ssettag $0x0;
	lr =	simm.s32 $0x1  }
0x2: {  	[smem:$0x3F9E] =	sst lr;
	_ =	strace $0xD0000000  }
0x3: {  	_ = 	snop  }
0x4: {  	_ = 	snop  }
0x5: {  	_ = 	snop  }
0x6: {  	_ = 	snop  }
0x7: {  	_ = 	snop  }
__scs_overlays_trampoline_lowered:
0x8: {  	[smem:$0x3FAD] =	sst s0  }
0x9: {  	[smem:$0x3FAE] =	sst s1  }
0xa: {  	[smem:$0x3FAF] =	sst s2  }
0xb: {  	[smem:$0x3FB0] =	sst s3  }
0xc: {  	[smem:$0x3FB1] =	sst s4  }
0xd: {  	[smem:$0x3FB2] =	sst s5  }
0xe: {  	[smem:$0x3FB3] =	sst s6  }
0xf: {  	[smem:$0x3FB4] =	sst s7  }
0x10: {  	[smem:$0x3FB5] =	sst s8  }
0x11: {  	[smem:$0x3FB6] =	sst s9;
	s0 =	simm.s32 @!p0 $0x0  }
0x12: {  	s1 =	sld [smem:$0x3F9C];
	s0 =	simm.s32 @p0 $0x1  }
0x13: {  	[smem:$0x3FB7] =	sst s0;
	s0 =	simm.s32 @!p1 $0x0  }
0x14: {  	s2 =	sld [smem:$0x3F9B];
	s0 =	simm.s32 @p1 $0x1  }
0x15: {  	[smem:$0x3FB8] =	sst s0;
	s0 =	simm.s32 @!p2 $0x0  }
0x16: {  	s3 =	sld [smem:$0x3FDB];
	s0 =	simm.s32 @p2 $0x1  }
0x17: {  	s4 =	simm.s32 $0x1BF5;
	[smem:$0x3FBA] =	sst s0  }
0x18: {  	s0 =	sld [smem:$0x3F9D];
	_ =	swait.ge [sflag:s4], $0x0  }
0x19: {  	s7 =	sld [smem:$0x3F9E]  }
0x1a: {  	s8 =	sadd.s32 $0xFFFFE003, lr  }
0x1b: {  	s9 =	sadd.s32 $0xFFFFFEF7, lr;
	s5 =	simm.s32 $0xFFFFFFFF;
	p2 =	slt.u32 s8, $0xFFFFF086  }
0x1c: {  	p1 =	slt.u32 s9, $0xF7A;
	s5 =	simm.s32 @!p2 $0x0  }
0x1d: {  	s5 =	simm.s32 @p1 $0x1;
	p0 =	seq.s32 s7, s2  }
0x1e: {  	s7 =	smul.u32 @!p0 $0xF7A, s2;
	p2 =	seq.s32 @!p0 s5, $0x0  }
0x1f: {  	s9 =	smul.u32 $0xF7A, s1;
	s8 =	simm.s32 @!p0 $0x1BF5;
	p2 =	por !p2, p0  }
0x20: {  	[sflag:s8] =	ssyncset.s32 @!p0 $0xFFFFF086;
	s6 =	sadd.s32 @!p0 s3, s7;
	s7 =	simm.s32 @!p0 $0x108  }
0x21: {  	s3 =	sadd.s32 s3, s9;
	s6 =	sadd.s32 @!p0 $0x88, s6;
	s7 =	simm.s32 @p2 $0x1082  }
0x22: {  	[simem:s7], [sflag:s8] =	dma.local @!p0 [hbm:s6], $0xF7A  }
0x23: {  	s9 =	sor.u32 $0xD0000000, s2;
	s6 =	simm.s32 $0x108;
	_ =	swait.ge @!p0 [sflag:s8], $0x0  }
0x24: {  	s3 =	sadd.s32 $0x88, s3;
	s6 =	simm.s32 @!p1 $0x1082;
	[sflag:s4] =	ssyncset.s32 $0xFFFFF086  }
0x25: {  	[simem:s6], [sflag:s4] =	dma.local [hbm:s3], $0xF7A  }
0x26: {  	[smem:$0x3F9E] =	sst s1;
	(tag) =	ssettag s2;
	_ =	strace s9  }
0x27: {  	s1 =	sld [smem:$0x3FAE]  }
0x28: {  	s2 =	sld [smem:$0x3FAF]  }
0x29: {  	s4 =	sld [smem:$0x3FB1]  }
0x2a: {  	p0 =	seq.s32 s5, $0x0;
	s5 =	sld [smem:$0x3FB2]  }
0x2b: {  	s6 =	sld [smem:$0x3FB3]  }
0x2c: {  	s7 =	sld [smem:$0x3FB4]  }
0x2d: {  	s3 =	simm.s32 $0x108;
	s8 =	sld [smem:$0x3FB5]  }
0x2e: {  	s3 =	simm.s32 @!p0 $0x1082;
	s9 =	sld [smem:$0x3FB6]  }
0x2f: {  	lr =	sadd.s32 s0, s3;
	s0 =	sld [smem:$0x3FAD]  }
0x30: {  	s3 =	sld [smem:$0x3FB0]  }
0x31: {  	[smem:$0x3FB9] =	sst s10  }
0x32: {  	s10 =	sld [smem:$0x3FB7];
	_ =	sdelay $0x3  }
0x33: {  	p0 =	seq.s32 s10, $0x1;
	s10 =	sld [smem:$0x3FB9];
	_ =	sdelay $0x3  }
0x34: {  	[smem:$0x3FB9] =	sst s10  }
0x35: {  	s10 =	sld [smem:$0x3FB8];
	_ =	sdelay $0x3  }
0x36: {  	p1 =	seq.s32 s10, $0x1;
	s10 =	sld [smem:$0x3FB9];
	_ =	sdelay $0x3  }
0x37: {  	[smem:$0x3FB9] =	sst s10  }
0x38: {  	s10 =	sld [smem:$0x3FBA]  }
0x39: {  	_ = 	snop;
	(pc) =	sbr.ind lr, $3  }
0x3a: {  	_ = 	snop  }
0x3b: {  	_ = 	snop  }
0x3c: {  	p2 =	seq.s32 s10, $0x1;
	s10 =	sld [smem:$0x3FB9]  }
0x3d: {  	_ =	shalt  }
0x3e: {  	_ =	shalt  }
0x3f: {  	_ =	shalt  }
0x40: {  	_ =	shalt  }
0x41: {  	_ =	shalt  }
0x42: {  	_ =	shalt  }
0x43: {  	_ =	shalt  }
0x44: {  	_ =	shalt  }
0x45: {  	_ =	shalt  }
0x46: {  	_ =	shalt  }
0x47: {  	_ =	shalt  }
0x48: {  	_ =	shalt  }
0x49: {  	_ =	shalt  }
0x4a: {  	_ =	shalt  }
0x4b: {  	_ =	shalt  }
0x4c: {  	_ =	shalt  }
0x4d: {  	_ =	shalt  }
0x4e: {  	_ =	shalt  }
0x4f: {  	_ =	shalt  }
0x50: {  	_ =	shalt  }
0x51: {  	_ =	shalt  }
0x52: {  	_ =	shalt  }
0x53: {  	_ =	shalt  }
0x54: {  	_ =	shalt  }
0x55: {  	_ =	shalt  }
0x56: {  	_ =	shalt  }
0x57: {  	_ =	shalt  }
0x58: {  	_ =	shalt  }
0x59: {  	_ =	shalt  }
0x5a: {  	_ =	shalt  }
0x5b: {  	_ =	shalt  }
0x5c: {  	_ =	shalt  }
0x5d: {  	_ =	shalt  }
0x5e: {  	_ =	shalt  }
0x5f: {  	_ =	shalt  }
0x60: {  	_ =	shalt  }
0x61: {  	_ =	shalt  }
0x62: {  	_ =	shalt  }
0x63: {  	_ =	shalt  }
0x64: {  	_ =	shalt  }
0x65: {  	_ =	shalt  }
0x66: {  	_ =	shalt  }
0x67: {  	_ =	shalt  }
0x68: {  	_ =	shalt  }
0x69: {  	_ =	shalt  }
0x6a: {  	_ =	shalt  }
0x6b: {  	_ =	shalt  }
0x6c: {  	_ =	shalt  }
0x6d: {  	_ =	shalt  }
0x6e: {  	_ =	shalt  }
0x6f: {  	_ =	shalt  }
0x70: {  	_ =	shalt  }
0x71: {  	_ =	shalt  }
0x72: {  	_ =	shalt  }
0x73: {  	_ =	shalt  }
0x74: {  	_ =	shalt  }
0x75: {  	_ =	shalt  }
0x76: {  	_ =	shalt  }
0x77: {  	_ =	shalt  }
0x78: {  	_ =	shalt  }
0x79: {  	_ =	shalt  }
0x7a: {  	_ =	shalt  }
0x7b: {  	_ =	shalt  }
0x7c: {  	_ =	shalt  }
0x7d: {  	_ =	shalt  }
0x7e: {  	_ =	shalt  }
0x7f: {  	_ =	shalt  }
0x80: {  	_ =	shalt  }
0x81: {  	_ =	shalt  }
0x82: {  	_ =	shalt  }
0x83: {  	_ =	shalt  }
0x84: {  	_ =	shalt  }
0x85: {  	_ =	shalt  }
0x86: {  	_ =	shalt  }
0x87: {  	_ =	shalt  }
.Lfunc_end0:
.L_simem_size_0:
called_computation_lowered:
.L_overlay_start_0:
0x88: {  	s2 =	sld [smem:$0x3FD9]  }
0x89: {  	s3 =	sld [smem:$0x3FFE];
	_ =	sdelay $0x1  }
0x8a: {  	s1 =	srdreg.scid  }
0x8b: {  	s0 =	sand.u32 $0x1, s1  }
0x8c: {  	s14 =	sshll.u32 s0, $0xA;
	s2 =	sadd.s32 s3, s2  }
0x8d: {  	s2 =	sadd.s32 s2, s14  }
0x8e: {  	[smem:$0x3FC5] =	sst s2  }
0x8f: {  	_ = 	snop  }
0x90: {  	s2 =	sld [smem:$0x3FD0];
	_ =	sdelay $0x2  }
0x91: {  	s15 =	simm.s32 $0xA;
	s4 =	simm.s32 $0x10  }
0x92: {  	[smem:s4], [sflag:s15] =	dma.local [hbm:s2], $0x1  }
0x93: {  	_ =	swait.eq [sflag:s15], $0x1  }
0x94: {  	[sflag:s15] =	ssyncset.done $0x0  }
0x95: {  	s16 =	sld [smem:$0x10];
	[sflag:s15] =	ssyncadd.s32 $0xFFFFFFFF  }
0x96: {  	s17 =	sld [smem:$0x11];
	(tm) =	ssettm $0x1  }
0x97: {  	s18 =	sld [smem:$0x3FFB];
	_ =	sdelay $0x3  }
0x98: {  	_ =	strace s18  }
0x99: {  	s4 =	sld [smem:$0x3FFC];
	_ =	sdelay $0x3  }
0x9a: {  	_ =	strace s4  }
0x9b: {  	s4 =	sld [smem:$0x3FFD];
	_ =	sdelay $0x3  }
0x9c: {  	_ =	strace s4  }
0x9d: {  	_ =	strace $0x8FFFFFFF  }
0x9e: {  	s19 =	sld [smem:$0x3FDB];
	_ =	sdelay $0x1  }
0x9f: {  	s5 =	simm.s32 $_scs_section_size  }
0xa0: {  	s6 =	simm.s32 $_size__tile_overlayer_lowered;
	s7 =	simm.s32 $_tile_overlayer_lowered  }
0xa1: {  	s22 =	simm.s32 $0x1BFF;
	s21 =	sshll.u32 s7, $0x1;
	s4 =	sadd.s32 s5, s19  }
0xa2: {  	s8 =	simm.s32 $0x0;
	s20 =	sshll.u32 s6, $0x1;
	s6 =	sadd.s32 s21, s4  }
0xa3: {  	[timem:s8], [sflag:s22] =	dma.local [hbm:s6], s20  }
0xa4: {  	_ =	swait.ge [sflag:s22], s20  }
0xa5: {  	s5 =	ssub.s32 $0x0, s20;
	[sflag:s22] =	ssyncset.done $0x0  }
0xa6: {  	[sflag:s22] =	ssyncadd.s32 s5;
	_ =	sdelay $0x1  }
0xa7: {  	s23 =	simm.s32 $0x1B8B  }
0xa8: {  	_ =	swait.ge [sflag:s23], $0x1  }
0xa9: {  	[sflag:s23] =	ssyncset.done $0x0  }
0xaa: {  	s25 =	simm.s32 $0x1B8E;
	s24 =	sld [smem:$0x3FFE];
	[sflag:s23] =	ssyncadd.s32 $0xFFFFFFFF  }
0xab: {  	s26 =	simm.s32 $execute0_lowered;
	[smem:$0x3FD2] =	sst s25  }
0xac: {  	s6 =	sshll.u32 s26, $0x1;
	_ =	strace $0x80000046;
	[dreg:$0x1] =	wrdreg $0xFFFFFFFF  }
0xad: {  	s28 =	simm.s32 $_size_execute0_lowered;
	s4 =	sadd.s32 s4, s6;
	[dreg:$0x0] =	wrdreg $0x0  }
0xae: {  	s6 =	sshll.u32 s28, $0x1;
	[dreg:$0x2] =	wrdreg s4  }
0xaf: {  	[dreg:$0x3] =	wrdreg s6  }
0xb0: {  	[dreg:$0x4] =	wrdreg $0xC0  }
0xb1: {  	_ =	task [dreg:s8], $0x5FFFF  }
0xb2: {  	[dreg:$0x1] =	wrdreg $0xFFFFFFFF  }
0xb3: {  	[dreg:$0x0] =	wrdreg $0x60  }
0xb4: {  	[dreg:$0x2] =	wrdreg s24  }
0xb5: {  	[dreg:$0x3] =	wrdreg s16  }
0xb6: {  	[dreg:$0x4] =	wrdreg s17  }
0xb7: {  	[dreg:$0x5] =	wrdreg $0x9  }
0xb8: {  	_ =	task.clear_ibuf [dreg:s8], $0x6FFFF;
	_ =	strace $0x90000046  }
0xb9: {  	s29 =	simm.s32 $0x9;
	_ =	strace $0x80000048  }
0xba: {  	_ =	swait.ge [sflag:s29], $0x1  }
0xbb: {  	[sflag:s29] =	ssyncadd.s32 $0xFFFFFFFF  }
0xbc: {  	_ =	strace $0x90000048  }
0xbd: {  	_ =	sfence  }
0xbe: {  	s30 =	sld [smem:$0x0];
	_ =	sdelay $0x2  }
0xbf: {  	s31 =	sshll.u32 s1, $0xD;
	s1 =	sshrl.u32 s1, $0x2  }
0xc0: {  	s3 =	sand.u32 $0x4000, s31;
	s1 =	sadd.s32 s1, s30  }
0xc1: {  	s0 =	sor.u32 s3, s0;
	s1 =	sshll.u32 s1, $0x11  }
0xc2: {  	s0 =	sor.u32 s1, s0  }
0xc3: {  	s0 =	sadd.s32 $0x8F2B, s0  }
0xc4: {  	[sflag:s0] =	ssyncadd.remote.s32 $0x1  }
0xc5: {  	_ =	sfence.sel $0xFFFF  }
0xc6: {  	[dreg:$0x0] =	wrdreg $0xFFFFFFFF;
	(pc) =	sbr.abs _section_cstart, $3  }
0xc7: {  	[dreg:$0x1] =	wrdreg $0xFFFFFFFF  }
0xc8: {  	_ =	task.clear_ibuf [dreg:s8], $0x2FFFF;
	_ =	strace $0x9FFFFFFF  }
0xc9: {  	(tm) =	ssettm $0x7FFFFFFF  }
tec
execute0_lowered:
.L_overlay_start_1:
0x0: {  	(tag) =	ssettag $0x1  }
0x1: {  	s3 =	stileid.u32  }
0x2: {  	p0 =	sgt.u32 s3, $0x3  }
.Ltmp0:
0x3: {  	_ = 	snop;
	(pc) =	sbr.rel @p0 .LBB2_13-.Ltmp0, $4  }
0x4: {  	s6 =	rddreg [dreg:$0x0]  }
0x5: {  	s1 =	rddreg [dreg:$0x1];
	s2 =	simm.s32 $0x0  }
0x6: {  	[smem:$0x7FF] =	sst s2  }
0x7: {  	s0 =	rddreg [dreg:$0x2];
	_ =	strace $0x80000047  }
0x8: {  	s3 =	srdreg.scid  }
0x9: {  	s22 =	stileid.u32;
	s9 =	sadd.s32 $0x500E00, s6;
	s4 =	sadd.s32 $0x505E00, s6  }
0xa: {  	s5 =	sadd.s32 $0x525E00, s6;
	s11 =	simm.s32 $0x80;
	s13 =	simm.s32 $0x2  }
0xb: {  	s14 =	simm.s32 $0x5000;
	s15 =	simm.s32 $0x5500;
	s16 =	simm.s32 $0x5580  }
0xc: {  	s17 =	simm.s32 $0x5600;
	s18 =	simm.s32 $0x5680;
	s31 =	simm.s32 $0xDF80  }
0xd: {  	s19 =	simm.s32 $0x1;
	s20 =	simm.s32 $0xD680;
	s21 =	simm.s32 $0xE200  }
0xe: {  	v3 =	vimm.s32 $0x0;
	vm1 =	vcmask $0x300;
	v4 =	vlaneseq.u32;
	s29 =	simm.s32 $0xDF00;
	s7 =	sand.u32 $0x1, s3;
	s3 =	sshll.u32 s22, $0x1  }
0xf: {  	v12 =	vimm.f32 $-Inf;
	v19 =	vimm.f32 $-1.000000000e+00;
	vm0 =	vmmov $0xffff;
	[dreg:$0x4] =	wrdreg s31;
	s22 =	simm.s32 $0xE100;
	s8 =	sor.u32 s7, s3  }
0x10: {  	v24 =	vimm.f32 $0.0e+00;
	vm2 =	vcmask $0x3F10;
	v5 =	vsel vm1, $0x7, v3;
	s3 =	sadd.s32 $0xE00, s6;
	s7 =	ssub.s32 $0x2, s7;
	s10 =	sshll.u32 s8, $0xB  }
0x11: {  	v6 =	vor.u32 $0x20, v4;
	v7 =	vor.u32 $0x40, v4;
	v8 =	vor.u32 $0x50, v4;
	s24 =	sshll.u32 s8, $0x4;
	s12 =	smul.u32 $0x5000, s8;
	s8 =	sshll.u32 s8, $0x11  }
0x12: {  	v9 =	vor.u32 $0x60, v4;
	v10 =	vor.u32 $0x70, v4;
	v11 =	vor.u32 $0x10, v4;
	s25 =	sshrl.u32 s7, $0x1;
	s23 =	sadd.s32 s10, s6;
	s1 =	sadd.s32 s1, s24  }
0x13: {  	v13 =	vor.u32 $0x80000010, v4;
	v14 =	vor.u32 $0x30, v4;
	v15 =	vor.u32 $0x80000020, v4;
	s0 =	sadd.s32 s0, s24;
	s28 =	ssub.s32 s7, s25;
	[dreg:$0x5] =	wrdreg s1  }
0x14: {  	v16 =	vor.u32 $0x80000030, v4;
	v17 =	vor.u32 $0x80000000, v4;
	v18 =	vor.u32 $0x80000040, v4;
	s30 =	sadd.s32 s9, s24;
	s24 =	simm.s32 $0xE080;
	[dreg:$0x6] =	wrdreg s0  }
0x15: {  	v21 =	vshrl.u32 v4, $0x3;
	v20 =	vand.u32 $0x7, v4;
	v22 =	vor.u32 $0x8, v4;
	s25 =	simm.s32 $0xE180;
	s26 =	sadd.s32 $0x545E00, s23;
	[dreg:$0x8] =	wrdreg s30  }
0x16: {  	v23 =	vsel vm1, $0xA, v3;
	vm1 =	vmxor vm1, vm1;
	v0 =	vmov s8;
	s0 =	smax.u32 s28, $0x1;
	s23 =	simm.s32 $0xE000;
	[dreg:$0x7] =	wrdreg s26  }
0x17: {  	v21 =	vmul.u32 $0x8, v21;
	v1 =	vmov s12;
	v2 =	vor.u32 $0x10000, v0;
	s1 =	simm.s32 $0xE480;
	s12 =	simm.s32 $0x0;
	[dreg:$0x9] =	wrdreg s0  }
.LBB2_2:
0x18: {  	s0 =	simm.s32 $0x60  }
0x19: {  	v25 =	vmov s0  }
0x1a: {  	s9 =	simm.s32 $0x70;
	v25 =	vshrl.u32 v25, $0x7  }
0x1b: {  	s6 =	simm.s32 $0x10;
	s10 =	simm.s32 $0x20;
	v26 =	vmov s9;
	v25 =	vshll.u32 v25, v5  }
0x1c: {  	s26 =	simm.s32 $0x30;
	s7 =	simm.s32 $0x0;
	v27 =	vmov s6;
	v29 =	vmov s10;
	v25 =	vbroadcast v25, $0x0  }
0x1d: {  	s8 =	simm.s32 $0x40;
	v30 =	vmov s26;
	v28 =	vshrl.u32 v26, $0x7;
	v26 =	vmov s7  }
0x1e: {  	s30 =	simm.s32 $0x0;
	v31 =	vmov s8;
	s10 =	rddreg [dreg:$0x8];
	s26 =	simm.s32 $0x400;
	v32 =	vshrl.u32 v26, $0x7;
	v26 =	vor.u32 v9, v25  }
0x1f: {  	v36 =	vmov s30;
	[tilespmem:s30], [sflag:$0x2] =	stream.strided.gather [hbm4b:s10+s11], $0x5000, s26, s11, $0x38;
	v27 =	vshrl.u32 v27, $0x7;
	v29 =	vshrl.u32 v29, $0x7;
	[tilespmem:$0x12480] =	vst v63  }
0x20: {  	s6 =	simm.s32 $0x1;
	v30 =	vshrl.u32 v30, $0x7;
	v31 =	vshrl.u32 v31, $0x7;
	_ =	swait.ge [sflag:s13], $0x5000;
	v32 =	vshll.u32 v32, v5  }
0x21: {  	v37 =	vmov s6;
	v27 =	vshll.u32 v27, v5;
	[sflag:s13] =	ssyncset.done $0x0;
	v32 =	vbroadcast v32, $0x0  }
0x22: {  	v29 =	vshll.u32 v29, v5;
	v30 =	vshll.u32 v30, v5;
	v27 =	vbroadcast v27, $0x0;
	[sflag:s13] =	ssyncadd.s32 $0xFFFFB000  }
0x23: {  	s9 =	simm.s32 $0x50;
	v33 =	vshll.u32 v31, v5;
	v29 =	vbroadcast v29, $0x0;
	v32 =	vor.u32 v4, v32;
	v34 =	vld.idx.msk [tilespmem:v26+s30+$0x0], $0xffff  }
0x24: {  	s8 =	simm.s32 $0x3;
	v25 =	vmov s9;
	v31 =	vor.u32 v11, v27;
	v27 =	vbroadcast v30, $0x0  }
0x25: {  	v61 =	vmov s8;
	v30 =	vor.u32 v6, v29;
	v25 =	vshrl.u32 v25, $0x7  }
0x26: {  	s7 =	simm.s32 $0x2;
	v33 =	vbroadcast v33, $0x0;
	v25 =	vshll.u32 v25, v5;
	v29 =	vor.u32 v14, v27  }
0x27: {  	s10 =	simm.s32 $0x4;
	v28 =	vshll.u32 v28, v5;
	v60 =	vmov s7;
	v25 =	vbroadcast v25, $0x0  }
0x28: {  	s26 =	simm.s32 $0x5;
	v39 =	vmov s10;
	v35 =	vbroadcast v28, $0x0;
	v28 =	vor.u32 v7, v33;
	s9 =	simm.s32 $0x6;
	v59 =	vld.idx.msk [tilespmem:v32+s30+$0x0], $0xffff;
	(xrf0) =	vmax.scan.msk.f32 $0xffff, v34  }
0x29: {  	v45 =	vmov s26;
	v38 =	vmov s9;
	v27 =	vor.u32 v8, v25;
	v44 =	vld.idx.msk [tilespmem:v31+s30+$0x0], $0xffff  }
0x2a: {  	v37 =	vand.u32 $0xFFFFFFF9, v37;
	v40 =	vand.u32 $0xFFFFFFFE, v38;
	v25 =	vor.u32 v10, v35;
	v47 =	vld.idx.msk [tilespmem:v30+s30+$0x0], $0xffff  }
0x2b: {  	v46 =	vand.u32 $0xFFFFFFFC, v39;
	v39 =	vbroadcast v37, $0x0;
	v40 =	vbroadcast v40, $0x0;
	v43 =	vld.idx.msk [tilespmem:v29+s30+$0x0], $0xffff  }
0x2c: {  	v62 =	vand.u32 $0xFFFFFFFD, v45;
	v33 =	vand.u32 $0xFFFFFFF8, v36;
	v36 =	vand.u32 $0xFFFFFFFB, v61  }
0x2d: {  	s28 =	simm.s32 $0x8;
	v36 =	vbroadcast v36, $0x0;
	v38 =	vbroadcast v33, $0x0;
	v41 =	vld.idx.msk [tilespmem:v28+s30+$0x0], $0xffff;
	v34 =	vand.u32 $0xFFFFFFFA, v60;
	(xrf0) =	vmax.scan.msk.f32 $0xffff, v59  }
0x2e: {  	s31 =	simm.s32 $0x8;
	s0 =	simm.s32 $0x0;
	s6 =	simm.s32 $0xF0;
	v35 =	vbroadcast v62, $0x0;
	v42 =	vld.idx.msk [tilespmem:v27+s30+$0x0], $0xffff;
	v37 =	vbroadcast v34, $0x0;
	(xrf0) =	vmax.scan.msk.f32 $0xffff, v44;
	v63, _, _ =	vpop (xrf0)  }
0x2f: {  	s8 =	simm.s32 $0xE0;
	s7 =	simm.s32 $0x10;
	s9 =	simm.s32 $0x90;
	v34 =	vbroadcast v46, $0x0;
	v46 =	vmov s6;
	v44 =	vld.idx.msk [tilespmem:v25+s30+$0x0], $0xffff;
	(xrf0) =	vmax.scan.msk.f32 $0xffff, v47;
	v45 =	vbroadcast v63, $0xF  }
.LBB2_3:
0x30: {  	p0 =	slt.u32 s7, $0x4F8;
	v47 =	vmov s9;
	s9 =	sadd.s32 $0xFFFFFFB0, s6;
	s10 =	sadd.s32 $0xFFFFFFC0, s6;
	v48 =	vmov s8;
	v46 =	vshrl.u32 v46, $0x7;
	(xrf0) =	vmax.scan.msk.f32 $0xffff, v43  }
0x31: {  	s8 =	sadd.s32 $0xFFFFFF90, s6;
	v43 =	vmov s9;
	v49 =	vmov s10;
	s9 =	sadd.s32 $0xFFFFFFD0, s6;
	s10 =	sadd.s32 $0xFFFFFFE0, s6;
	v48 =	vshrl.u32 v48, $0x7;
	[tilespmem:v40+s14+$0x0] =	vst.idx.msk $0x1, v45  }
0x32: {  	v40 =	vmov s8;
	v45 =	vmov s9;
	v48 =	vshll.u32 v48, v5;
	(xrf0) =	vmax.scan.msk.f32 $0xffff, v41  }
0x33: {  	v40 =	vshrl.u32 v40, $0x7;
	v41 =	vmov s10;
	v52 =	vbroadcast v48, $0x0;
	v50, _, _ =	vpop (xrf0);
	(xrf0) =	vmax.scan.msk.f32 $0xffff, v42  }
0x34: {  	v43 =	vshrl.u32 v43, $0x7;
	v42 =	vshrl.u32 v47, $0x7;
	v47 =	vshrl.u32 v49, $0x7;
	v49, _, _ =	vpop (xrf0);
	(xrf0) =	vmax.scan.msk.f32 $0xffff, v44  }
0x35: {  	v41 =	vshrl.u32 v41, $0x7;
	v44 =	vshrl.u32 v45, $0x7;
	v45 =	vor.u32 v9, v52;
	v48, _, _ =	vpop (xrf0)  }
0x36: {  	v40 =	vshll.u32 v40, v5;
	v43 =	vshll.u32 v43, v5;
	v42 =	vshll.u32 v42, v5;
	v51, _, _ =	vpop (xrf0)  }
0x37: {  	v47 =	vshll.u32 v47, v5;
	v41 =	vshll.u32 v41, v5;
	v44 =	vshll.u32 v44, v5  }
0x38: {  	v46 =	vshll.u32 v46, v5;
	v40 =	vbroadcast v40, $0x0;
	v42 =	vbroadcast v42, $0x0;
	v52, _, _ =	vpop (xrf0)  }
0x39: {  	v53 =	vmov s31;
	v43 =	vbroadcast v43, $0x0;
	v47 =	vbroadcast v47, $0x0;
	v54, _, _ =	vpop (xrf0)  }
0x3a: {  	v41 =	vbroadcast v41, $0x0;
	v40 =	vor.u32 v4, v40;
	v44 =	vbroadcast v44, $0x0;
	v45 =	vld.idx.msk [tilespmem:v45+s30+$0x0], $0xffff;
	v55, _, _ =	vpop (xrf0)  }
0x3b: {  	v43 =	vor.u32 v6, v43;
	v42 =	vor.u32 v11, v42;
	v47 =	vor.u32 v14, v47  }
0x3c: {  	s8 =	sadd.s32 $0x7, s0;
	s0 =	smov.u32 s31;
	s31 =	smov.u32 s7;
	v56 =	vor.u32 v8, v41;
	v41 =	vbroadcast v46, $0x0;
	v44 =	vor.u32 v7, v44  }
0x3d: {  	v49 =	vbroadcast v49, $0xF;
	v46 =	vbroadcast v50, $0xF;
	v50 =	vmov s8  }
0x3e: {  	s8 =	sadd.s32 $0x1, s0;
	v57 =	vor.u32 v10, v41;
	v41 =	vbroadcast v48, $0xF;
	v48 =	vbroadcast v51, $0xF  }
0x3f: {  	v51 =	vld.idx.msk [tilespmem:v40+s30+$0x0], $0xffff;
	v40 =	vmov s8;
	s8 =	sadd.s32 $0x2, s0;
	[tilespmem:v38+s14+$0x0] =	vst.idx.msk $0x1, v46;
	v46 =	vbroadcast v52, $0xF;
	v52 =	vbroadcast v54, $0xF  }
0x40: {  	s9 =	sadd.s32 $0x6, s0;
	v54 =	vld.idx.msk [tilespmem:v42+s30+$0x0], $0xffff;
	v42 =	vmov s8;
	s8 =	sadd.s32 $0x3, s0;
	(xrf0) =	vmax.scan.msk.f32 $0xffff, v45;
	[tilespmem:v39+s14+$0x0] =	vst.idx.msk $0x1, v49;
	v45 =	vbroadcast v55, $0xF  }
0x41: {  	s10 =	sadd.s32 $0x5, s0;
	v38 =	vand.u32 $0xFFFFFFF8, v53;
	v53 =	vmov s9;
	v49 =	vld.idx.msk [tilespmem:v43+s30+$0x0], $0xffff;
	v39 =	vmov s8;
	s8 =	sadd.s32 $0x4, s0;
	[tilespmem:v37+s14+$0x0] =	vst.idx.msk $0x1, v41  }
0x42: {  	v53 =	vand.u32 $0xFFFFFFFE, v53;
	v43 =	vld.idx.msk [tilespmem:v47+s30+$0x0], $0xffff;
	v37 =	vmov s8;
	v47 =	vmov s10;
	[tilespmem:v36+s14+$0x0] =	vst.idx.msk $0x1, v48  }
.Ltmp1:
0x43: {  	v38 =	vbroadcast v38, $0x0;
	v36 =	vand.u32 $0xFFFFFFF9, v40;
	v40 =	vbroadcast v53, $0x0;
	v41 =	vld.idx.msk [tilespmem:v44+s30+$0x0], $0xffff;
	[tilespmem:v34+s14+$0x0] =	vst.idx.msk $0x1, v46;
	(pc) =	sbr.rel @p0 .LBB2_3-.Ltmp1, $4  }
0x44: {  	v34 =	vand.u32 $0xFFFFFFFA, v42;
	v46 =	vand.u32 $0xFFFFFFFB, v39;
	v48 =	vand.u32 $0xFFFFFFFC, v37;
	v42 =	vld.idx.msk [tilespmem:v56+s30+$0x0], $0xffff;
	[tilespmem:v35+s14+$0x0] =	vst.idx.msk $0x1, v52  }
0x45: {  	v39 =	vbroadcast v36, $0x0;
	v37 =	vbroadcast v34, $0x0;
	v44 =	vld.idx.msk [tilespmem:v57+s30+$0x0], $0xffff;
	(xrf0) =	vmax.scan.msk.f32 $0xffff, v51;
	[tilespmem:v50+s14+$0x0] =	vst.idx.msk $0x1, v45  }
0x46: {  	s6 =	sadd.s32 $0x80, s6;
	v36 =	vbroadcast v46, $0x0;
	v34 =	vbroadcast v48, $0x0;
	v35 =	vand.u32 $0xFFFFFFFD, v47;
	(xrf0) =	vmax.scan.msk.f32 $0xffff, v54;
	v45, _, _ =	vpop (xrf0)  }
0x47: {  	s7 =	sadd.s32 $0x8, s7;
	s9 =	sadd.s32 $0xFFFFFFA0, s6;
	s8 =	sadd.s32 $0xFFFFFFF0, s6;
	v46 =	vmov s6;
	v35 =	vbroadcast v35, $0x0;
	v45 =	vbroadcast v45, $0xF;
	(xrf0) =	vmax.scan.msk.f32 $0xffff, v49  }
0x48: {  	v47 =	vmov s9;
	s7 =	sadd.s32 $0xFFFFFFB0, s6;
	s26 =	sadd.s32 $0xFFFFFFC0, s6;
	v48 =	vmov s8  }
0x49: {  	v46 =	vshrl.u32 v46, $0x7;
	s8 =	sadd.s32 $0xFFFFFF90, s6;
	s10 =	sadd.s32 $0xFFFFFFD0, s6;
	v49 =	vmov s7;
	v50 =	vmov s26  }
0x4a: {  	v48 =	vshrl.u32 v48, $0x7;
	v51 =	vmov s8;
	v52 =	vmov s10  }
0x4b: {  	s26 =	sadd.s32 $0xFFFFFFE0, s6;
	v47 =	vshrl.u32 v47, $0x7;
	v48 =	vshll.u32 v48, v5;
	v51 =	vshrl.u32 v51, $0x7  }
0x4c: {  	v53 =	vmov s26;
	v49 =	vshrl.u32 v49, $0x7;
	v50 =	vshrl.u32 v50, $0x7  }
0x4d: {  	v52 =	vshrl.u32 v52, $0x7;
	v48 =	vbroadcast v48, $0x0;
	v51 =	vshll.u32 v51, v5  }
0x4e: {  	v47 =	vshll.u32 v47, v5;
	v53 =	vshrl.u32 v53, $0x7;
	v51 =	vbroadcast v51, $0x0  }
0x4f: {  	v49 =	vshll.u32 v49, v5;
	v47 =	vbroadcast v47, $0x0;
	v48 =	vor.u32 v9, v48  }
0x50: {  	(xrf0) =	vmax.scan.msk.f32 $0xffff, v43;
	v62 =	vshll.u32 v50, v5;
	v49 =	vbroadcast v49, $0x0;
	v63 =	vor.u32 v4, v51  }
0x51: {  	(xrf0) =	vmax.scan.msk.f32 $0xffff, v41;
	v55 =	vshll.u32 v52, v5;
	v43 =	vbroadcast v62, $0x0;
	v47 =	vor.u32 v11, v47  }
0x52: {  	(xrf0) =	vmax.scan.msk.f32 $0xffff, v42;
	v56 =	vshll.u32 v53, v5;
	v41 =	vbroadcast v55, $0x0;
	v49 =	vor.u32 v6, v49  }
0x53: {  	v58 =	vshll.u32 v46, v5;
	v57, _, _ =	vpop (xrf0);
	(xrf0) =	vmax.scan.msk.f32 $0xffff, v44;
	v42 =	vbroadcast v56, $0x0;
	v43 =	vor.u32 v14, v43  }
0x54: {  	v44 =	vbroadcast v58, $0x0;
	v59, _, _ =	vpop (xrf0);
	v41 =	vor.u32 v7, v41;
	v48 =	vld.idx.msk [tilespmem:v48+s30+$0x0], $0xffff  }
0x55: {  	v54 =	vmov s31;
	s0 =	sadd.s32 $0x7, s0;
	s7 =	sadd.s32 $0x2, s31;
	v60, _, _ =	vpop (xrf0);
	v42 =	vor.u32 v8, v42;
	v50 =	vld.idx.msk [tilespmem:v63+s30+$0x0], $0xffff  }
0x56: {  	v46 =	vmov s0;
	s6 =	sadd.s32 $0x1, s31;
	v58 =	vmov s7;
	v44 =	vor.u32 v10, v44;
	v61, _, _ =	vpop (xrf0);
	v47 =	vld.idx.msk [tilespmem:v47+s30+$0x0], $0xffff  }
0x57: {  	v56 =	vmov s6;
	v51 =	vbroadcast v57, $0xF;
	v52 =	vbroadcast v60, $0xF;
	v62, _, _ =	vpop (xrf0);
	v49 =	vld.idx.msk [tilespmem:v49+s30+$0x0], $0xffff  }
0x58: {  	[tilespmem:v40+s14+$0x0] =	vst.idx.msk $0x1, v45;
	v60 =	vand.u32 $0xFFFFFFF8, v54;
	v54 =	vand.u32 $0xFFFFFFF9, v56;
	v56 =	vand.u32 $0xFFFFFFFA, v58;
	v55, _, _ =	vpop (xrf0);
	v40 =	vld.idx.msk [tilespmem:v43+s30+$0x0], $0xffff  }
0x59: {  	s8 =	sadd.s32 $0x6, s31;
	v53 =	vbroadcast v61, $0xF;
	[tilespmem:v38+s14+$0x0] =	vst.idx.msk $0x1, v51;
	v57, _, _ =	vpop (xrf0);
	v63 =	vbroadcast v59, $0xF;
	v59 =	vld.idx.msk [tilespmem:v41+s30+$0x0], $0xffff;
	(xrf0) =	vmax.scan.msk.f32 $0xffff, v48  }
0x5a: {  	s9 =	sadd.s32 $0x3, s31;
	v61 =	vmov s8;
	v38 =	vbroadcast v62, $0xF;
	[tilespmem:v37+s14+$0x0] =	vst.idx.msk $0x1, v52;
	v42 =	vld.idx.msk [tilespmem:v42+s30+$0x0], $0xffff;
	(xrf0) =	vmax.scan.msk.f32 $0xffff, v50  }
0x5b: {  	s26 =	sadd.s32 $0x5, s31;
	v62 =	vmov s9;
	v44 =	vld.idx.msk [tilespmem:v44+s30+$0x0], $0xffff;
	[tilespmem:v39+s14+$0x0] =	vst.idx.msk $0x1, v63;
	v63 =	vand.u32 $0xFFFFFFFE, v61;
	(xrf0) =	vmax.scan.msk.f32 $0xffff, v47  }
0x5c: {  	v52 =	vmov s26;
	v51 =	vbroadcast v55, $0xF;
	v37 =	vbroadcast v63, $0x0;
	(xrf0) =	vmax.scan.msk.f32 $0xffff, v49  }
0x5d: {  	[tilespmem:v36+s14+$0x0] =	vst.idx.msk $0x1, v53;
	v53 =	vbroadcast v60, $0x0;
	v58 =	vand.u32 $0xFFFFFFFB, v62;
	(xrf0) =	vmax.scan.msk.f32 $0xffff, v40  }
0x5e: {  	s10 =	sadd.s32 $0x4, s31;
	[tilespmem:v34+s14+$0x0] =	vst.idx.msk $0x1, v38;
	v41 =	vbroadcast v57, $0xF;
	v57 =	vbroadcast v54, $0x0;
	(xrf0) =	vmax.scan.msk.f32 $0xffff, v59  }
0x5f: {  	v34 =	vbroadcast v56, $0x0;
	[tilespmem:v35+s14+$0x0] =	vst.idx.msk $0x1, v51;
	v50 =	vmov s10;
	v60, _, _ =	vpop (xrf0);
	(xrf0) =	vmax.scan.msk.f32 $0xffff, v42  }
0x60: {  	v61 =	vbroadcast v58, $0x0;
	v59 =	vand.u32 $0xFFFFFFFC, v50;
	v62 =	vbroadcast v60, $0xF;
	v63, _, _ =	vpop (xrf0);
	(xrf0) =	vmax.scan.msk.f32 $0xffff, v44  }
0x61: {  	[tilespmem:v46+s14+$0x0] =	vst.idx.msk $0x1, v41;
	v47 =	vand.u32 $0xFFFFFFFD, v52;
	v40 =	vbroadcast v59, $0x0;
	v45, _, _ =	vpop (xrf0);
	v42 =	vbroadcast v63, $0xF  }
0x62: {  	v41 =	vbroadcast v47, $0x0;
	[tilespmem:v37+s14+$0x0] =	vst.idx.msk $0x1, v62;
	v48, _, _ =	vpop (xrf0);
	v49 =	vbroadcast v45, $0xF  }
0x63: {  	s6 =	sadd.s32 $0x7, s31;
	v50, _, _ =	vpop (xrf0);
	v37 =	vbroadcast v48, $0xF;
	[tilespmem:v53+s14+$0x0] =	vst.idx.msk $0x1, v42  }
0x64: {  	v52 =	vmov s6;
	v51, _, _ =	vpop (xrf0);
	v43 =	vbroadcast v50, $0xF;
	[tilespmem:v57+s14+$0x0] =	vst.idx.msk $0x1, v49  }
0x65: {  	v53, _, _ =	vpop (xrf0);
	v36 =	vbroadcast v51, $0xF;
	[tilespmem:v34+s14+$0x0] =	vst.idx.msk $0x1, v37  }
0x66: {  	v54, _, _ =	vpop (xrf0);
	v55 =	vbroadcast v53, $0xF;
	[tilespmem:v61+s14+$0x0] =	vst.idx.msk $0x1, v43  }
0x67: {  	v34 =	vbroadcast v54, $0xF;
	[tilespmem:v40+s14+$0x0] =	vst.idx.msk $0x1, v36  }
0x68: {  	[tilespmem:v41+s14+$0x0] =	vst.idx.msk $0x1, v55  }
0x69: {  	[tilespmem:v52+s14+$0x0] =	vst.idx.msk $0x1, v34  }
0x6a: {  	v26 =	vld.idx.msk [tilespmem:v26+s14+$0x0], $0xffff;
	_ =	sdelay $0x3  }
0x6b: {  	v34 =	vld.idx.msk [tilespmem:v32+s14+$0x0], $0xffff  }
0x6c: {  	s31 =	simm.s32 $0x5;
	s8 =	simm.s32 $0x2;
	s10 =	simm.s32 $0x6;
	v36 =	vld.idx.msk [tilespmem:v31+s14+$0x0], $0xffff;
	(xrf0) =	vmax.scan.msk.f32 $0xffff, v26  }
0x6d: {  	s26 =	simm.s32 $0x4;
	v56 =	vmov s8;
	v60 =	vmov s31;
	v58 =	vld.idx.msk [tilespmem:v30+s14+$0x0], $0xffff;
	v30 =	vmov s10  }
0x6e: {  	s9 =	simm.s32 $0x3;
	v59 =	vmov s26;
	v62 =	vand.u32 $0xFFFFFFFD, v60;
	v31 =	vand.u32 $0xFFFFFFFE, v30  }
0x6f: {  	s7 =	simm.s32 $0x1;
	v57 =	vmov s9;
	v61 =	vand.u32 $0xFFFFFFFA, v56;
	v35 =	vld.idx.msk [tilespmem:v29+s14+$0x0], $0xffff;
	v31 =	vbroadcast v31, $0x0  }
0x70: {  	v37 =	vand.u32 $0xFFFFFFFB, v57;
	v32 =	vld.idx.msk [tilespmem:v28+s14+$0x0], $0xffff;
	v28 =	vbroadcast v61, $0x0;
	v26 =	vmov s7  }
0x71: {  	v30 =	vbroadcast v33, $0x0;
	v33 =	vld.idx.msk [tilespmem:v27+s14+$0x0], $0xffff;
	v27 =	vbroadcast v37, $0x0;
	v26 =	vand.u32 $0xFFFFFFF9, v26;
	(xrf0) =	vmax.scan.msk.f32 $0xffff, v34  }
0x72: {  	s0 =	simm.s32 $0xF0;
	v39 =	vand.u32 $0xFFFFFFFC, v59;
	v34 =	vld.idx.msk [tilespmem:v25+s14+$0x0], $0xffff;
	v25 =	vbroadcast v62, $0x0;
	v29 =	vbroadcast v26, $0x0;
	(xrf0) =	vmax.scan.msk.f32 $0xffff, v36;
	v63, _, _ =	vpop (xrf0)  }
0x73: {  	s8 =	simm.s32 $0x90;
	s6 =	simm.s32 $0x10;
	v37 =	vmov s0;
	s7 =	simm.s32 $0xE0;
	v26 =	vbroadcast v39, $0x0;
	(xrf0) =	vmax.scan.msk.f32 $0xffff, v58;
	v36 =	vbroadcast v63, $0xF  }
.LBB2_5:
0x74: {  	p0 =	slt.u32 s6, $0x48;
	v38 =	vmov s8;
	s8 =	sadd.s32 $0xFFFFFFB0, s0;
	s9 =	sadd.s32 $0xFFFFFFC0, s0;
	v39 =	vmov s7;
	v37 =	vshrl.u32 v37, $0x7;
	(xrf0) =	vmax.scan.msk.f32 $0xffff, v35  }
0x75: {  	s7 =	sadd.s32 $0xFFFFFF90, s0;
	v35 =	vmov s8;
	v40 =	vmov s9;
	s8 =	sadd.s32 $0xFFFFFFD0, s0;
	s9 =	sadd.s32 $0xFFFFFFE0, s0;
	v39 =	vshrl.u32 v39, $0x7;
	[tilespmem:v31+s15+$0x0] =	vst.idx.msk $0x1, v36  }
0x76: {  	v31 =	vmov s7;
	v36 =	vmov s8;
	v39 =	vshll.u32 v39, v5;
	(xrf0) =	vmax.scan.msk.f32 $0xffff, v32  }
0x77: {  	v31 =	vshrl.u32 v31, $0x7;
	v32 =	vmov s9;
	v43 =	vbroadcast v39, $0x0;
	v41, _, _ =	vpop (xrf0);
	(xrf0) =	vmax.scan.msk.f32 $0xffff, v33  }
0x78: {  	v35 =	vshrl.u32 v35, $0x7;
	v33 =	vshrl.u32 v38, $0x7;
	v38 =	vshrl.u32 v40, $0x7;
	v40, _, _ =	vpop (xrf0);
	(xrf0) =	vmax.scan.msk.f32 $0xffff, v34  }
0x79: {  	v32 =	vshrl.u32 v32, $0x7;
	v34 =	vshrl.u32 v36, $0x7;
	v36 =	vor.u32 v9, v43;
	v39, _, _ =	vpop (xrf0)  }
0x7a: {  	v31 =	vshll.u32 v31, v5;
	v35 =	vshll.u32 v35, v5;
	v33 =	vshll.u32 v33, v5;
	v42, _, _ =	vpop (xrf0)  }
0x7b: {  	v38 =	vshll.u32 v38, v5;
	v32 =	vshll.u32 v32, v5;
	v34 =	vshll.u32 v34, v5  }
0x7c: {  	v37 =	vshll.u32 v37, v5;
	v31 =	vbroadcast v31, $0x0;
	v33 =	vbroadcast v33, $0x0;
	v43, _, _ =	vpop (xrf0)  }
0x7d: {  	v44 =	vmov s28;
	v35 =	vbroadcast v35, $0x0;
	v38 =	vbroadcast v38, $0x0;
	v45, _, _ =	vpop (xrf0)  }
0x7e: {  	v32 =	vbroadcast v32, $0x0;
	v31 =	vor.u32 v4, v31;
	v34 =	vbroadcast v34, $0x0;
	v36 =	vld.idx.msk [tilespmem:v36+s14+$0x0], $0xffff;
	v46, _, _ =	vpop (xrf0)  }
0x7f: {  	v35 =	vor.u32 v6, v35;
	v33 =	vor.u32 v11, v33;
	v38 =	vor.u32 v14, v38  }
0x80: {  	s7 =	sadd.s32 $0x7, s30;
	s30 =	smov.u32 s28;
	s28 =	smov.u32 s6;
	v47 =	vor.u32 v8, v32;
	v32 =	vbroadcast v37, $0x0;
	v34 =	vor.u32 v7, v34  }
0x81: {  	v40 =	vbroadcast v40, $0xF;
	v37 =	vbroadcast v41, $0xF;
	v41 =	vmov s7  }
0x82: {  	s7 =	sadd.s32 $0x1, s30;
	v48 =	vor.u32 v10, v32;
	v32 =	vbroadcast v39, $0xF;
	v39 =	vbroadcast v42, $0xF  }
0x83: {  	v42 =	vld.idx.msk [tilespmem:v31+s14+$0x0], $0xffff;
	v31 =	vmov s7;
	s7 =	sadd.s32 $0x2, s30;
	[tilespmem:v30+s15+$0x0] =	vst.idx.msk $0x1, v37;
	v37 =	vbroadcast v43, $0xF;
	v43 =	vbroadcast v45, $0xF  }
0x84: {  	s8 =	sadd.s32 $0x6, s30;
	v45 =	vld.idx.msk [tilespmem:v33+s14+$0x0], $0xffff;
	v33 =	vmov s7;
	s7 =	sadd.s32 $0x3, s30;
	(xrf0) =	vmax.scan.msk.f32 $0xffff, v36;
	[tilespmem:v29+s15+$0x0] =	vst.idx.msk $0x1, v40;
	v36 =	vbroadcast v46, $0xF  }
0x85: {  	s9 =	sadd.s32 $0x5, s30;
	v30 =	vmov s8;
	v29 =	vand.u32 $0xFFFFFFF8, v44;
	v40 =	vld.idx.msk [tilespmem:v35+s14+$0x0], $0xffff;
	v44 =	vmov s7;
	s7 =	sadd.s32 $0x4, s30;
	[tilespmem:v28+s15+$0x0] =	vst.idx.msk $0x1, v32  }
0x86: {  	v46 =	vand.u32 $0xFFFFFFFE, v30;
	v35 =	vld.idx.msk [tilespmem:v38+s14+$0x0], $0xffff;
	v28 =	vmov s7;
	v38 =	vmov s9;
	[tilespmem:v27+s15+$0x0] =	vst.idx.msk $0x1, v39  }
.Ltmp2:
0x87: {  	v30 =	vbroadcast v29, $0x0;
	v27 =	vand.u32 $0xFFFFFFF9, v31;
	v31 =	vbroadcast v46, $0x0;
	v32 =	vld.idx.msk [tilespmem:v34+s14+$0x0], $0xffff;
	[tilespmem:v26+s15+$0x0] =	vst.idx.msk $0x1, v37;
	(pc) =	sbr.rel @p0 .LBB2_5-.Ltmp2, $4  }
0x88: {  	v26 =	vand.u32 $0xFFFFFFFA, v33;
	v37 =	vand.u32 $0xFFFFFFFB, v44;
	v39 =	vand.u32 $0xFFFFFFFC, v28;
	v33 =	vld.idx.msk [tilespmem:v47+s14+$0x0], $0xffff;
	[tilespmem:v25+s15+$0x0] =	vst.idx.msk $0x1, v43  }
0x89: {  	v29 =	vbroadcast v27, $0x0;
	v28 =	vbroadcast v26, $0x0;
	v34 =	vld.idx.msk [tilespmem:v48+s14+$0x0], $0xffff;
	(xrf0) =	vmax.scan.msk.f32 $0xffff, v42;
	[tilespmem:v41+s15+$0x0] =	vst.idx.msk $0x1, v36  }
0x8a: {  	s0 =	sadd.s32 $0x80, s0;
	v27 =	vbroadcast v37, $0x0;
	v26 =	vbroadcast v39, $0x0;
	v25 =	vand.u32 $0xFFFFFFFD, v38;
	(xrf0) =	vmax.scan.msk.f32 $0xffff, v45;
	v36, _, _ =	vpop (xrf0)  }
0x8b: {  	s6 =	sadd.s32 $0x8, s6;
	s8 =	sadd.s32 $0xFFFFFFA0, s0;
	s7 =	sadd.s32 $0xFFFFFFF0, s0;
	v37 =	vmov s0;
	v25 =	vbroadcast v25, $0x0;
	v36 =	vbroadcast v36, $0xF;
	(xrf0) =	vmax.scan.msk.f32 $0xffff, v40  }
0x8c: {  	v38 =	vmov s8;
	s6 =	sadd.s32 $0xFFFFFFB0, s0;
	s9 =	sadd.s32 $0xFFFFFFC0, s0;
	v39 =	vmov s7  }
0x8d: {  	v37 =	vshrl.u32 v37, $0x7;
	s10 =	sadd.s32 $0xFFFFFF90, s0;
	s26 =	sadd.s32 $0xFFFFFFD0, s0;
	v40 =	vmov s6;
	v41 =	vmov s9  }
0x8e: {  	s31 =	sadd.s32 $0xFFFFFFE0, s0;
	v39 =	vshrl.u32 v39, $0x7;
	v42 =	vmov s10;
	v43 =	vmov s26  }
0x8f: {  	v44 =	vmov s31;
	v38 =	vshrl.u32 v38, $0x7;
	v39 =	vshll.u32 v39, v5  }
0x90: {  	v42 =	vshrl.u32 v42, $0x7;
	v40 =	vshrl.u32 v40, $0x7;
	v41 =	vshrl.u32 v41, $0x7  }
0x91: {  	v43 =	vshrl.u32 v43, $0x7;
	v39 =	vbroadcast v39, $0x0;
	v42 =	vshll.u32 v42, v5  }
0x92: {  	v44 =	vshrl.u32 v44, $0x7;
	v38 =	vshll.u32 v38, v5;
	v42 =	vbroadcast v42, $0x0  }
0x93: {  	v40 =	vshll.u32 v40, v5;
	v38 =	vbroadcast v38, $0x0;
	v39 =	vor.u32 v9, v39  }
0x94: {  	(xrf0) =	vmax.scan.msk.f32 $0xffff, v35;
	v59 =	vshll.u32 v41, v5;
	v40 =	vbroadcast v40, $0x0;
	v60 =	vor.u32 v4, v42  }
0x95: {  	(xrf0) =	vmax.scan.msk.f32 $0xffff, v32;
	v61 =	vshll.u32 v43, v5;
	v35 =	vbroadcast v59, $0x0;
	v38 =	vor.u32 v11, v38  }
0x96: {  	(xrf0) =	vmax.scan.msk.f32 $0xffff, v33;
	v62 =	vshll.u32 v44, v5;
	v32 =	vbroadcast v61, $0x0;
	v40 =	vor.u32 v6, v40  }
0x97: {  	v48 =	vshll.u32 v37, v5;
	v63, _, _ =	vpop (xrf0);
	(xrf0) =	vmax.scan.msk.f32 $0xffff, v34;
	v33 =	vbroadcast v62, $0x0;
	v35 =	vor.u32 v14, v35  }
0x98: {  	v34 =	vbroadcast v48, $0x0;
	v49, _, _ =	vpop (xrf0);
	v32 =	vor.u32 v7, v32;
	v39 =	vld.idx.msk [tilespmem:v39+s14+$0x0], $0xffff  }
0x99: {  	v45 =	vmov s28;
	s7 =	sadd.s32 $0x1, s28;
	s8 =	sadd.s32 $0x2, s28;
	v50, _, _ =	vpop (xrf0);
	v33 =	vor.u32 v8, v33;
	v41 =	vld.idx.msk [tilespmem:v60+s14+$0x0], $0xffff  }
0x9a: {  	s6 =	sadd.s32 $0x7, s30;
	v47 =	vmov s7;
	v58 =	vmov s8;
	s30 =	sadd.s32 $0x5, s28;
	v34 =	vor.u32 v10, v34;
	v51, _, _ =	vpop (xrf0);
	v38 =	vld.idx.msk [tilespmem:v38+s14+$0x0], $0xffff  }
0x9b: {  	s9 =	sadd.s32 $0x6, s28;
	s26 =	sadd.s32 $0x4, s28;
	v37 =	vmov s6;
	v48 =	vmov s30;
	v61 =	vand.u32 $0xFFFFFFF8, v45;
	v52, _, _ =	vpop (xrf0);
	v40 =	vld.idx.msk [tilespmem:v40+s14+$0x0], $0xffff  }
0x9c: {  	[tilespmem:v31+s15+$0x0] =	vst.idx.msk $0x1, v36;
	v62 =	vmov s9;
	v45 =	vmov s26;
	v53 =	vbroadcast v49, $0xF;
	v46, _, _ =	vpop (xrf0);
	v55 =	vld.idx.msk [tilespmem:v35+s14+$0x0], $0xffff  }
0x9d: {  	s10 =	sadd.s32 $0x3, s28;
	v49 =	vand.u32 $0xFFFFFFF9, v47;
	v42 =	vbroadcast v63, $0xF;
	v43 =	vbroadcast v50, $0xF;
	v56, _, _ =	vpop (xrf0);
	v59 =	vld.idx.msk [tilespmem:v32+s14+$0x0], $0xffff;
	(xrf0) =	vmax.scan.msk.f32 $0xffff, v39  }
0x9e: {  	v63 =	vmov s10;
	v50 =	vbroadcast v49, $0x0;
	[tilespmem:v29+s15+$0x0] =	vst.idx.msk $0x1, v53;
	v33 =	vld.idx.msk [tilespmem:v33+s14+$0x0], $0xffff;
	(xrf0) =	vmax.scan.msk.f32 $0xffff, v41  }
0x9f: {  	v44 =	vbroadcast v51, $0xF;
	[tilespmem:v28+s15+$0x0] =	vst.idx.msk $0x1, v43;
	v43 =	vand.u32 $0xFFFFFFFE, v62;
	v34 =	vld.idx.msk [tilespmem:v34+s14+$0x0], $0xffff;
	(xrf0) =	vmax.scan.msk.f32 $0xffff, v38  }
0xa0: {  	[tilespmem:v30+s15+$0x0] =	vst.idx.msk $0x1, v42;
	v54 =	vbroadcast v52, $0xF;
	v28 =	vbroadcast v43, $0x0;
	(xrf0) =	vmax.scan.msk.f32 $0xffff, v40  }
0xa1: {  	v51 =	vand.u32 $0xFFFFFFFB, v63;
	[tilespmem:v27+s15+$0x0] =	vst.idx.msk $0x1, v44;
	v27 =	vbroadcast v61, $0x0;
	(xrf0) =	vmax.scan.msk.f32 $0xffff, v55  }
0xa2: {  	v57 =	vbroadcast v46, $0xF;
	[tilespmem:v26+s15+$0x0] =	vst.idx.msk $0x1, v54;
	v26 =	vand.u32 $0xFFFFFFFA, v58;
	(xrf0) =	vmax.scan.msk.f32 $0xffff, v59  }
0xa3: {  	v52 =	vand.u32 $0xFFFFFFFC, v45;
	v60 =	vbroadcast v56, $0xF;
	v26 =	vbroadcast v26, $0x0;
	v53, _, _ =	vpop (xrf0);
	(xrf0) =	vmax.scan.msk.f32 $0xffff, v33  }
0xa4: {  	[tilespmem:v25+s15+$0x0] =	vst.idx.msk $0x1, v57;
	v25 =	vbroadcast v51, $0x0;
	v54 =	vbroadcast v53, $0xF;
	v55, _, _ =	vpop (xrf0);
	(xrf0) =	vmax.scan.msk.f32 $0xffff, v34  }
0xa5: {  	v31 =	vbroadcast v52, $0x0;
	v57 =	vand.u32 $0xFFFFFFFD, v48;
	[tilespmem:v37+s15+$0x0] =	vst.idx.msk $0x1, v60;
	v56, _, _ =	vpop (xrf0);
	v33 =	vbroadcast v55, $0xF  }
0xa6: {  	v32 =	vbroadcast v57, $0x0;
	[tilespmem:v28+s15+$0x0] =	vst.idx.msk $0x1, v54;
	v58, _, _ =	vpop (xrf0);
	v59 =	vbroadcast v56, $0xF  }
0xa7: {  	s31 =	sadd.s32 $0x7, s28;
	v60, _, _ =	vpop (xrf0);
	v28 =	vbroadcast v58, $0xF;
	[tilespmem:v27+s15+$0x0] =	vst.idx.msk $0x1, v33  }
0xa8: {  	v61 =	vmov s31;
	v27, _, _ =	vpop (xrf0);
	v34 =	vbroadcast v60, $0xF;
	[tilespmem:v50+s15+$0x0] =	vst.idx.msk $0x1, v59  }
0xa9: {  	v62, _, _ =	vpop (xrf0);
	v27 =	vbroadcast v27, $0xF;
	[tilespmem:v26+s15+$0x0] =	vst.idx.msk $0x1, v28  }
0xaa: {  	v26, _, _ =	vpop (xrf0);
	v63 =	vbroadcast v62, $0xF;
	[tilespmem:v25+s15+$0x0] =	vst.idx.msk $0x1, v34  }
0xab: {  	v25 =	vbroadcast v26, $0xF;
	[tilespmem:v31+s15+$0x0] =	vst.idx.msk $0x1, v27  }
0xac: {  	[tilespmem:v32+s15+$0x0] =	vst.idx.msk $0x1, v63  }
0xad: {  	[tilespmem:v61+s15+$0x0] =	vst.idx.msk $0x1, v25  }
0xae: {  	[tilespmem:$0x5580] =	vst v12  }
0xaf: {  	[tilespmem:$0x5600] =	vst v3  }
0xb0: {  	[tilespmem:$0x5590] =	vst v12  }
0xb1: {  	[tilespmem:$0x5610] =	vst v3  }
0xb2: {  	[tilespmem:$0x55A0] =	vst v12  }
0xb3: {  	[tilespmem:$0x5620] =	vst v3  }
0xb4: {  	[tilespmem:$0x55B0] =	vst v12  }
0xb5: {  	[tilespmem:$0x5630] =	vst v3  }
0xb6: {  	[tilespmem:$0x55C0] =	vst v12  }
0xb7: {  	[tilespmem:$0x5640] =	vst v3  }
0xb8: {  	[tilespmem:$0x55D0] =	vst v12  }
0xb9: {  	[tilespmem:$0x5650] =	vst v3  }
0xba: {  	[tilespmem:$0x55E0] =	vst v12  }
0xbb: {  	[tilespmem:$0x5660] =	vst v3  }
0xbc: {  	[tilespmem:$0x55F0] =	vst v12  }
0xbd: {  	s0 =	simm.s32 $0x0;
	[tilespmem:$0x5670] =	vst v3  }
.LBB2_7:
0xbe: {  	v25 =	vld [tilespmem:$0x5500]  }
0xbf: {  	v26 =	vld [tilespmem:$0x5510]  }
0xc0: {  	v27 =	vld [tilespmem:$0x5520]  }
0xc1: {  	v28 =	vld [tilespmem:$0x5530]  }
0xc2: {  	v29 =	vld [tilespmem:$0x5540];
	_ =	sdelay $0x1  }
0xc3: {  	v30 =	vmax.f32 v25, v26  }
0xc4: {  	v31 =	vmax.f32 v30, v27  }
0xc5: {  	v32 =	vmax.f32 v31, v28  }
0xc6: {  	v33 =	vmax.f32 v32, v29  }
0xc7: {  	(xrf0) =	vmax.scan.msk.f32 $0xffff, v33;
	_ =	sdelay $0x2  }
0xc8: {  	vm3 =	vlt.f32 v25, $-Inf;
	vm4 =	vgt.f32 v25, $-Inf  }
0xc9: {  	vm3 =	vmor vm4, vm3  }
0xca: {  	vm13 =	vgt.f32 v26, v25;
	v25 =	vnsel vm3, $0xC0000000, v17  }
0xcb: {  	vm3 =	vgt.f32 v27, v30;
	v25 =	vsel vm13, v13, v25;
	v26, _, _ =	vpop (xrf0)  }
0xcc: {  	vm14 =	vgt.f32 v28, v31;
	v25 =	vsel vm3, v15, v25;
	v26 =	vbroadcast v26, $0xF  }
0xcd: {  	vm3 =	vgt.f32 v29, v32;
	v25 =	vsel vm14, v16, v25  }
0xce: {  	v25 =	vsel vm3, v18, v25;
	vm15 =	veq.f32 v33, v26  }
0xcf: {  	v25 =	vnsel vm15, $0xC0000000, v25  }
0xd0: {  	(xrf0) =	vmin.scan.msk.u32 $0xffff, v25;
	_ =	sdelay $0x5  }
0xd1: {  	v25, _, _ =	vpop (xrf0)  }
0xd2: {  	(v2sf) =	vpush v25, $0xF;
	_ =	sdelay $0xe  }
0xd3: {  	s6 =	spop (v2sf)  }
0xd4: {  	s7 =	sshll.u32 s6, $0x4  }
0xd5: {  	v25 =	vor.u32 s7, v4;
	_ =	sdelay $0x4  }
0xd6: {  	v27 =	vld.idx.msk [tilespmem:v25+s14+$0x0], $0xffff;
	_ =	sdelay $0x4  }
0xd7: {  	vm3 =	veq.f32 v27, v26  }
0xd8: {  	v27 =	vnsel vm3, $0xC0000000, v17  }
0xd9: {  	(xrf0) =	vmin.scan.msk.u32 $0xffff, v27;
	_ =	sdelay $0x5  }
0xda: {  	v27, _, _ =	vpop (xrf0)  }
0xdb: {  	(v2sf) =	vpush v27, $0xF;
	_ =	sdelay $0xe  }
0xdc: {  	s8 =	spop (v2sf)  }
0xdd: {  	s7 =	sadd.s32 s8, s7  }
0xde: {  	s7 =	sadd.s32 $0x80000000, s7  }
0xdf: {  	s31 =	sshll.u32 s7, $0x4  }
0xe0: {  	v27 =	vor.u32 s31, v4;
	_ =	sdelay $0x4  }
0xe1: {  	v61 =	vld.idx.msk [tilespmem:v27+s2+$0x0], $0xffff;
	_ =	sdelay $0x4  }
0xe2: {  	vm3 =	veq.f32 v61, v26  }
0xe3: {  	v28 =	vnsel vm3, $0xC0000000, v17  }
0xe4: {  	(xrf0) =	vmin.scan.msk.u32 $0xffff, v28;
	_ =	sdelay $0x5  }
0xe5: {  	v28, _, _ =	vpop (xrf0)  }
0xe6: {  	(v2sf) =	vpush v28, $0xF;
	_ =	sdelay $0xe  }
0xe7: {  	s9 =	spop (v2sf)  }
0xe8: {  	v62 =	vmov s0;
	s8 =	sadd.s32 s9, s31  }
0xe9: {  	s8 =	sadd.s32 $0x80000000, s8  }
0xea: {  	v63 =	vmov s8;
	_ =	sdelay $0x2  }
0xeb: {  	[tilespmem:v62+s16+$0x0] =	vst.idx.msk $0x1, v26  }
0xec: {  	[tilespmem:v62+s17+$0x0] =	vst.idx.msk $0x1, v63  }
0xed: {  	[tilespmem:v63+s2+$0x0] =	vst.idx.msk $0x1, v19  }
0xee: {  	v26 =	vld.idx.msk [tilespmem:v27+s2+$0x0], $0xffff;
	_ =	sdelay $0x4  }
0xef: {  	(xrf0) =	vmax.scan.msk.f32 $0xffff, v26;
	_ =	sdelay $0x3  }
0xf0: {  	v26 =	vmov s7;
	_ =	sdelay $0x1  }
0xf1: {  	v27, _, _ =	vpop (xrf0)  }
0xf2: {  	v27 =	vbroadcast v27, $0xF;
	_ =	sdelay $0x1  }
0xf3: {  	[tilespmem:v26+s14+$0x0] =	vst.idx.msk $0x1, v27  }
0xf4: {  	v25 =	vld.idx.msk [tilespmem:v25+s14+$0x0], $0xffff;
	_ =	sdelay $0x4  }
0xf5: {  	(xrf0) =	vmax.scan.msk.f32 $0xffff, v25;
	_ =	sdelay $0x2  }
0xf6: {  	s6 =	sxor.u32 $0x80000000, s6  }
0xf7: {  	p0 =	sne.s32 s0, $0x63;
	v25 =	vmov s6  }
.Ltmp3:
0xf8: {  	_ = 	snop;
	(pc) =	sbr.rel @p0 .LBB2_7-.Ltmp3, $3  }
0xf9: {  	v26, _, _ =	vpop (xrf0)  }
0xfa: {  	v26 =	vbroadcast v26, $0xF;
	_ =	sdelay $0x1  }
0xfb: {  	s0 =	sadd.s32 $0x1, s0;
	[tilespmem:v25+s15+$0x0] =	vst.idx.msk $0x1, v26  }
0xfc: {  	v25 =	vld [tilespmem:$0x5600];
	_ =	sdelay $0x2  }
0xfd: {  	v26 =	vld [tilespmem:$0x5610]  }
0xfe: {  	v27 =	vld [tilespmem:$0x5620]  }
0xff: {  	v29 =	vld [tilespmem:$0x5630];
	v28 =	vadd.s32 v1, v25  }
0x100: {  	v30 =	vld [tilespmem:$0x5640];
	v31 =	vshll.u32 v28, $0x1  }
0x101: {  	v32 =	vld [tilespmem:$0x5650];
	v25 =	vand.u32 $0x7, v25;
	v31 =	vand.u32 $0xFFFFFFF0, v31  }
0x102: {  	v26 =	vadd.s32 v1, v26;
	[tilespmem:$0xDE80] =	vst v28;
	v28 =	vld [tilespmem:$0x5660];
	v25 =	vor.u32 v25, v31  }
0x103: {  	[tilespmem:$0xDE90] =	vst v26;
	v26 =	vadd.s32 v1, v27;
	v27 =	vld [tilespmem:$0x5670];
	v31 =	vperm.xlane v25, v20  }
0x104: {  	[tilespmem:$0xDEA0] =	vst v26;
	v26 =	vadd.s32 v1, v29  }
0x105: {  	[tilespmem:$0xDEB0] =	vst v26;
	v26 =	vadd.s32 v1, v30;
	v25 =	vperm.xlane v25, v22;
	v29 =	vadd.s32 v21, v31  }
0x106: {  	[tilespmem:$0xDEC0] =	vst v26;
	v26 =	vadd.s32 v1, v32  }
0x107: {  	[tilespmem:$0xDED0] =	vst v26;
	v26 =	vadd.s32 v1, v28;
	v25 =	vadd.s32 v21, v25  }
0x108: {  	[tilespmem:$0xDEE0] =	vst v26;
	v26 =	vadd.s32 v1, v27  }
0x109: {  	s28 =	simm.s32 $0x0;
	[tilespmem:$0xDEF0] =	vst v26  }
0x10a: {  	[tilespmem:s18], [sflag:$0x1] =	stream.indirect_vreg.gather [hbm4b:s3+s28], $0x80, v29, vm0, $0xb8;
	[tilespmem:$0x12480] =	vst v63  }
0x10b: {  	s0 =	simm.s32 $0x5E80  }
0x10c: {  	[tilespmem:s0], [sflag:$0x1] =	stream.indirect_vreg.gather [hbm4b:s3+s28], $0x80, v25, vm0, $0xb8;
	[tilespmem:$0x12480] =	vst v63  }
0x10d: {  	v25 =	vld [tilespmem:$0xDE90];
	_ =	sdelay $0x4  }
0x10e: {  	v26 =	vshll.u32 v25, $0x1  }
0x10f: {  	v25 =	vand.u32 $0x7, v25;
	v26 =	vand.u32 $0xFFFFFFF0, v26  }
0x110: {  	v25 =	vor.u32 v25, v26  }
0x111: {  	v26 =	vperm.xlane v25, v20;
	_ =	sdelay $0x1  }
0x112: {  	v25 =	vperm.xlane v25, v22;
	v26 =	vadd.s32 v21, v26;
	_ =	sdelay $0x1  }
0x113: {  	v25 =	vadd.s32 v21, v25;
	_ =	sdelay $0x1  }
0x114: {  	s8 =	simm.s32 $0x6680  }
0x115: {  	[tilespmem:s8], [sflag:$0x1] =	stream.indirect_vreg.gather [hbm4b:s3+s28], $0x80, v26, vm0, $0xb8;
	[tilespmem:$0x12480] =	vst v63  }
0x116: {  	s9 =	simm.s32 $0x6E80  }
0x117: {  	[tilespmem:s9], [sflag:$0x1] =	stream.indirect_vreg.gather [hbm4b:s3+s28], $0x80, v25, vm0, $0xb8;
	[tilespmem:$0x12480] =	vst v63  }
0x118: {  	v25 =	vld [tilespmem:$0xDEA0];
	_ =	sdelay $0x4  }
0x119: {  	v26 =	vshll.u32 v25, $0x1  }
0x11a: {  	v25 =	vand.u32 $0x7, v25;
	v26 =	vand.u32 $0xFFFFFFF0, v26  }
0x11b: {  	v25 =	vor.u32 v25, v26  }
0x11c: {  	v26 =	vperm.xlane v25, v20;
	_ =	sdelay $0x1  }
0x11d: {  	v25 =	vperm.xlane v25, v22;
	v26 =	vadd.s32 v21, v26;
	_ =	sdelay $0x1  }
0x11e: {  	v25 =	vadd.s32 v21, v25;
	_ =	sdelay $0x1  }
0x11f: {  	s10 =	simm.s32 $0x7680  }
0x120: {  	[tilespmem:s10], [sflag:$0x1] =	stream.indirect_vreg.gather [hbm4b:s3+s28], $0x80, v26, vm0, $0xb8;
	[tilespmem:$0x12480] =	vst v63  }
0x121: {  	s26 =	simm.s32 $0x7E80  }
0x122: {  	[tilespmem:s26], [sflag:$0x1] =	stream.indirect_vreg.gather [hbm4b:s3+s28], $0x80, v25, vm0, $0xb8;
	[tilespmem:$0x12480] =	vst v63  }
0x123: {  	v25 =	vld [tilespmem:$0xDEB0];
	_ =	sdelay $0x4  }
0x124: {  	v26 =	vshll.u32 v25, $0x1  }
0x125: {  	v25 =	vand.u32 $0x7, v25;
	v26 =	vand.u32 $0xFFFFFFF0, v26  }
0x126: {  	v25 =	vor.u32 v25, v26  }
0x127: {  	v26 =	vperm.xlane v25, v20;
	_ =	sdelay $0x1  }
0x128: {  	v25 =	vperm.xlane v25, v22;
	v26 =	vadd.s32 v21, v26;
	_ =	sdelay $0x1  }
0x129: {  	v25 =	vadd.s32 v21, v25;
	_ =	sdelay $0x1  }
0x12a: {  	s6 =	simm.s32 $0x8680  }
0x12b: {  	[tilespmem:s6], [sflag:$0x1] =	stream.indirect_vreg.gather [hbm4b:s3+s28], $0x80, v26, vm0, $0xb8;
	[tilespmem:$0x12480] =	vst v63  }
0x12c: {  	s7 =	simm.s32 $0x8E80  }
0x12d: {  	[tilespmem:s7], [sflag:$0x1] =	stream.indirect_vreg.gather [hbm4b:s3+s28], $0x80, v25, vm0, $0xb8;
	[tilespmem:$0x12480] =	vst v63  }
0x12e: {  	v25 =	vld [tilespmem:$0xDEC0];
	_ =	sdelay $0x4  }
0x12f: {  	v26 =	vshll.u32 v25, $0x1  }
0x130: {  	v25 =	vand.u32 $0x7, v25;
	v26 =	vand.u32 $0xFFFFFFF0, v26  }
0x131: {  	v25 =	vor.u32 v25, v26  }
0x132: {  	v26 =	vperm.xlane v25, v20;
	_ =	sdelay $0x1  }
0x133: {  	v25 =	vperm.xlane v25, v22;
	v26 =	vadd.s32 v21, v26;
	_ =	sdelay $0x1  }
0x134: {  	v25 =	vadd.s32 v21, v25;
	_ =	sdelay $0x1  }
0x135: {  	s8 =	simm.s32 $0x9680  }
0x136: {  	[tilespmem:s8], [sflag:$0x1] =	stream.indirect_vreg.gather [hbm4b:s3+s28], $0x80, v26, vm0, $0xb8;
	[tilespmem:$0x12480] =	vst v63  }
0x137: {  	s9 =	simm.s32 $0x9E80  }
0x138: {  	[tilespmem:s9], [sflag:$0x1] =	stream.indirect_vreg.gather [hbm4b:s3+s28], $0x80, v25, vm0, $0xb8;
	[tilespmem:$0x12480] =	vst v63  }
0x139: {  	v25 =	vld [tilespmem:$0xDED0];
	_ =	sdelay $0x4  }
0x13a: {  	v26 =	vshll.u32 v25, $0x1  }
0x13b: {  	v25 =	vand.u32 $0x7, v25;
	v26 =	vand.u32 $0xFFFFFFF0, v26  }
0x13c: {  	v25 =	vor.u32 v25, v26  }
0x13d: {  	v26 =	vperm.xlane v25, v20;
	_ =	sdelay $0x1  }
0x13e: {  	v25 =	vperm.xlane v25, v22;
	v26 =	vadd.s32 v21, v26;
	_ =	sdelay $0x1  }
0x13f: {  	v25 =	vadd.s32 v21, v25;
	_ =	sdelay $0x1  }
0x140: {  	s10 =	simm.s32 $0xA680  }
0x141: {  	[tilespmem:s10], [sflag:$0x1] =	stream.indirect_vreg.gather [hbm4b:s3+s28], $0x80, v26, vm0, $0xb8;
	[tilespmem:$0x12480] =	vst v63  }
0x142: {  	s26 =	simm.s32 $0xAE80  }
0x143: {  	[tilespmem:s26], [sflag:$0x1] =	stream.indirect_vreg.gather [hbm4b:s3+s28], $0x80, v25, vm0, $0xb8;
	[tilespmem:$0x12480] =	vst v63  }
0x144: {  	v25 =	vld [tilespmem:$0xDEE0];
	_ =	sdelay $0x4  }
0x145: {  	v26 =	vshll.u32 v25, $0x1  }
0x146: {  	v25 =	vand.u32 $0x7, v25;
	v26 =	vand.u32 $0xFFFFFFF0, v26  }
0x147: {  	v25 =	vor.u32 v25, v26  }
0x148: {  	v26 =	vperm.xlane v25, v20;
	_ =	sdelay $0x1  }
0x149: {  	v25 =	vperm.xlane v25, v22;
	v26 =	vadd.s32 v21, v26;
	_ =	sdelay $0x1  }
0x14a: {  	v25 =	vadd.s32 v21, v25;
	_ =	sdelay $0x1  }
0x14b: {  	s6 =	simm.s32 $0xB680  }
0x14c: {  	[tilespmem:s6], [sflag:$0x1] =	stream.indirect_vreg.gather [hbm4b:s3+s28], $0x80, v26, vm0, $0xb8;
	[tilespmem:$0x12480] =	vst v63  }
0x14d: {  	s7 =	simm.s32 $0xBE80  }
0x14e: {  	[tilespmem:s7], [sflag:$0x1] =	stream.indirect_vreg.gather [hbm4b:s3+s28], $0x80, v25, vm0, $0xb8;
	[tilespmem:$0x12480] =	vst v63  }
0x14f: {  	v25 =	vld [tilespmem:$0xDEF0];
	_ =	sdelay $0x4  }
0x150: {  	v26 =	vshll.u32 v25, $0x1  }
0x151: {  	v25 =	vand.u32 $0x7, v25;
	v26 =	vand.u32 $0xFFFFFFF0, v26  }
0x152: {  	v25 =	vor.u32 v25, v26  }
0x153: {  	v26 =	vperm.xlane v25, v20;
	_ =	sdelay $0x1  }
0x154: {  	v25 =	vperm.xlane v25, v22;
	v26 =	vadd.s32 v21, v26;
	_ =	sdelay $0x1  }
0x155: {  	v25 =	vadd.s32 v21, v25  }
0x156: {  	s8 =	simm.s32 $0xC680;
	s10 =	simm.s32 $0x70;
	s7 =	simm.s32 $0x20  }
0x157: {  	s9 =	simm.s32 $0xCE80;
	s0 =	sand.u32 $0xF0, s10;
	s7 =	sand.u32 $0xA0, s7  }
0x158: {  	[tilespmem:s8], [sflag:$0x1] =	stream.indirect_vreg.gather [hbm4b:s3+s28], $0x80, v26, vm0, $0xb8;
	[tilespmem:$0x12480] =	vst v63  }
0x159: {  	s26 =	simm.s32 $0x10;
	s6 =	simm.s32 $0x0;
	v29 =	vmov s7;
	s8 =	simm.s32 $0x60  }
0x15a: {  	v29 =	vshrl.u32 v29, $0x7;
	v26 =	vmov s0;
	[tilespmem:s9], [sflag:$0x1] =	stream.indirect_vreg.gather [hbm4b:s3+s28], $0x80, v25, vm0, $0xb8;
	[tilespmem:$0x12480] =	vst v63  }
0x15b: {  	v29 =	vshll.u32 v29, v23;
	s10 =	sand.u32 $0xE0, s8;
	v26 =	vshrl.u32 v26, $0x7;
	s8 =	simm.s32 $0x0;
	_ =	swait.ge [sflag:s19], $0x8000  }
0x15c: {  	v25 =	vmov s6;
	s6 =	sand.u32 $0x90, s26;
	s9 =	simm.s32 $0x50;
	v30 =	vmov s10;
	v26 =	vshll.u32 v26, v23;
	[sflag:s19] =	ssyncset.done $0x0  }
0x15d: {  	s26 =	simm.s32 $0x40;
	v27 =	vshll.u32 v25, $0x8;
	v25 =	vshll.u32 v25, $0x7;
	v28 =	vmov s6;
	s0 =	sand.u32 $0xD0, s9;
	[sflag:s19] =	ssyncadd.s32 $0xFFFF8000  }
0x15e: {  	s7 =	sand.u32 $0xC0, s26;
	s9 =	sand.u32 $0x80, s8;
	v30 =	vshrl.u32 v30, $0x7;
	v28 =	vshrl.u32 v28, $0x7;
	v31 =	vmov s0;
	v34 =	vld [tilespmem:$0x5580]  }
0x15f: {  	v55 =	vmov s7;
	v27 =	vand.u32 $0x7800, v27;
	v33 =	vmov s9;
	v35 =	vld [tilespmem:$0x5590]  }
0x160: {  	s10 =	simm.s32 $0x30;
	v25 =	vand.u32 $0x380, v25;
	v30 =	vshll.u32 v30, v23;
	v28 =	vshll.u32 v28, v23;
	v36 =	vld [tilespmem:$0x55A0]  }
0x161: {  	s0 =	sand.u32 $0xB0, s10;
	v29 =	vor.u32 v29, v27;
	v26 =	vor.u32 v26, v27;
	v31 =	vshrl.u32 v31, $0x7;
	v38 =	vld [tilespmem:$0x55B0]  }
0x162: {  	v30 =	vor.u32 v30, v27;
	v37 =	vmov s0;
	v33 =	vshrl.u32 v33, $0x7;
	v39 =	vld [tilespmem:$0x55C0]  }
0x163: {  	v32 =	vshrl.u32 v55, $0x7;
	v29 =	vor.u32 v25, v29;
	v31 =	vshll.u32 v31, v23;
	v56 =	vld [tilespmem:$0x55D0];
	[tilespmem:$0xDF80] =	vst v34  }
0x164: {  	v28 =	vor.u32 v28, v27;
	v37 =	vshrl.u32 v37, $0x7;
	v57 =	vld [tilespmem:$0x55E0];
	v29 =	vbroadcast v29, $0x0;
	[tilespmem:$0xDF90] =	vst v35  }
0x165: {  	v58 =	vld [tilespmem:$0x55F0];
	v30 =	vor.u32 v25, v30;
	v33 =	vshll.u32 v33, v23;
	v32 =	vshll.u32 v32, v23;
	[tilespmem:$0xDFA0] =	vst v36  }
0x166: {  	v26 =	vor.u32 v25, v26;
	v31 =	vor.u32 v31, v27;
	v29 =	vor.u32 v6, v29;
	[tilespmem:$0xDFB0] =	vst v38  }
0x167: {  	v28 =	vor.u32 v25, v28;
	v37 =	vshll.u32 v37, v23;
	v30 =	vbroadcast v30, $0x0;
	[tilespmem:$0xDFC0] =	vst v39  }
0x168: {  	v33 =	vor.u32 v33, v27;
	v31 =	vor.u32 v25, v31;
	v28 =	vbroadcast v28, $0x0;
	[tilespmem:$0xDFD0] =	vst v56  }
0x169: {  	v26 =	vbroadcast v26, $0x0;
	v37 =	vor.u32 v37, v27;
	v31 =	vbroadcast v31, $0x0;
	[tilespmem:$0xDFE0] =	vst v57  }
0x16a: {  	v27 =	vor.u32 v32, v27;
	v37 =	vor.u32 v25, v37;
	v28 =	vor.u32 v11, v28;
	[tilespmem:$0xDFF0] =	vst v58  }
0x16b: {  	v60 =	vor.u32 v8, v31;
	v31 =	vor.u32 v25, v33;
	v25 =	vor.u32 v25, v27;
	v27 =	vld.idx.msk [tilespmem:v29+s18+$0x0], $0xffff  }
0x16c: {  	s26 =	simm.s32 $0x1;
	v30 =	vor.u32 v9, v30  }
0x16d: {  	s8 =	simm.s32 $0x6;
	v59 =	vmov s26;
	v63 =	vor.u32 v10, v26;
	v37 =	vbroadcast v37, $0x0  }
0x16e: {  	v26 =	vmov s8;
	v31 =	vbroadcast v31, $0x0;
	v25 =	vbroadcast v25, $0x0  }
0x16f: {  	s6 =	simm.s32 $0x5;
	v40 =	vand.u32 $0xFFFFFFFE, v26;
	v61 =	vor.u32 v14, v37;
	v29 =	vand.u32 $0xFFFFFFF9, v59;
	v62 =	vld.idx.msk [tilespmem:v28+s18+$0x0], $0xffff  }
0x170: {  	s7 =	simm.s32 $0x2;
	s9 =	simm.s32 $0x4;
	v31 =	vor.u32 v4, v31;
	v37 =	vor.u32 v7, v25;
	v28 =	vmov s6;
	(xrf0) =	vmax.scan.msk.f32 $0xffff, v27  }
0x171: {  	s10 =	simm.s32 $0x3;
	v35 =	vld.idx.msk [tilespmem:v30+s18+$0x0], $0xffff;
	v25 =	vmov s9;
	v32 =	vand.u32 $0xFFFFFFFD, v28;
	v28 =	vmov s7  }
0x172: {  	v25 =	vand.u32 $0xFFFFFFFC, v25;
	v36 =	vld.idx.msk [tilespmem:v60+s18+$0x0], $0xffff;
	v26 =	vand.u32 $0xFFFFFFFA, v28;
	v28 =	vmov s10  }
0x173: {  	s26 =	simm.s32 $0x7;
	v34 =	vld.idx.msk [tilespmem:v63+s18+$0x0], $0xffff;
	v25 =	vbroadcast v25, $0x0;
	v30 =	vbroadcast v26, $0x0;
	v26 =	vand.u32 $0xFFFFFFFB, v28  }
0x174: {  	s30 =	simm.s32 $0x8;
	s31 =	simm.s32 $0xF0;
	s0 =	simm.s32 $0x0;
	v33 =	vld.idx.msk [tilespmem:v61+s18+$0x0], $0xffff;
	v28 =	vbroadcast v40, $0x0;
	v26 =	vbroadcast v26, $0x0;
	v27 =	vmov s26;
	(xrf0) =	vmax.scan.msk.f32 $0xffff, v62  }
.LBB2_9:
0x175: {  	s6 =	sshrl.u32 s30, $0x4  }
0x176: {  	s7 =	sadd.s32 $0xFFFFFF90, s31;
	s8 =	sand.u32 $0xF0, s31;
	v38 =	vmov s0;
	v29 =	vbroadcast v29, $0x0;
	v37 =	vld.idx.msk [tilespmem:v37+s18+$0x0], $0xffff;
	v32 =	vbroadcast v32, $0x0;
	v39, _, _ =	vpop (xrf0);
	(xrf0) =	vmax.scan.msk.f32 $0xffff, v35;
	s0 =	smov.u32 s30  }
0x177: {  	s9 =	sadd.s32 $0xFFFFFFA0, s31;
	s10 =	sadd.s32 $0xFFFFFFB0, s31;
	v35 =	vmov s6;
	s6 =	sadd.s32 $0x2, s30;
	v40 =	vmov s8;
	v31 =	vld.idx.msk [tilespmem:v31+s18+$0x0], $0xffff;
	v39 =	vbroadcast v39, $0xF;
	(xrf0) =	vmax.scan.msk.f32 $0xffff, v36  }
0x178: {  	s8 =	sand.u32 $0x90, s9;
	s9 =	sand.u32 $0xA0, s10;
	s10 =	sadd.s32 $0xFFFFFFF0, s31;
	v38 =	vand.u32 $0xFFFFFFF8, v38;
	v36 =	vshll.u32 v35, $0x8;
	v35 =	vshll.u32 v35, $0x7  }
0x179: {  	s7 =	sand.u32 $0x80, s7;
	v41 =	vmov s8;
	v43 =	vmov s9;
	s8 =	sadd.s32 $0xFFFFFFE0, s31;
	s9 =	sand.u32 $0xE0, s10;
	v38 =	vbroadcast v38, $0x0;
	[tilespmem:v30+s20+$0x0] =	vst.idx.msk $0x1, v39  }
0x17a: {  	s26 =	sadd.s32 $0xFFFFFFD0, s31;
	s10 =	sadd.s32 $0xFFFFFFC0, s31;
	v40 =	vshrl.u32 v40, $0x7;
	v30 =	vshrl.u32 v43, $0x7;
	s8 =	sand.u32 $0xD0, s8;
	v39 =	vmov s9;
	(xrf0) =	vmax.scan.msk.f32 $0xffff, v33  }
0x17b: {  	p0 =	slt.u32 s30, $0x638;
	s30 =	sadd.s32 $0x8, s30;
	s9 =	sand.u32 $0xC0, s26;
	v33 =	vshrl.u32 v41, $0x7;
	v30 =	vshll.u32 v30, v23;
	v41 =	vmov s8;
	v42, _, _ =	vpop (xrf0);
	(xrf0) =	vmax.scan.msk.f32 $0xffff, v34  }
0x17c: {  	v40 =	vshll.u32 v40, v23;
	v39 =	vshrl.u32 v39, $0x7;
	v34 =	vmov s9;
	(xrf0) =	vmax.scan.msk.f32 $0xffff, v37;
	v37, _, _ =	vpop (xrf0)  }
0x17d: {  	v36 =	vand.u32 $0x7800, v36;
	v33 =	vshll.u32 v33, v23;
	v42 =	vbroadcast v42, $0xF;
	(xrf0) =	vmax.scan.msk.f32 $0xffff, v31;
	v31, _, _ =	vpop (xrf0)  }
0x17e: {  	v43 =	vmov s7;
	v40 =	vor.u32 v40, v36;
	v30 =	vor.u32 v30, v36  }
0x17f: {  	v35 =	vand.u32 $0x380, v35;
	v41 =	vshrl.u32 v41, $0x7;
	[tilespmem:v29+s20+$0x0] =	vst.idx.msk $0x1, v42;
	v42 =	vbroadcast v31, $0xF  }
0x180: {  	v30 =	vor.u32 v35, v30;
	v37 =	vbroadcast v37, $0xF;
	v31 =	vshll.u32 v39, v23;
	v39, _, _ =	vpop (xrf0)  }
0x181: {  	s7 =	sand.u32 $0xB0, s10;
	v30 =	vbroadcast v30, $0x0;
	v31 =	vor.u32 v31, v36;
	v39 =	vbroadcast v39, $0xF;
	[tilespmem:v32+s20+$0x0] =	vst.idx.msk $0x1, v42;
	v29, _, _ =	vpop (xrf0)  }
0x182: {  	v41 =	vshll.u32 v41, v23;
	v32 =	vmov s7;
	[tilespmem:v28+s20+$0x0] =	vst.idx.msk $0x1, v37;
	v28 =	vbroadcast v29, $0xF;
	v29, _, _ =	vpop (xrf0)  }
0x183: {  	v33 =	vor.u32 v33, v36;
	v41 =	vor.u32 v41, v36;
	v37 =	vshrl.u32 v43, $0x7;
	v42, _, _ =	vpop (xrf0)  }
0x184: {  	v30 =	vor.u32 v6, v30;
	v32 =	vshrl.u32 v32, $0x7;
	v42 =	vbroadcast v42, $0xF;
	[tilespmem:v27+s20+$0x0] =	vst.idx.msk $0x1, v28  }
0x185: {  	v27 =	vor.u32 v35, v33;
	v28 =	vshll.u32 v32, v23;
	v32 =	vor.u32 v35, v41  }
0x186: {  	v27 =	vbroadcast v27, $0x0;
	v28 =	vor.u32 v28, v36;
	v32 =	vbroadcast v32, $0x0;
	[tilespmem:v38+s20+$0x0] =	vst.idx.msk $0x1, v42  }
0x187: {  	v31 =	vor.u32 v35, v31;
	v29 =	vbroadcast v29, $0xF;
	v28 =	vor.u32 v35, v28  }
0x188: {  	v31 =	vbroadcast v31, $0x0;
	v33 =	vshll.u32 v37, v23;
	v28 =	vbroadcast v28, $0x0;
	[tilespmem:v26+s20+$0x0] =	vst.idx.msk $0x1, v39  }
0x189: {  	s7 =	sadd.s32 $0x1, s0;
	v27 =	vor.u32 v11, v27;
	v26 =	vor.u32 v33, v36;
	v33 =	vshrl.u32 v34, $0x7;
	v30 =	vld.idx.msk [tilespmem:v30+s18+$0x0], $0xffff  }
0x18a: {  	v37 =	vor.u32 v9, v31;
	v34 =	vmov s7;
	v28 =	vor.u32 v14, v28;
	[tilespmem:v25+s20+$0x0] =	vst.idx.msk $0x1, v29  }
0x18b: {  	v25 =	vshll.u32 v33, v23;
	v33 =	vor.u32 v8, v32;
	v29 =	vor.u32 v35, v40  }
0x18c: {  	v26 =	vor.u32 v35, v26;
	v25 =	vor.u32 v25, v36;
	v31 =	vbroadcast v29, $0x0  }
0x18d: {  	s7 =	sadd.s32 $0x5, s0;
	v26 =	vbroadcast v26, $0x0;
	v29 =	vand.u32 $0xFFFFFFF9, v34;
	v25 =	vor.u32 v35, v25  }
0x18e: {  	v25 =	vbroadcast v25, $0x0;
	v34 =	vor.u32 v10, v31;
	v38 =	vld.idx.msk [tilespmem:v27+s18+$0x0], $0xffff;
	v27 =	vmov s7;
	s7 =	sadd.s32 $0x6, s0  }
0x18f: {  	v31 =	vor.u32 v4, v26;
	v32 =	vand.u32 $0xFFFFFFFD, v27;
	v35 =	vld.idx.msk [tilespmem:v37+s18+$0x0], $0xffff;
	v26 =	vmov s7;
	(xrf0) =	vmax.scan.msk.f32 $0xffff, v30  }
.Ltmp4:
0x190: {  	v27 =	vmov s6;
	s6 =	sadd.s32 $0x3, s0;
	v37 =	vor.u32 v7, v25;
	s7 =	sadd.s32 $0x4, s0;
	v36 =	vld.idx.msk [tilespmem:v33+s18+$0x0], $0xffff;
	v39 =	vand.u32 $0xFFFFFFFE, v26;
	(pc) =	sbr.rel @p0 .LBB2_9-.Ltmp4, $4  }
0x191: {  	v25 =	vand.u32 $0xFFFFFFFA, v27;
	v26 =	vmov s6;
	v27 =	vmov s7  }
0x192: {  	v30 =	vbroadcast v25, $0x0;
	v26 =	vand.u32 $0xFFFFFFFB, v26;
	v25 =	vand.u32 $0xFFFFFFFC, v27  }
0x193: {  	s6 =	sadd.s32 $0x7, s0;
	v25 =	vbroadcast v25, $0x0;
	v33 =	vld.idx.msk [tilespmem:v28+s18+$0x0], $0xffff  }
0x194: {  	s31 =	sadd.s32 $0x80, s31;
	v27 =	vmov s6;
	v26 =	vbroadcast v26, $0x0;
	v28 =	vbroadcast v39, $0x0;
	v34 =	vld.idx.msk [tilespmem:v34+s18+$0x0], $0xffff;
	(xrf0) =	vmax.scan.msk.f32 $0xffff, v38  }
0x195: {  	_ =	sdelay $0x3  }
0x196: {  	v37 =	vld.idx.msk [tilespmem:v37+s18+$0x0], $0xffff  }
0x197: {  	(xrf0) =	vmax.scan.msk.f32 $0xffff, v35;
	v31 =	vld.idx.msk [tilespmem:v31+s18+$0x0], $0xffff  }
0x198: {  	(xrf0) =	vmax.scan.msk.f32 $0xffff, v36  }
0x199: {  	(xrf0) =	vmax.scan.msk.f32 $0xffff, v33  }
0x19a: {  	v29 =	vbroadcast v29, $0x0;
	(xrf0) =	vmax.scan.msk.f32 $0xffff, v34  }
0x19b: {  	v51, _, _ =	vpop (xrf0);
	(xrf0) =	vmax.scan.msk.f32 $0xffff, v37  }
0x19c: {  	v32 =	vbroadcast v32, $0x0;
	v52, _, _ =	vpop (xrf0);
	(xrf0) =	vmax.scan.msk.f32 $0xffff, v31  }
0x19d: {  	v54 =	vmov s0;
	v33 =	vbroadcast v51, $0xF;
	v53, _, _ =	vpop (xrf0)  }
0x19e: {  	v35 =	vand.u32 $0xFFFFFFF8, v54;
	v34 =	vbroadcast v52, $0xF;
	v36, _, _ =	vpop (xrf0)  }
0x19f: {  	v35 =	vbroadcast v35, $0x0;
	[tilespmem:v30+s20+$0x0] =	vst.idx.msk $0x1, v33;
	v58 =	vbroadcast v53, $0xF;
	v55, _, _ =	vpop (xrf0)  }
0x1a0: {  	v56 =	vbroadcast v36, $0xF;
	[tilespmem:v29+s20+$0x0] =	vst.idx.msk $0x1, v34;
	v57, _, _ =	vpop (xrf0)  }
0x1a1: {  	[tilespmem:v28+s20+$0x0] =	vst.idx.msk $0x1, v58;
	v63 =	vbroadcast v55, $0xF;
	v59, _, _ =	vpop (xrf0)  }
0x1a2: {  	[tilespmem:v32+s20+$0x0] =	vst.idx.msk $0x1, v56;
	v60 =	vbroadcast v57, $0xF;
	v61, _, _ =	vpop (xrf0)  }
0x1a3: {  	[tilespmem:v26+s20+$0x0] =	vst.idx.msk $0x1, v63;
	v62 =	vbroadcast v61, $0xF  }
0x1a4: {  	[tilespmem:v27+s20+$0x0] =	vst.idx.msk $0x1, v60;
	v27 =	vbroadcast v59, $0xF  }
0x1a5: {  	[tilespmem:v35+s20+$0x0] =	vst.idx.msk $0x1, v62  }
0x1a6: {  	[tilespmem:v25+s20+$0x0] =	vst.idx.msk $0x1, v27  }
.LBB2_11:
0x1a7: {  	v25 =	vld [tilespmem:$0x5600];
	_ =	sdelay $0x1  }
0x1a8: {  	v26 =	vld [tilespmem:$0xDF80];
	_ =	sdelay $0x1  }
0x1a9: {  	v27 =	vld [tilespmem:$0x5610]  }
0x1aa: {  	v25 =	vshll.u32 v25, $0x7  }
0x1ab: {  	v25 =	vor.u32 v4, v25  }
0x1ac: {  	v28 =	vld [tilespmem:$0xDF90];
	vm3 =	vlt.f32 v26, $-Inf;
	vm4 =	vlt.s32 v25, $0x40000000  }
0x1ad: {  	v30 =	vld [tilespmem:$0x5620];
	vm5 =	vgt.f32 v26, $-Inf;
	vm15 =	veq.f32 v26, $-Inf;
	v29 =	vnsel vm4, $0x40000000, v25  }
0x1ae: {  	v27 =	vshll.u32 v27, $0x7;
	vm3 =	vmor vm5, vm3;
	v29 =	vnsel vm15, $0x40000000, v29  }
0x1af: {  	v27 =	vor.u32 v11, v27;
	v25 =	vsel vm3, v25, v29  }
0x1b0: {  	v36 =	vld [tilespmem:$0xDFA0];
	vm3 =	vlt.s32 v25, v27  }
0x1b1: {  	v32 =	vld [tilespmem:$0x5630];
	vm8 =	veq.f32 v28, v26;
	v31 =	vsel vm3, v25, v27  }
0x1b2: {  	v30 =	vshll.u32 v30, $0x7;
	vm3 =	vgt.f32 v28, v26;
	v25 =	vsel vm8, v31, v25  }
0x1b3: {  	v25 =	vsel vm3, v27, v25;
	v27 =	vor.u32 v6, v30  }
0x1b4: {  	v37 =	vld [tilespmem:$0xDFB0];
	v26 =	vmax.f32 v26, v28;
	vm3 =	vlt.s32 v25, v27  }
0x1b5: {  	v38 =	vld [tilespmem:$0x5640];
	vm9 =	veq.f32 v36, v26;
	v30 =	vsel vm3, v25, v27  }
0x1b6: {  	v39 =	vshll.u32 v32, $0x7;
	vm3 =	vgt.f32 v36, v26;
	v25 =	vsel vm9, v30, v25  }
0x1b7: {  	v25 =	vsel vm3, v27, v25;
	v27 =	vor.u32 v14, v39  }
0x1b8: {  	v40 =	vld [tilespmem:$0xDFC0];
	v26 =	vmax.f32 v26, v36;
	vm3 =	vlt.s32 v25, v27  }
0x1b9: {  	v41 =	vld [tilespmem:$0x5650];
	vm10 =	veq.f32 v37, v26;
	v30 =	vsel vm3, v25, v27  }
0x1ba: {  	v43 =	vld [tilespmem:$0xDFD0];
	v42 =	vshll.u32 v38, $0x7;
	vm3 =	vgt.f32 v37, v26;
	v25 =	vsel vm10, v30, v25  }
0x1bb: {  	v44 =	vld [tilespmem:$0xDFE0];
	v25 =	vsel vm3, v27, v25;
	v27 =	vor.u32 v7, v42  }
0x1bc: {  	v45 =	vld [tilespmem:$0x5660];
	v26 =	vmax.f32 v26, v37;
	vm3 =	vlt.s32 v25, v27  }
0x1bd: {  	v34 =	vld [tilespmem:$0xDFF0];
	vm11 =	veq.f32 v40, v26;
	v33 =	vsel vm3, v25, v27  }
0x1be: {  	v32 =	vshll.u32 v41, $0x7;
	vm3 =	vgt.f32 v40, v26;
	v25 =	vsel vm11, v33, v25  }
0x1bf: {  	v26 =	vmax.f32 v26, v40;
	v25 =	vsel vm3, v27, v25;
	v27 =	vor.u32 v8, v32  }
0x1c0: {  	v29 =	vmax.f32 v26, v43;
	vm13 =	veq.f32 v43, v26;
	vm12 =	vlt.s32 v25, v27  }
0x1c1: {  	v47 =	vld [tilespmem:$0x5670];
	vm3 =	vgt.f32 v43, v26;
	v46 =	vmax.f32 v29, v44;
	v26 =	vsel vm12, v25, v27  }
0x1c2: {  	v48 =	vmax.f32 v46, v34;
	v25 =	vsel vm13, v26, v25;
	v26 =	vshll.u32 v45, $0x7  }
0x1c3: {  	(xrf0) =	vmax.scan.msk.f32 $0xffff, v48;
	v25 =	vsel vm3, v27, v25;
	v26 =	vor.u32 v9, v26  }
0x1c4: {  	vm3 =	vlt.s32 v25, v26  }
0x1c5: {  	vm14 =	veq.f32 v44, v29;
	v27 =	vsel vm3, v25, v26  }
0x1c6: {  	vm3 =	vgt.f32 v44, v29;
	v25 =	vsel vm14, v27, v25;
	v27 =	vshll.u32 v47, $0x7  }
0x1c7: {  	v25 =	vsel vm3, v26, v25;
	v26 =	vor.u32 v10, v27  }
0x1c8: {  	vm3 =	vlt.s32 v25, v26  }
0x1c9: {  	vm15 =	veq.f32 v34, v46;
	v49, _, _ =	vpop (xrf0);
	v27 =	vsel vm3, v25, v26  }
0x1ca: {  	vm3 =	vgt.f32 v34, v46;
	v25 =	vsel vm15, v27, v25;
	v27 =	vbroadcast v49, $0xF  }
0x1cb: {  	v25 =	vsel vm3, v26, v25  }
0x1cc: {  	vm3 =	veq.f32 v48, v27;
	v25 =	vxor.u32 $0x80000000, v25  }
0x1cd: {  	v25 =	vnsel vm3, $0xC0000000, v25  }
0x1ce: {  	(xrf0) =	vmin.scan.msk.u32 $0xffff, v25;
	_ =	sdelay $0x5  }
0x1cf: {  	v25, _, _ =	vpop (xrf0)  }
0x1d0: {  	(v2sf) =	vpush v25, $0xF;
	_ =	sdelay $0xe  }
0x1d1: {  	s0 =	spop (v2sf)  }
0x1d2: {  	s6 =	sxor.u32 $0x80000000, s0  }
0x1d3: {  	p1 =	sgt.s32 s0, $0xFFFFFFFF;
	s0 =	sand.u32 $0x7F, s0;
	p0 =	slt.s32 s6, $0x1  }
0x1d4: {  	s7 =	sshra.s32 s6, $0x1F;
	p4 =	sne.s32 s0, $0x0;
	p0 =	por p1, p0  }
0x1d5: {  	s30 =	sshrl.u32 s7, $0x19;
	p0 =	por !p4, !p0  }
0x1d6: {  	s7 =	simm.s32 $0x1;
	s0 =	sadd.s32 s30, s6;
	p0 =	por !p0, !p0  }
0x1d7: {  	s0 =	sshra.s32 s0, $0x7;
	s7 =	simm.s32 @!p0 $0x0  }
0x1d8: {  	s0 =	ssub.s32 s0, s7  }
0x1d9: {  	s7 =	sshll.u32 s0, $0x7  }
0x1da: {  	s6 =	ssub.s32 s6, s7  }
0x1db: {  	s7 =	sshll.u32 s6, $0x4  }
0x1dc: {  	v25 =	vor.u32 s7, v4;
	_ =	sdelay $0x4  }
0x1dd: {  	v26 =	vld.idx.msk [tilespmem:v25+s20+$0x0], $0xffff;
	_ =	sdelay $0x4  }
0x1de: {  	vm3 =	veq.f32 v26, v27  }
0x1df: {  	v26 =	vnsel vm3, $0xC0000000, v17  }
0x1e0: {  	(xrf0) =	vmin.scan.msk.u32 $0xffff, v26;
	_ =	sdelay $0x5  }
0x1e1: {  	v26, _, _ =	vpop (xrf0)  }
0x1e2: {  	(v2sf) =	vpush v26, $0xF;
	_ =	sdelay $0xe  }
0x1e3: {  	s8 =	spop (v2sf)  }
0x1e4: {  	s9 =	sshll.u32 s8, $0x4  }
0x1e5: {  	v26 =	vmov s6;
	v50 =	vmov s9  }
0x1e6: {  	v51 =	vshll.u32 v26, $0x8;
	v28 =	vshll.u32 v50, $0x3  }
0x1e7: {  	v29 =	vand.u32 $0xFFFFF800, v51;
	v52 =	vor.u32 s9, v4;
	v28 =	vand.u32 $0xFFFFFC00, v28  }
0x1e8: {  	v53 =	vshll.u32 v26, $0x7;
	v30 =	vand.u32 $0x7F, v52;
	v28 =	vadd.s32 v28, v29  }
0x1e9: {  	v31 =	vand.u32 $0x380, v53;
	v28 =	vor.u32 v30, v28  }
0x1ea: {  	v28 =	vor.u32 v31, v28;
	_ =	sdelay $0x4  }
0x1eb: {  	v54 =	vld.idx.msk [tilespmem:v28+s18+$0x0], $0xffff;
	_ =	sdelay $0x4  }
0x1ec: {  	vm3 =	veq.f32 v54, v27  }
0x1ed: {  	v30 =	vnsel vm3, $0xC0000000, v17  }
0x1ee: {  	(xrf0) =	vmin.scan.msk.u32 $0xffff, v30;
	_ =	sdelay $0x5  }
0x1ef: {  	v30, _, _ =	vpop (xrf0)  }
0x1f0: {  	(v2sf) =	vpush v30, $0xF;
	_ =	sdelay $0xe  }
0x1f1: {  	s31 =	spop (v2sf)  }
0x1f2: {  	s6 =	sadd.s32 s31, s9  }
0x1f3: {  	s6 =	sadd.s32 $0x80000000, s6  }
0x1f4: {  	v55 =	vmov s6  }
0x1f5: {  	v56 =	vshll.u32 v55, $0x3  }
0x1f6: {  	v32 =	vand.u32 $0xFFFFFC00, v56  }
0x1f7: {  	v57 =	vand.u32 $0x7F, v55;
	v29 =	vadd.s32 v32, v29  }
0x1f8: {  	v29 =	vor.u32 v57, v29  }
0x1f9: {  	v29 =	vor.u32 v31, v29;
	_ =	sdelay $0x4  }
0x1fa: {  	[tilespmem:v29+s18+$0x0] =	vst.idx.msk $0x1, v12  }
0x1fb: {  	v28 =	vld.idx.msk [tilespmem:v28+s18+$0x0], $0xffff;
	_ =	sdelay $0x4  }
0x1fc: {  	(xrf0) =	vmax.scan.msk.f32 $0xffff, v28;
	_ =	sdelay $0x1  }
0x1fd: {  	s7 =	sadd.s32 s8, s7  }
0x1fe: {  	s7 =	sadd.s32 $0x80000000, s7  }
0x1ff: {  	v58 =	vmov s7;
	_ =	sdelay $0x1  }
0x200: {  	v59, _, _ =	vpop (xrf0)  }
0x201: {  	v29 =	vbroadcast v59, $0xF;
	_ =	sdelay $0x1  }
0x202: {  	[tilespmem:v58+s20+$0x0] =	vst.idx.msk $0x1, v29  }
0x203: {  	v25 =	vld.idx.msk [tilespmem:v25+s20+$0x0], $0xffff;
	_ =	sdelay $0x4  }
0x204: {  	s9 =	sand.u32 $0xFF, s0;
	(xrf0) =	vmax.scan.msk.f32 $0xffff, v25  }
0x205: {  	s10 =	sshra.s32 s0, $0x1F;
	p5 =	slt.s32 s0, $0x1;
	p6 =	sne.s32 s9, $0x0  }
0x206: {  	s26 =	sshrl.u32 s10, $0x18;
	p0 =	por !p5, !p6  }
0x207: {  	s8 =	simm.s32 $0x1;
	s7 =	sadd.s32 s26, s0;
	p0 =	por !p0, !p0  }
0x208: {  	s7 =	sshra.s32 s7, $0x8;
	s8 =	simm.s32 @!p0 $0x0  }
0x209: {  	s7 =	ssub.s32 s7, s8;
	v25 =	vmov s28  }
0x20a: {  	s31 =	sshll.u32 s7, $0x8;
	v61 =	vmov s7;
	v60, _, _ =	vpop (xrf0)  }
0x20b: {  	s0 =	ssub.s32 s0, s31;
	v29 =	vcvt.s32.f32 v61;
	v28 =	vbroadcast v60, $0xF  }
0x20c: {  	s30 =	rddreg [dreg:$0x4];
	v62 =	vmov s0  }
0x20d: {  	p0 =	sne.s32 s28, $0x63;
	v63 =	vcvt.s32.f32 v62;
	[tilespmem:v26+s30+$0x0] =	vst.idx.msk $0x1, v28;
	v26 =	vbroadcast v29, $0x0  }
.Ltmp5:
0x20e: {  	[tilespmem:v25+s21+$0x0] =	vst.idx.msk $0x1, v27;
	v27 =	vcvt.s32.f32 v55;
	(pc) =	sbr.rel @p0 .LBB2_11-.Ltmp5, $4  }
0x20f: {  	s0 =	sshll.u32 s0, $0x8;
	[tilespmem:v25+s22+$0x0] =	vst.idx.msk $0x1, v26;
	v26 =	vbroadcast v63, $0x0  }
0x210: {  	s0 =	sadd.s32 s6, s0;
	[tilespmem:v25+s23+$0x0] =	vst.idx.msk $0x1, v27  }
0x211: {  	[tilespmem:v25+s24+$0x0] =	vst.idx.msk $0x1, v26;
	v26 =	vmov s0  }
0x212: {  	s28 =	sadd.s32 $0x1, s28;
	[tilespmem:v25+s25+$0x0] =	vst.idx.msk $0x1, v26  }
0x213: {  	_ =	sdelay $0x4  }
0x214: {  	[tilespmem:v4+s21+$0x0] =	vst.idx.msk vm1, v19  }
0x215: {  	[tilespmem:v4+s22+$0x0] =	vst.idx.msk vm1, v19  }
0x216: {  	[tilespmem:v4+s23+$0x0] =	vst.idx.msk vm1, v24  }
0x217: {  	[tilespmem:v4+s24+$0x0] =	vst.idx.msk vm1, v24  }
0x218: {  	[tilespmem:v4+s25+$0x0] =	vst.idx.msk vm1, v3  }
0x219: {  	[tilespmem:v11+s21+$0x0] =	vst.idx.msk vm1, v19  }
0x21a: {  	[tilespmem:v11+s22+$0x0] =	vst.idx.msk vm1, v19  }
0x21b: {  	[tilespmem:v11+s23+$0x0] =	vst.idx.msk vm1, v24  }
0x21c: {  	[tilespmem:v11+s24+$0x0] =	vst.idx.msk vm1, v24  }
0x21d: {  	[tilespmem:v11+s25+$0x0] =	vst.idx.msk vm1, v3  }
0x21e: {  	[tilespmem:v6+s21+$0x0] =	vst.idx.msk vm1, v19  }
0x21f: {  	[tilespmem:v6+s22+$0x0] =	vst.idx.msk vm1, v19  }
0x220: {  	[tilespmem:v6+s23+$0x0] =	vst.idx.msk vm1, v24  }
0x221: {  	[tilespmem:v6+s24+$0x0] =	vst.idx.msk vm1, v24  }
0x222: {  	[tilespmem:v6+s25+$0x0] =	vst.idx.msk vm1, v3  }
0x223: {  	[tilespmem:v14+s21+$0x0] =	vst.idx.msk vm1, v19  }
0x224: {  	[tilespmem:v14+s22+$0x0] =	vst.idx.msk vm1, v19  }
0x225: {  	[tilespmem:v14+s23+$0x0] =	vst.idx.msk vm1, v24  }
0x226: {  	[tilespmem:v14+s24+$0x0] =	vst.idx.msk vm1, v24  }
0x227: {  	[tilespmem:v14+s25+$0x0] =	vst.idx.msk vm1, v3  }
0x228: {  	[tilespmem:v7+s21+$0x0] =	vst.idx.msk vm1, v19  }
0x229: {  	[tilespmem:v7+s22+$0x0] =	vst.idx.msk vm1, v19  }
0x22a: {  	[tilespmem:v7+s23+$0x0] =	vst.idx.msk vm1, v24  }
0x22b: {  	[tilespmem:v7+s24+$0x0] =	vst.idx.msk vm1, v24  }
0x22c: {  	[tilespmem:v7+s25+$0x0] =	vst.idx.msk vm1, v3  }
0x22d: {  	[tilespmem:v8+s21+$0x0] =	vst.idx.msk vm1, v19  }
0x22e: {  	[tilespmem:v8+s22+$0x0] =	vst.idx.msk vm1, v19  }
0x22f: {  	[tilespmem:v8+s23+$0x0] =	vst.idx.msk vm1, v24  }
0x230: {  	[tilespmem:v8+s24+$0x0] =	vst.idx.msk vm1, v24  }
0x231: {  	[tilespmem:v8+s25+$0x0] =	vst.idx.msk vm1, v3  }
0x232: {  	[tilespmem:v9+s21+$0x0] =	vst.idx.msk vm2, v19  }
0x233: {  	[tilespmem:v9+s22+$0x0] =	vst.idx.msk vm2, v19  }
0x234: {  	[tilespmem:v9+s23+$0x0] =	vst.idx.msk vm2, v24  }
0x235: {  	[tilespmem:v9+s24+$0x0] =	vst.idx.msk vm2, v24  }
0x236: {  	[tilespmem:v9+s25+$0x0] =	vst.idx.msk vm2, v3  }
0x237: {  	[tilespmem:v10+s21+$0x0] =	vst.idx.msk $0xffff, v19  }
0x238: {  	[tilespmem:v10+s22+$0x0] =	vst.idx.msk $0xffff, v19  }
0x239: {  	[tilespmem:v10+s23+$0x0] =	vst.idx.msk $0xffff, v24  }
0x23a: {  	[tilespmem:v10+s24+$0x0] =	vst.idx.msk $0xffff, v24  }
0x23b: {  	[tilespmem:v10+s25+$0x0] =	vst.idx.msk $0xffff, v3  }
0x23c: {  	v25 =	vld [tilespmem:$0xE180];
	_ =	sdelay $0x1  }
0x23d: {  	v26 =	vld [tilespmem:$0xE190];
	_ =	sdelay $0x1  }
0x23e: {  	v27 =	vld [tilespmem:$0xE1A0]  }
0x23f: {  	v28 =	vadd.s32 v0, v25  }
0x240: {  	v33 =	vld [tilespmem:$0xE1B0];
	v25 =	vadd.s32 v2, v25;
	[tilespmem:$0xDE80] =	vst v28  }
0x241: {  	[tilespmem:$0xDF00] =	vst v25;
	v25 =	vadd.s32 v0, v26  }
0x242: {  	[tilespmem:$0xDE90] =	vst v25;
	v25 =	vadd.s32 v2, v26;
	v26 =	vld [tilespmem:$0xE1C0]  }
0x243: {  	[tilespmem:$0xDF10] =	vst v25;
	v25 =	vadd.s32 v0, v27  }
0x244: {  	[tilespmem:$0xDEA0] =	vst v25;
	v25 =	vadd.s32 v2, v27;
	v27 =	vld [tilespmem:$0xE1D0]  }
0x245: {  	[tilespmem:$0xDF20] =	vst v25;
	v25 =	vadd.s32 v0, v33  }
0x246: {  	v34 =	vld [tilespmem:$0xE1E0];
	[tilespmem:$0xDEB0] =	vst v25;
	v25 =	vadd.s32 v2, v33  }
0x247: {  	[tilespmem:$0xDF30] =	vst v25;
	v25 =	vadd.s32 v0, v26  }
0x248: {  	[tilespmem:$0xDEC0] =	vst v25;
	v25 =	vadd.s32 v2, v26;
	v26 =	vld [tilespmem:$0xE1F0]  }
0x249: {  	[tilespmem:$0xDF40] =	vst v25;
	v25 =	vadd.s32 v0, v27  }
0x24a: {  	[tilespmem:$0xDED0] =	vst v25;
	v25 =	vadd.s32 v2, v27  }
0x24b: {  	[tilespmem:$0xDF50] =	vst v25;
	v25 =	vadd.s32 v0, v34  }
0x24c: {  	[tilespmem:$0xDEE0] =	vst v25;
	v25 =	vadd.s32 v2, v34  }
0x24d: {  	[tilespmem:$0xDF60] =	vst v25;
	v25 =	vadd.s32 v0, v26  }
0x24e: {  	[tilespmem:$0xDEF0] =	vst v25;
	v25 =	vadd.s32 v2, v26  }
0x24f: {  	s0 =	simm.s32 $0xDE80;
	s6 =	simm.s32 $0xE280;
	[tilespmem:$0xDF70] =	vst v25  }
0x250: {  	[tilespmem:s6], [sflag:$0x1] =	stream.indirect.gather [hbm4b:s4+s11], $0x1, s0, s11, $0xb8;
	[tilespmem:$0x12480] =	vst v63  }
0x251: {  	_ =	swait.ge [sflag:s19], $0x80  }
0x252: {  	[sflag:s19] =	ssyncset.done $0x0  }
0x253: {  	s8 =	simm.s32 $0xE300;
	[sflag:s19] =	ssyncadd.s32 $0xFFFFFF80  }
0x254: {  	[tilespmem:s8], [sflag:$0x1] =	stream.indirect.gather [hbm4b:s4+s11], $0x1, s29, s11, $0xb8;
	[tilespmem:$0x12480] =	vst v63  }
0x255: {  	_ =	swait.ge [sflag:s19], $0x80  }
0x256: {  	[sflag:s19] =	ssyncset.done $0x0  }
0x257: {  	s9 =	simm.s32 $0xE380;
	[sflag:s19] =	ssyncadd.s32 $0xFFFFFF80  }
0x258: {  	[tilespmem:s9], [sflag:$0x1] =	stream.indirect.gather [hbm4b:s5+s11], $0x1, s0, s11, $0xb8;
	[tilespmem:$0x12480] =	vst v63  }
0x259: {  	_ =	swait.ge [sflag:s19], $0x80  }
0x25a: {  	[sflag:s19] =	ssyncset.done $0x0  }
0x25b: {  	s10 =	simm.s32 $0xE400;
	[sflag:s19] =	ssyncadd.s32 $0xFFFFFF80  }
0x25c: {  	[tilespmem:s10], [sflag:$0x1] =	stream.indirect.gather [hbm4b:s5+s11], $0x1, s29, s11, $0xb8;
	[tilespmem:$0x12480] =	vst v63  }
0x25d: {  	_ =	swait.ge [sflag:s19], $0x80  }
0x25e: {  	[sflag:s19] =	ssyncset.done $0x0  }
0x25f: {  	[sflag:s19] =	ssyncadd.s32 $0xFFFFFF80  }
0x260: {  	v25 =	vld [tilespmem:$0xE000]  }
0x261: {  	v26 =	vld [tilespmem:$0xE280]  }
0x262: {  	v27 =	vld [tilespmem:$0xE080]  }
0x263: {  	v35 =	vld [tilespmem:$0xE300]  }
0x264: {  	v29 =	vld [tilespmem:$0xE380]  }
0x265: {  	v30 =	vld [tilespmem:$0xE400]  }
0x266: {  	v31 =	vld [tilespmem:$0xE200]  }
0x267: {  	v38 =	vld [tilespmem:$0xE100];
	_ =	sdelay $0x2  }
0x268: {  	v26 =	vadd.f32 v26, v25;
	v27 =	vadd.f32 v35, v27;
	v36 =	vmul.f32 $5.000000000e-01, v29  }
0x269: {  	v37 =	vmul.f32 $5.000000000e-01, v30;
	v25 =	vmul.u32 $0x80, v4;
	vm3 =	vgt.f32 v31, $9.999999770e-03  }
0x26a: {  	v39 =	vnsel vm3, $0xBF800000, v38;
	v32 =	vsub.f32 v26, v36  }
0x26b: {  	v41 =	vnsel vm3, $0xBF800000, v31;
	v33 =	vsub.f32 v27, v37;
	v34 =	vor.u32 $0x1, v25  }
0x26c: {  	v26 =	vadd.f32 v36, v26;
	v40 =	vor.u32 $0x2, v25;
	v32 =	vmul.f32 $4.000000000e+00, v32  }
0x26d: {  	v27 =	vadd.f32 v37, v27;
	[tilespmem:$0xE100] =	vst v39;
	v42 =	vor.u32 $0x3, v25;
	v33 =	vmul.f32 $4.000000000e+00, v33  }
0x26e: {  	[tilespmem:$0xE200] =	vst v41;
	v26 =	vmul.f32 $4.000000000e+00, v26;
	v43 =	vnsel vm3, $0xC0800000, v32  }
0x26f: {  	v27 =	vmul.f32 $4.000000000e+00, v27;
	v44 =	vnsel vm3, $0xC0800000, v33;
	[tilespmem:v25+s1+$0x0] =	vst.idx.msk $0xffff, v43  }
0x270: {  	v26 =	vnsel vm3, $0xC0800000, v26;
	[tilespmem:v34+s1+$0x0] =	vst.idx.msk $0xffff, v44  }
0x271: {  	v27 =	vnsel vm3, $0xC0800000, v27;
	[tilespmem:v40+s1+$0x0] =	vst.idx.msk $0xffff, v26  }
0x272: {  	[tilespmem:v42+s1+$0x0] =	vst.idx.msk $0xffff, v27  }
0x273: {  	v26 =	vld [tilespmem:$0xE010]  }
0x274: {  	v27 =	vld [tilespmem:$0xE290]  }
0x275: {  	v28 =	vld [tilespmem:$0xE390]  }
0x276: {  	v29 =	vld [tilespmem:$0xE090]  }
0x277: {  	v30 =	vld [tilespmem:$0xE310]  }
0x278: {  	v31 =	vld [tilespmem:$0xE410]  }
0x279: {  	v45 =	vld [tilespmem:$0xE210];
	_ =	sdelay $0x1  }
0x27a: {  	v46 =	vld [tilespmem:$0xE110]  }
0x27b: {  	v26 =	vadd.f32 v27, v26;
	v27 =	vmul.f32 $5.000000000e-01, v28  }
0x27c: {  	v50 =	vor.u32 $0x800, v25;
	v29 =	vadd.f32 v30, v29;
	v48 =	vmul.f32 $5.000000000e-01, v31  }
0x27d: {  	v52 =	vor.u32 $0x802, v25;
	vm3 =	vgt.f32 v45, $9.999999770e-03;
	v47 =	vsub.f32 v26, v27  }
0x27e: {  	v51 =	vsub.f32 v29, v48;
	v26 =	vadd.f32 v27, v26;
	v27 =	vor.u32 $0x801, v25  }
0x27f: {  	v54 =	vor.u32 $0x803, v25;
	v28 =	vnsel vm3, $0xBF800000, v46;
	v49 =	vmul.f32 $4.000000000e+00, v47  }
0x280: {  	v53 =	vnsel vm3, $0xBF800000, v45;
	v29 =	vadd.f32 v48, v29;
	[tilespmem:$0xE110] =	vst v28;
	v34 =	vmul.f32 $4.000000000e+00, v51  }
0x281: {  	[tilespmem:$0xE210] =	vst v53;
	v26 =	vmul.f32 $4.000000000e+00, v26;
	v31 =	vnsel vm3, $0xC0800000, v49  }
0x282: {  	v29 =	vmul.f32 $4.000000000e+00, v29;
	v55 =	vnsel vm3, $0xC0800000, v34;
	[tilespmem:v50+s1+$0x0] =	vst.idx.msk $0xffff, v31  }
0x283: {  	v26 =	vnsel vm3, $0xC0800000, v26;
	[tilespmem:v27+s1+$0x0] =	vst.idx.msk $0xffff, v55  }
0x284: {  	v27 =	vnsel vm3, $0xC0800000, v29;
	[tilespmem:v52+s1+$0x0] =	vst.idx.msk $0xffff, v26  }
0x285: {  	[tilespmem:v54+s1+$0x0] =	vst.idx.msk $0xffff, v27  }
0x286: {  	v26 =	vld [tilespmem:$0xE020]  }
0x287: {  	v27 =	vld [tilespmem:$0xE2A0]  }
0x288: {  	v28 =	vld [tilespmem:$0xE3A0]  }
0x289: {  	v56 =	vld [tilespmem:$0xE0A0]  }
0x28a: {  	v30 =	vld [tilespmem:$0xE320]  }
0x28b: {  	v31 =	vld [tilespmem:$0xE420]  }
0x28c: {  	v32 =	vld [tilespmem:$0xE220];
	_ =	sdelay $0x1  }
0x28d: {  	v57 =	vld [tilespmem:$0xE120]  }
0x28e: {  	v26 =	vadd.f32 v27, v26;
	v27 =	vmul.f32 $5.000000000e-01, v28  }
0x28f: {  	v61 =	vor.u32 $0x1000, v25;
	v29 =	vadd.f32 v30, v56;
	v59 =	vmul.f32 $5.000000000e-01, v31  }
0x290: {  	v63 =	vor.u32 $0x1002, v25;
	vm3 =	vgt.f32 v32, $9.999999770e-03;
	v58 =	vsub.f32 v26, v27  }
0x291: {  	v62 =	vsub.f32 v29, v59;
	v26 =	vadd.f32 v27, v26;
	v27 =	vor.u32 $0x1001, v25  }
0x292: {  	v37 =	vor.u32 $0x1003, v25;
	v28 =	vnsel vm3, $0xBF800000, v57;
	v60 =	vmul.f32 $4.000000000e+00, v58  }
0x293: {  	v36 =	vnsel vm3, $0xBF800000, v32;
	v29 =	vadd.f32 v59, v29;
	[tilespmem:$0xE120] =	vst v28;
	v34 =	vmul.f32 $4.000000000e+00, v62  }
0x294: {  	[tilespmem:$0xE220] =	vst v36;
	v26 =	vmul.f32 $4.000000000e+00, v26;
	v31 =	vnsel vm3, $0xC0800000, v60  }
0x295: {  	v29 =	vmul.f32 $4.000000000e+00, v29;
	v38 =	vnsel vm3, $0xC0800000, v34;
	[tilespmem:v61+s1+$0x0] =	vst.idx.msk $0xffff, v31  }
0x296: {  	v26 =	vnsel vm3, $0xC0800000, v26;
	[tilespmem:v27+s1+$0x0] =	vst.idx.msk $0xffff, v38  }
0x297: {  	v27 =	vnsel vm3, $0xC0800000, v29;
	[tilespmem:v63+s1+$0x0] =	vst.idx.msk $0xffff, v26  }
0x298: {  	[tilespmem:v37+s1+$0x0] =	vst.idx.msk $0xffff, v27  }
0x299: {  	v26 =	vld [tilespmem:$0xE030]  }
0x29a: {  	v27 =	vld [tilespmem:$0xE2B0]  }
0x29b: {  	v28 =	vld [tilespmem:$0xE3B0]  }
0x29c: {  	v39 =	vld [tilespmem:$0xE0B0]  }
0x29d: {  	v30 =	vld [tilespmem:$0xE330]  }
0x29e: {  	v31 =	vld [tilespmem:$0xE430]  }
0x29f: {  	v32 =	vld [tilespmem:$0xE230];
	_ =	sdelay $0x1  }
0x2a0: {  	v40 =	vld [tilespmem:$0xE130]  }
0x2a1: {  	v26 =	vadd.f32 v27, v26;
	v27 =	vmul.f32 $5.000000000e-01, v28  }
0x2a2: {  	v44 =	vor.u32 $0x1800, v25;
	v29 =	vadd.f32 v30, v39;
	v42 =	vmul.f32 $5.000000000e-01, v31  }
0x2a3: {  	v46 =	vor.u32 $0x1802, v25;
	vm3 =	vgt.f32 v32, $9.999999770e-03;
	v41 =	vsub.f32 v26, v27  }
0x2a4: {  	v45 =	vsub.f32 v29, v42;
	v26 =	vadd.f32 v27, v26;
	v27 =	vor.u32 $0x1801, v25  }
0x2a5: {  	v48 =	vor.u32 $0x1803, v25;
	v28 =	vnsel vm3, $0xBF800000, v40;
	v43 =	vmul.f32 $4.000000000e+00, v41  }
0x2a6: {  	v47 =	vnsel vm3, $0xBF800000, v32;
	v29 =	vadd.f32 v42, v29;
	[tilespmem:$0xE130] =	vst v28;
	v34 =	vmul.f32 $4.000000000e+00, v45  }
0x2a7: {  	[tilespmem:$0xE230] =	vst v47;
	v26 =	vmul.f32 $4.000000000e+00, v26;
	v31 =	vnsel vm3, $0xC0800000, v43  }
0x2a8: {  	v29 =	vmul.f32 $4.000000000e+00, v29;
	v49 =	vnsel vm3, $0xC0800000, v34;
	[tilespmem:v44+s1+$0x0] =	vst.idx.msk $0xffff, v31  }
0x2a9: {  	v26 =	vnsel vm3, $0xC0800000, v26;
	[tilespmem:v27+s1+$0x0] =	vst.idx.msk $0xffff, v49  }
0x2aa: {  	v27 =	vnsel vm3, $0xC0800000, v29;
	[tilespmem:v46+s1+$0x0] =	vst.idx.msk $0xffff, v26  }
0x2ab: {  	[tilespmem:v48+s1+$0x0] =	vst.idx.msk $0xffff, v27  }
0x2ac: {  	v26 =	vld [tilespmem:$0xE040]  }
0x2ad: {  	v27 =	vld [tilespmem:$0xE2C0]  }
0x2ae: {  	v28 =	vld [tilespmem:$0xE3C0]  }
0x2af: {  	v50 =	vld [tilespmem:$0xE0C0]  }
0x2b0: {  	v30 =	vld [tilespmem:$0xE340]  }
0x2b1: {  	v31 =	vld [tilespmem:$0xE440]  }
0x2b2: {  	v32 =	vld [tilespmem:$0xE240];
	_ =	sdelay $0x1  }
0x2b3: {  	v51 =	vld [tilespmem:$0xE140]  }
0x2b4: {  	v26 =	vadd.f32 v27, v26;
	v27 =	vmul.f32 $5.000000000e-01, v28  }
0x2b5: {  	v55 =	vor.u32 $0x2000, v25;
	v29 =	vadd.f32 v30, v50;
	v53 =	vmul.f32 $5.000000000e-01, v31  }
0x2b6: {  	v57 =	vor.u32 $0x2002, v25;
	vm3 =	vgt.f32 v32, $9.999999770e-03;
	v52 =	vsub.f32 v26, v27  }
0x2b7: {  	v56 =	vsub.f32 v29, v53;
	v26 =	vadd.f32 v27, v26;
	v27 =	vor.u32 $0x2001, v25  }
0x2b8: {  	v59 =	vor.u32 $0x2003, v25;
	v28 =	vnsel vm3, $0xBF800000, v51;
	v54 =	vmul.f32 $4.000000000e+00, v52  }
0x2b9: {  	v58 =	vnsel vm3, $0xBF800000, v32;
	v29 =	vadd.f32 v53, v29;
	[tilespmem:$0xE140] =	vst v28;
	v34 =	vmul.f32 $4.000000000e+00, v56  }
0x2ba: {  	[tilespmem:$0xE240] =	vst v58;
	v26 =	vmul.f32 $4.000000000e+00, v26;
	v31 =	vnsel vm3, $0xC0800000, v54  }
0x2bb: {  	v29 =	vmul.f32 $4.000000000e+00, v29;
	v60 =	vnsel vm3, $0xC0800000, v34;
	[tilespmem:v55+s1+$0x0] =	vst.idx.msk $0xffff, v31  }
0x2bc: {  	v26 =	vnsel vm3, $0xC0800000, v26;
	[tilespmem:v27+s1+$0x0] =	vst.idx.msk $0xffff, v60  }
0x2bd: {  	v27 =	vnsel vm3, $0xC0800000, v29;
	[tilespmem:v57+s1+$0x0] =	vst.idx.msk $0xffff, v26  }
0x2be: {  	[tilespmem:v59+s1+$0x0] =	vst.idx.msk $0xffff, v27  }
0x2bf: {  	v26 =	vld [tilespmem:$0xE050]  }
0x2c0: {  	v27 =	vld [tilespmem:$0xE2D0]  }
0x2c1: {  	v28 =	vld [tilespmem:$0xE3D0]  }
0x2c2: {  	v61 =	vld [tilespmem:$0xE0D0]  }
0x2c3: {  	v30 =	vld [tilespmem:$0xE350]  }
0x2c4: {  	v31 =	vld [tilespmem:$0xE450]  }
0x2c5: {  	v32 =	vld [tilespmem:$0xE250];
	_ =	sdelay $0x1  }
0x2c6: {  	v62 =	vld [tilespmem:$0xE150]  }
0x2c7: {  	v26 =	vadd.f32 v27, v26;
	v27 =	vmul.f32 $5.000000000e-01, v28  }
0x2c8: {  	v38 =	vor.u32 $0x2800, v25;
	v29 =	vadd.f32 v30, v61;
	v36 =	vmul.f32 $5.000000000e-01, v31  }
0x2c9: {  	v40 =	vor.u32 $0x2802, v25;
	vm3 =	vgt.f32 v32, $9.999999770e-03;
	v63 =	vsub.f32 v26, v27  }
0x2ca: {  	v39 =	vsub.f32 v29, v36;
	v26 =	vadd.f32 v27, v26;
	v27 =	vor.u32 $0x2801, v25  }
0x2cb: {  	v42 =	vor.u32 $0x2803, v25;
	v28 =	vnsel vm3, $0xBF800000, v62;
	v37 =	vmul.f32 $4.000000000e+00, v63  }
0x2cc: {  	v41 =	vnsel vm3, $0xBF800000, v32;
	v29 =	vadd.f32 v36, v29;
	[tilespmem:$0xE150] =	vst v28;
	v34 =	vmul.f32 $4.000000000e+00, v39  }
0x2cd: {  	[tilespmem:$0xE250] =	vst v41;
	v26 =	vmul.f32 $4.000000000e+00, v26;
	v31 =	vnsel vm3, $0xC0800000, v37  }
0x2ce: {  	v29 =	vmul.f32 $4.000000000e+00, v29;
	v43 =	vnsel vm3, $0xC0800000, v34;
	[tilespmem:v38+s1+$0x0] =	vst.idx.msk $0xffff, v31  }
0x2cf: {  	v26 =	vnsel vm3, $0xC0800000, v26;
	[tilespmem:v27+s1+$0x0] =	vst.idx.msk $0xffff, v43  }
0x2d0: {  	v27 =	vnsel vm3, $0xC0800000, v29;
	[tilespmem:v40+s1+$0x0] =	vst.idx.msk $0xffff, v26  }
0x2d1: {  	[tilespmem:v42+s1+$0x0] =	vst.idx.msk $0xffff, v27  }
0x2d2: {  	v26 =	vld [tilespmem:$0xE060]  }
0x2d3: {  	v27 =	vld [tilespmem:$0xE2E0]  }
0x2d4: {  	v28 =	vld [tilespmem:$0xE3E0]  }
0x2d5: {  	v44 =	vld [tilespmem:$0xE0E0]  }
0x2d6: {  	v30 =	vld [tilespmem:$0xE360]  }
0x2d7: {  	v31 =	vld [tilespmem:$0xE460]  }
0x2d8: {  	v32 =	vld [tilespmem:$0xE260];
	_ =	sdelay $0x1  }
0x2d9: {  	v45 =	vld [tilespmem:$0xE160]  }
0x2da: {  	v26 =	vadd.f32 v27, v26;
	v27 =	vmul.f32 $5.000000000e-01, v28  }
0x2db: {  	v49 =	vor.u32 $0x3000, v25;
	v29 =	vadd.f32 v30, v44;
	v47 =	vmul.f32 $5.000000000e-01, v31  }
0x2dc: {  	v51 =	vor.u32 $0x3002, v25;
	vm3 =	vgt.f32 v32, $9.999999770e-03;
	v46 =	vsub.f32 v26, v27  }
0x2dd: {  	v50 =	vsub.f32 v29, v47;
	v26 =	vadd.f32 v27, v26;
	v27 =	vor.u32 $0x3001, v25  }
0x2de: {  	v53 =	vor.u32 $0x3003, v25;
	v28 =	vnsel vm3, $0xBF800000, v45;
	v48 =	vmul.f32 $4.000000000e+00, v46  }
0x2df: {  	v52 =	vnsel vm3, $0xBF800000, v32;
	v29 =	vadd.f32 v47, v29;
	[tilespmem:$0xE160] =	vst v28;
	v34 =	vmul.f32 $4.000000000e+00, v50  }
0x2e0: {  	[tilespmem:$0xE260] =	vst v52;
	v26 =	vmul.f32 $4.000000000e+00, v26;
	v31 =	vnsel vm3, $0xC0800000, v48  }
0x2e1: {  	v29 =	vmul.f32 $4.000000000e+00, v29;
	v54 =	vnsel vm3, $0xC0800000, v34;
	[tilespmem:v49+s1+$0x0] =	vst.idx.msk $0xffff, v31  }
0x2e2: {  	v26 =	vnsel vm3, $0xC0800000, v26;
	[tilespmem:v27+s1+$0x0] =	vst.idx.msk $0xffff, v54  }
0x2e3: {  	v27 =	vnsel vm3, $0xC0800000, v29;
	[tilespmem:v51+s1+$0x0] =	vst.idx.msk $0xffff, v26  }
0x2e4: {  	[tilespmem:v53+s1+$0x0] =	vst.idx.msk $0xffff, v27  }
0x2e5: {  	v26 =	vld [tilespmem:$0xE070]  }
0x2e6: {  	v27 =	vld [tilespmem:$0xE2F0]  }
0x2e7: {  	v28 =	vld [tilespmem:$0xE3F0]  }
0x2e8: {  	v55 =	vld [tilespmem:$0xE0F0]  }
0x2e9: {  	v30 =	vld [tilespmem:$0xE370]  }
0x2ea: {  	v31 =	vld [tilespmem:$0xE470]  }
0x2eb: {  	v32 =	vld [tilespmem:$0xE270];
	_ =	sdelay $0x1  }
0x2ec: {  	v56 =	vld [tilespmem:$0xE170]  }
0x2ed: {  	v26 =	vadd.f32 v27, v26;
	v27 =	vmul.f32 $5.000000000e-01, v28  }
0x2ee: {  	v60 =	vor.u32 $0x3800, v25;
	v29 =	vadd.f32 v30, v55;
	v58 =	vmul.f32 $5.000000000e-01, v31  }
0x2ef: {  	v62 =	vor.u32 $0x3802, v25;
	vm3 =	vgt.f32 v32, $9.999999770e-03;
	v57 =	vsub.f32 v26, v27  }
0x2f0: {  	v61 =	vsub.f32 v29, v58;
	v26 =	vadd.f32 v27, v26;
	v27 =	vor.u32 $0x3801, v25  }
0x2f1: {  	v28 =	vnsel vm3, $0xBF800000, v56;
	v32 =	vnsel vm3, $0xBF800000, v32;
	v59 =	vmul.f32 $4.000000000e+00, v57  }
0x2f2: {  	v29 =	vadd.f32 v58, v29;
	[tilespmem:$0xE170] =	vst v28;
	v25 =	vor.u32 $0x3803, v25;
	v63 =	vmul.f32 $4.000000000e+00, v61  }
0x2f3: {  	[tilespmem:$0xE270] =	vst v32;
	v26 =	vmul.f32 $4.000000000e+00, v26;
	v31 =	vnsel vm3, $0xC0800000, v59  }
0x2f4: {  	v29 =	vmul.f32 $4.000000000e+00, v29;
	v28 =	vnsel vm3, $0xC0800000, v63;
	[tilespmem:v60+s1+$0x0] =	vst.idx.msk $0xffff, v31  }
0x2f5: {  	v26 =	vnsel vm3, $0xC0800000, v26;
	[tilespmem:v27+s1+$0x0] =	vst.idx.msk $0xffff, v28  }
0x2f6: {  	v27 =	vnsel vm3, $0xC0800000, v29;
	[tilespmem:v62+s1+$0x0] =	vst.idx.msk $0xffff, v26  }
0x2f7: {  	s26 =	rddreg [dreg:$0x5];
	[tilespmem:v25+s1+$0x0] =	vst.idx.msk $0xffff, v27  }
0x2f8: {  	[hbm4b:s26+s2] =	stream.linear.scatter [tilespmem:s22], [sflag:$0x2], $0x80, $0x38;
	[tilespmem:$0x12480] =	vst v63  }
0x2f9: {  	_ =	swait.ge [sflag:s13], $0x80  }
0x2fa: {  	[sflag:s13] =	ssyncset.done $0x0  }
0x2fb: {  	s28 =	rddreg [dreg:$0x6];
	[sflag:s13] =	ssyncadd.s32 $0xFFFFFF80  }
0x2fc: {  	[hbm4b:s28+s2] =	stream.linear.scatter [tilespmem:s21], [sflag:$0x2], $0x80, $0x38;
	[tilespmem:$0x12480] =	vst v63  }
0x2fd: {  	_ =	swait.ge [sflag:s13], $0x80  }
0x2fe: {  	[sflag:s13] =	ssyncset.done $0x0  }
0x2ff: {  	s30 =	rddreg [dreg:$0x7];
	[sflag:s13] =	ssyncadd.s32 $0xFFFFFF80  }
0x300: {  	[hbm4b:s30+s2] =	stream.linear.scatter [tilespmem:s1], [sflag:$0x2], $0x4000, $0x38;
	[tilespmem:$0x12480] =	vst v63  }
0x301: {  	_ =	swait.ge [sflag:s13], $0x4000  }
0x302: {  	s12 =	sadd.s32 $0x1, s12;
	s31 =	rddreg [dreg:$0x9]  }
0x303: {  	p0 =	sne.s32 s12, s31  }
.Ltmp6:
0x304: {  	_ = 	snop;
	(pc) =	sbr.rel @p0 .LBB2_2-.Ltmp6, $3  }
0x305: {  	_ =	sdelay $0x1  }
0x306: {  	[sflag:s13] =	ssyncset.done $0x0  }
0x307: {  	[sflag:s13] =	ssyncadd.s32 $0xFFFFC000  }
.LBB2_13:
0x308: {  	_ =	sfence.sel $0x180000  }
0x309: {  	[bflag:$0x0] =	sbarrier.arrive $0xFFFF  }
0x30a: {  	_ =	strace $0x90000047  }
0x30b: {  	s0 =	stileid.u32;
	[bflag:$0x2] =	sbarrier.arrive $0xFFFF  }
0x30c: {  	p0 =	sne.s32 s0, $0x0;
	s0 =	rddreg [dreg:$0x3]  }
0x30d: {  	s0 =	sadd.s32 @!p0 $0x100000, s0  }
0x30e: {  	[sflag:s0] =	ssyncadd.tile.s32 @!p0 $0x1;
	_ =	shalt  }
.Lfunc_end2:
_tile_overlayer_lowered:
.L_overlay_start_2:
0x30f: {  	(tag) =	ssettag $0x2  }
0x310: {  	s0 =	rddreg [dreg:$0x0];
	s2 =	stileid.u32  }
0x311: {  	s1 =	rddreg [dreg:$0x1];
	p0 =	sne.s32 s2, $0x0  }
0x312: {  	s3 =	rddreg [dreg:$0x2];
	[bflag:$0x3] =	sbarrier.arrive $0xFFFF;
	s2 =	simm.s32 @!p0 $0x1C02  }
0x313: {  	[timem:s3], [sflag:s2] =	dma.local @!p0 [hbm:s0], s1  }
0x314: {  	s0 =	simm.s32 @!p0 $0x2  }
0x315: {  	_ =	swait.ge @!p0 [sflag:s0], s1  }
0x316: {  	s1 =	ssub.s32 @!p0 $0x0, s1;
	[sflag:s0] =	ssyncset.done @!p0 $0x0  }
0x317: {  	[sflag:s0] =	ssyncadd.s32 @!p0 s1  }
0x318: {  	[bflag:$0x3] =	sbarrier.arrive $0xFFFF  }
0x319: {  	_ =	shalt  }

</sc_bundles>
